<compile_context>
chip_gen: v7x
topology: tpu7x:2x2x1
jax: 0.10.2.dev20260603
libtpu: 0.0.44.dev20260713+nightly
codegen_flags: <defaults>
</compile_context>

<pallas_src>
import jax
import jax.numpy as jnp
from jax import lax
from jax.experimental import pallas as pl
from jax.experimental.pallas import tpu as pltpu
from jax.experimental.pallas import tpu_sc as plsc

B, S = 4, 8192
D = 1024
NC, NS = 2, 16
NW = NC * NS
TOTAL = B * S
PER_W = TOTAL // NW
CHUNK = 16
NCH = PER_W // CHUNK
NBUF = 4
NG = NCH // NBUF


def _body(x_hbm, pe_hbm, out_hbm, idx_v,
          rows0, rows1, rows2, rows3,
          g0, g1, g2, g3, o0, o1, o2, o3):
    rows = (rows0, rows1, rows2, rows3)
    gsem = (g0, g1, g2, g3)
    osem = (o0, o1, o2, o3)
    wid = lax.axis_index("s") * NC + lax.axis_index("c")
    base = wid * PER_W

    pltpu.sync_copy(x_hbm.at[wid], idx_v)

    zeros = jnp.zeros((16,), jnp.float32)

    def gather(c, b):
        pltpu.make_async_copy(pe_hbm.at[idx_v.at[c]], rows[b], gsem[b]).start()

    def gather_wait(c, b):
        pltpu.make_async_copy(pe_hbm.at[idx_v.at[c]], rows[b], gsem[b]).wait()

    GOOD = 0x01010101

    def group_detect(g):
        zs = [jnp.minimum(idx_v[g * NBUF + b, pl.ds(0, 16)], 1)
              for b in range(NBUF)]
        packed = zs[0] | (zs[1] << 8) | (zs[2] << 16) | (zs[3] << 24)
        svals = [packed[l] for l in range(16)]
        flag = svals[0] != GOOD
        for l in range(1, 16):
            flag = jnp.logical_or(flag, svals[l] != GOOD)
        return flag, svals

    def fixup(b, gflag, svals):
        @pl.when(gflag)
        def _slow():
            for r in range(CHUNK):
                @pl.when(((svals[r] >> (8 * b)) & 0xFF) == 0)
                def _zero_row():
                    def zb(j, carry):
                        rows[b][r, pl.ds(j * 16, 16)] = zeros
                        return carry

                    lax.fori_loop(0, D // 16, zb, 0)

    def out_start(c, b):
        dst = out_hbm.at[pl.ds(base + c * CHUNK, CHUNK)]
        pltpu.make_async_copy(rows[b], dst, osem[b]).start()

    def out_wait(b):
        dst = out_hbm.at[pl.ds(base, CHUNK)]
        pltpu.make_async_copy(rows[b], dst, osem[b]).wait()

    for b in range(NBUF - 1):
        gather(b, b)

    def outer(g, carry):
        gflag, svals = group_detect(g)
        for b in range(NBUF):
            c = g * NBUF + b
            gather_wait(c, b)
            fixup(b, gflag, svals)
            out_start(c, b)
            bt = (b + NBUF - 1) % NBUF
            if b == 0:
                @pl.when(g > 0)
                def _w0():
                    out_wait(bt)

                gather(c + NBUF - 1, bt)
            else:
                @pl.when(g < NG - 1)
                def _wn():
                    out_wait(bt)
                    gather(c + NBUF - 1, bt)

        return carry

    lax.fori_loop(0, NG, outer, 0)

    for b in range(NBUF):
        out_wait(b)


@jax.jit
def _sc_embed(x_r, pe):
    mesh = plsc.VectorSubcoreMesh(core_axis_name="c", subcore_axis_name="s")
    return pl.kernel(
        _body,
        out_type=jax.ShapeDtypeStruct((TOTAL, D), jnp.float32),
        mesh=mesh,
        scratch_types=[
            pltpu.VMEM((NCH, CHUNK), jnp.int32),
            pltpu.VMEM((CHUNK, D), jnp.float32),
            pltpu.VMEM((CHUNK, D), jnp.float32),
            pltpu.VMEM((CHUNK, D), jnp.float32),
            pltpu.VMEM((CHUNK, D), jnp.float32),
            pltpu.SemaphoreType.DMA,
            pltpu.SemaphoreType.DMA,
            pltpu.SemaphoreType.DMA,
            pltpu.SemaphoreType.DMA,
            pltpu.SemaphoreType.DMA,
            pltpu.SemaphoreType.DMA,
            pltpu.SemaphoreType.DMA,
            pltpu.SemaphoreType.DMA,
        ],
    )(x_r, pe)


def kernel(x, pe):
    out = _sc_embed(x.reshape(NW, NCH, CHUNK), pe)
    return out.reshape(B, S, D)

# --- scband reference (transcript-rebuilt; emitter-appended) ---
"""Pipeline reference for scband-position-encoding-7516192768958 (READ-ONLY COPY).

The authoritative reference and input builder live on the scoring server;
editing this copy changes nothing except your own understanding.
"""

import jax, jax.numpy as jnp
import numpy as np

MAX_LENGTH = 8192
D_EMB = 1024

def setup_inputs(seed: int = 0) -> dict:
    key = jax.random.key(seed)
    k1, k2 = jax.random.split(key)
    x = jax.random.randint(k1, (4, 8192), 0, MAX_LENGTH + 1, dtype=jnp.int64 if jax.config.jax_enable_x64 else jnp.int32).astype(jnp.int32)
    pe = jax.random.normal(k2, (MAX_LENGTH + 1, D_EMB), dtype=jnp.float32)
    return {"x": x, "pe": pe}

def reference(x, pe):
    # nn.Embedding with padding_idx=0: row 0 is forced to zero
    table = pe.at[0].set(0.0)
    out = jnp.take(table, x, axis=0)
    # dropout is identity in eval mode
    return out

if __name__ == "__main__":
    import jax
    _d = setup_inputs()
    print(jax.jit(kernel)(*tuple(_d.values())))

</pallas_src>

<mosaic_0001>
#map = affine_map<(d0, d1) -> (0, 0, 0)>
#map1 = affine_map<(d0, d1) -> (0, 0)>
module attributes {stable_mosaic.version = 14 : i64} {
  func.func @_body(%arg0: i32, %arg1: i32, %arg2: memref<32x64x16xi32, #tpu.memory_space<hbm>>, %arg3: memref<8193x1024xf32, #tpu.memory_space<hbm>>, %arg4: memref<32768x1024xf32, #tpu.memory_space<hbm>>, %arg5: memref<64x16xi32, #tpu.memory_space<vmem>>, %arg6: memref<16x1024xf32, #tpu.memory_space<vmem>>, %arg7: memref<16x1024xf32, #tpu.memory_space<vmem>>, %arg8: memref<16x1024xf32, #tpu.memory_space<vmem>>, %arg9: memref<16x1024xf32, #tpu.memory_space<vmem>>, %arg10: memref<!tpu.dma_semaphore, #tpu.memory_space<semaphore_mem>>, %arg11: memref<!tpu.dma_semaphore, #tpu.memory_space<semaphore_mem>>, %arg12: memref<!tpu.dma_semaphore, #tpu.memory_space<semaphore_mem>>, %arg13: memref<!tpu.dma_semaphore, #tpu.memory_space<semaphore_mem>>, %arg14: memref<!tpu.dma_semaphore, #tpu.memory_space<semaphore_mem>>, %arg15: memref<!tpu.dma_semaphore, #tpu.memory_space<semaphore_mem>>, %arg16: memref<!tpu.dma_semaphore, #tpu.memory_space<semaphore_mem>>, %arg17: memref<!tpu.dma_semaphore, #tpu.memory_space<semaphore_mem>>) attributes {dimension_semantics = [#tpu.dimension_semantics<core_parallel>, #tpu.dimension_semantics<subcore_parallel>], iteration_bounds = array<i64: 2, 16>, scalar_prefetch = 0 : i64, scratch_operands = 13 : i64, tpu.core_type = #tpu.core_type<sc_vector_subcore>, window_params = [{transform_indices = #map}, {transform_indices = #map1}, {transform_indices = #map1}]} {
    %mul3A = arith.constant 2 : i32
    %mul3A_0 = arith.muli %arg1, %mul3A : i32
    %add3A = arith.addi %mul3A_0, %arg0 : i32
    %mul3A_1 = arith.constant 1024 : i32
    %mul3A_2 = arith.muli %add3A, %mul3A_1 : i32
    "tpu.region"() ({
      %run_scoped3A = tpu.sem_alloc : memref<!tpu.dma_semaphore, #tpu.memory_space<semaphore_mem>>
      %dma_start3A_44 = arith.constant 0 : i32
      %dma_start3A_45 = arith.constant 0 : i32
      %dma_start3A_46 = tpu.memref_slice %arg2[%add3A, %dma_start3A_44, %dma_start3A_45] : memref<32x64x16xi32, #tpu.memory_space<hbm>> -> memref<1x64x16xi32, #tpu.memory_space<hbm>>
      %dma_start3A_47 = tpu.memref_squeeze %dma_start3A_46 : memref<1x64x16xi32, #tpu.memory_space<hbm>> -> memref<64x16xi32, #tpu.memory_space<hbm>>
      %dma_start3A_48 = arith.constant 0 : i32
      %dma_start3A_49 = arith.constant 0 : i32
      %dma_start3A_50 = tpu.memref_slice %arg2[%add3A, %dma_start3A_48, %dma_start3A_49] : memref<32x64x16xi32, #tpu.memory_space<hbm>> -> memref<1x64x16xi32, #tpu.memory_space<hbm>>
      %dma_start3A_51 = tpu.memref_squeeze %dma_start3A_50 : memref<1x64x16xi32, #tpu.memory_space<hbm>> -> memref<64x16xi32, #tpu.memory_space<hbm>>
      tpu.enqueue_dma source(%dma_start3A_51 : memref<64x16xi32, #tpu.memory_space<hbm>>) target(%arg5 : memref<64x16xi32, #tpu.memory_space<vmem>>) target_semaphore(%run_scoped3A : memref<!tpu.dma_semaphore, #tpu.memory_space<semaphore_mem>>)
      %dma_wait3A_52 = arith.constant 0 : i32
      %dma_wait3A_53 = arith.constant 0 : i32
      %dma_wait3A_54 = tpu.memref_slice %arg2[%add3A, %dma_wait3A_52, %dma_wait3A_53] : memref<32x64x16xi32, #tpu.memory_space<hbm>> -> memref<1x64x16xi32, #tpu.memory_space<hbm>>
      %dma_wait3A_55 = tpu.memref_squeeze %dma_wait3A_54 : memref<1x64x16xi32, #tpu.memory_space<hbm>> -> memref<64x16xi32, #tpu.memory_space<hbm>>
      %dma_wait3A_56 = arith.constant 0 : i32
      %dma_wait3A_57 = arith.constant 0 : i32
      %dma_wait3A_58 = tpu.memref_slice %arg2[%add3A, %dma_wait3A_56, %dma_wait3A_57] : memref<32x64x16xi32, #tpu.memory_space<hbm>> -> memref<1x64x16xi32, #tpu.memory_space<hbm>>
      %dma_wait3A_59 = tpu.memref_squeeze %dma_wait3A_58 : memref<1x64x16xi32, #tpu.memory_space<hbm>> -> memref<64x16xi32, #tpu.memory_space<hbm>>
      tpu.wait_dma2 semaphore(%run_scoped3A : memref<!tpu.dma_semaphore, #tpu.memory_space<semaphore_mem>>) src(%dma_wait3A_59 : memref<64x16xi32, #tpu.memory_space<hbm>>) dst(%arg5 : memref<64x16xi32, #tpu.memory_space<vmem>>)
      tpu.yield
    }) : () -> ()
    %broadcast_in_dim3A = arith.constant 0.000000e+00 : f32
    %broadcast_in_dim3A_3 = vector.broadcast %broadcast_in_dim3A : f32 to vector<16xf32>
    %dma_start3A = arith.constant 0 : i32
    %dma_start3A_4 = arith.constant 0 : i32
    %dma_start3A_5 = tpu.memref_slice %arg5[%dma_start3A, %dma_start3A_4] : memref<64x16xi32, #tpu.memory_space<vmem>> -> memref<1x16xi32, #tpu.memory_space<vmem>>
    %dma_start3A_6 = tpu.memref_squeeze %dma_start3A_5 : memref<1x16xi32, #tpu.memory_space<vmem>> -> memref<16xi32, #tpu.memory_space<vmem>>
    %dma_start3A_7 = arith.constant 0 : i32
    %dma_start3A_8 = arith.constant 0 : i32
    %dma_start3A_9 = tpu.memref_slice %arg3[%dma_start3A_7, %dma_start3A_8] : memref<8193x1024xf32, #tpu.memory_space<hbm>> -> memref<8193x1024xf32, #tpu.memory_space<hbm>>
    tpu.enqueue_indirect_dma source(%dma_start3A_9 : memref<8193x1024xf32, #tpu.memory_space<hbm>>) target(%arg6 : memref<16x1024xf32, #tpu.memory_space<vmem>>) offsets(%dma_start3A_6 : memref<16xi32, #tpu.memory_space<vmem>>) semaphore(%arg10 : memref<!tpu.dma_semaphore, #tpu.memory_space<semaphore_mem>>)
    %dma_start3A_10 = arith.constant 1 : i32
    %dma_start3A_11 = arith.constant 0 : i32
    %dma_start3A_12 = tpu.memref_slice %arg5[%dma_start3A_10, %dma_start3A_11] : memref<64x16xi32, #tpu.memory_space<vmem>> -> memref<1x16xi32, #tpu.memory_space<vmem>>
    %dma_start3A_13 = tpu.memref_squeeze %dma_start3A_12 : memref<1x16xi32, #tpu.memory_space<vmem>> -> memref<16xi32, #tpu.memory_space<vmem>>
    %dma_start3A_14 = arith.constant 0 : i32
    %dma_start3A_15 = arith.constant 0 : i32
    %dma_start3A_16 = tpu.memref_slice %arg3[%dma_start3A_14, %dma_start3A_15] : memref<8193x1024xf32, #tpu.memory_space<hbm>> -> memref<8193x1024xf32, #tpu.memory_space<hbm>>
    tpu.enqueue_indirect_dma source(%dma_start3A_16 : memref<8193x1024xf32, #tpu.memory_space<hbm>>) target(%arg7 : memref<16x1024xf32, #tpu.memory_space<vmem>>) offsets(%dma_start3A_13 : memref<16xi32, #tpu.memory_space<vmem>>) semaphore(%arg11 : memref<!tpu.dma_semaphore, #tpu.memory_space<semaphore_mem>>)
    %dma_start3A_17 = arith.constant 2 : i32
    %dma_start3A_18 = arith.constant 0 : i32
    %dma_start3A_19 = tpu.memref_slice %arg5[%dma_start3A_17, %dma_start3A_18] : memref<64x16xi32, #tpu.memory_space<vmem>> -> memref<1x16xi32, #tpu.memory_space<vmem>>
    %dma_start3A_20 = tpu.memref_squeeze %dma_start3A_19 : memref<1x16xi32, #tpu.memory_space<vmem>> -> memref<16xi32, #tpu.memory_space<vmem>>
    %dma_start3A_21 = arith.constant 0 : i32
    %dma_start3A_22 = arith.constant 0 : i32
    %dma_start3A_23 = tpu.memref_slice %arg3[%dma_start3A_21, %dma_start3A_22] : memref<8193x1024xf32, #tpu.memory_space<hbm>> -> memref<8193x1024xf32, #tpu.memory_space<hbm>>
    tpu.enqueue_indirect_dma source(%dma_start3A_23 : memref<8193x1024xf32, #tpu.memory_space<hbm>>) target(%arg8 : memref<16x1024xf32, #tpu.memory_space<vmem>>) offsets(%dma_start3A_20 : memref<16xi32, #tpu.memory_space<vmem>>) semaphore(%arg12 : memref<!tpu.dma_semaphore, #tpu.memory_space<semaphore_mem>>)
    %scan3A = arith.constant 0 : i32
    %scan3A_24 = arith.constant 0 : i32
    %scan3A_25 = arith.constant 16 : i32
    %scan3A_26 = arith.addi %scan3A_24, %scan3A_25 : i32
    %scan3A_27 = arith.constant 1 : i32
    scf.for %scan3A_44 = %scan3A_24 to %scan3A_26 step %scan3A_27  : i32 {
      %mul3A_45 = arith.constant 4 : i32
      %mul3A_46 = arith.muli %scan3A_44, %mul3A_45 : i32
      %add3A_47 = arith.constant 0 : i32
      %add3A_48 = arith.addi %mul3A_46, %add3A_47 : i32
      %get3A = arith.index_cast %add3A_48 : i32 to index
      %get3A_49 = arith.constant 0 : index
      %get3A_50 = tpu.vector_load %arg5[%get3A, %get3A_49] {strides = array<i32>} : memref<64x16xi32, #tpu.memory_space<vmem>>, vector<1x16xi32>,
      %get3A_51 = vector.shape_cast %get3A_50 : vector<1x16xi32> to vector<16xi32>
      %min3A = arith.constant 1 : i32
      %min3A_52 = vector.broadcast %min3A : i32 to vector<16xi32>
      %min3A_53 = arith.minsi %get3A_51, %min3A_52 : vector<16xi32>
      %mul3A_54 = arith.constant 4 : i32
      %mul3A_55 = arith.muli %scan3A_44, %mul3A_54 : i32
      %add3A_56 = arith.constant 1 : i32
      %add3A_57 = arith.addi %mul3A_55, %add3A_56 : i32
      %get3A_58 = arith.index_cast %add3A_57 : i32 to index
      %get3A_59 = arith.constant 0 : index
      %get3A_60 = tpu.vector_load %arg5[%get3A_58, %get3A_59] {strides = array<i32>} : memref<64x16xi32, #tpu.memory_space<vmem>>, vector<1x16xi32>,
      %get3A_61 = vector.shape_cast %get3A_60 : vector<1x16xi32> to vector<16xi32>
      %min3A_62 = arith.constant 1 : i32
      %min3A_63 = vector.broadcast %min3A_62 : i32 to vector<16xi32>
      %min3A_64 = arith.minsi %get3A_61, %min3A_63 : vector<16xi32>
      %mul3A_65 = arith.constant 4 : i32
      %mul3A_66 = arith.muli %scan3A_44, %mul3A_65 : i32
      %add3A_67 = arith.constant 2 : i32
      %add3A_68 = arith.addi %mul3A_66, %add3A_67 : i32
      %get3A_69 = arith.index_cast %add3A_68 : i32 to index
      %get3A_70 = arith.constant 0 : index
      %get3A_71 = tpu.vector_load %arg5[%get3A_69, %get3A_70] {strides = array<i32>} : memref<64x16xi32, #tpu.memory_space<vmem>>, vector<1x16xi32>,
      %get3A_72 = vector.shape_cast %get3A_71 : vector<1x16xi32> to vector<16xi32>
      %min3A_73 = arith.constant 1 : i32
      %min3A_74 = vector.broadcast %min3A_73 : i32 to vector<16xi32>
      %min3A_75 = arith.minsi %get3A_72, %min3A_74 : vector<16xi32>
      %mul3A_76 = arith.constant 4 : i32
      %mul3A_77 = arith.muli %scan3A_44, %mul3A_76 : i32
      %add3A_78 = arith.constant 3 : i32
      %add3A_79 = arith.addi %mul3A_77, %add3A_78 : i32
      %get3A_80 = arith.index_cast %add3A_79 : i32 to index
      %get3A_81 = arith.constant 0 : index
      %get3A_82 = tpu.vector_load %arg5[%get3A_80, %get3A_81] {strides = array<i32>} : memref<64x16xi32, #tpu.memory_space<vmem>>, vector<1x16xi32>,
      %get3A_83 = vector.shape_cast %get3A_82 : vector<1x16xi32> to vector<16xi32>
      %min3A_84 = arith.constant 1 : i32
      %min3A_85 = vector.broadcast %min3A_84 : i32 to vector<16xi32>
      %min3A_86 = arith.minsi %get3A_83, %min3A_85 : vector<16xi32>
      %shift_left3A = arith.constant 8 : i32
      %shift_left3A_87 = vector.broadcast %shift_left3A : i32 to vector<16xi32>
      %shift_left3A_88 = arith.shli %min3A_64, %shift_left3A_87 : vector<16xi32>
      %or3A = arith.ori %min3A_53, %shift_left3A_88 : vector<16xi32>
      %shift_left3A_89 = arith.constant 16 : i32
      %shift_left3A_90 = vector.broadcast %shift_left3A_89 : i32 to vector<16xi32>
      %shift_left3A_91 = arith.shli %min3A_75, %shift_left3A_90 : vector<16xi32>
      %or3A_92 = arith.ori %or3A, %shift_left3A_91 : vector<16xi32>
      %shift_left3A_93 = arith.constant 24 : i32
      %shift_left3A_94 = vector.broadcast %shift_left3A_93 : i32 to vector<16xi32>
      %shift_left3A_95 = arith.shli %min3A_86, %shift_left3A_94 : vector<16xi32>
      %or3A_96 = arith.ori %or3A_92, %shift_left3A_95 : vector<16xi32>
      %slice3A = vector.extract_strided_slice %or3A_96 {offsets = [0], sizes = [1], strides = [1]} : vector<16xi32> to vector<1xi32>
      %squeeze3A = vector.extract %slice3A[0] : i32 from vector<1xi32>
      %slice3A_97 = vector.extract_strided_slice %or3A_96 {offsets = [1], sizes = [1], strides = [1]} : vector<16xi32> to vector<1xi32>
      %squeeze3A_98 = vector.extract %slice3A_97[0] : i32 from vector<1xi32>
      %slice3A_99 = vector.extract_strided_slice %or3A_96 {offsets = [2], sizes = [1], strides = [1]} : vector<16xi32> to vector<1xi32>
      %squeeze3A_100 = vector.extract %slice3A_99[0] : i32 from vector<1xi32>
      %slice3A_101 = vector.extract_strided_slice %or3A_96 {offsets = [3], sizes = [1], strides = [1]} : vector<16xi32> to vector<1xi32>
      %squeeze3A_102 = vector.extract %slice3A_101[0] : i32 from vector<1xi32>
      %slice3A_103 = vector.extract_strided_slice %or3A_96 {offsets = [4], sizes = [1], strides = [1]} : vector<16xi32> to vector<1xi32>
      %squeeze3A_104 = vector.extract %slice3A_103[0] : i32 from vector<1xi32>
      %slice3A_105 = vector.extract_strided_slice %or3A_96 {offsets = [5], sizes = [1], strides = [1]} : vector<16xi32> to vector<1xi32>
      %squeeze3A_106 = vector.extract %slice3A_105[0] : i32 from vector<1xi32>
      %slice3A_107 = vector.extract_strided_slice %or3A_96 {offsets = [6], sizes = [1], strides = [1]} : vector<16xi32> to vector<1xi32>
      %squeeze3A_108 = vector.extract %slice3A_107[0] : i32 from vector<1xi32>
      %slice3A_109 = vector.extract_strided_slice %or3A_96 {offsets = [7], sizes = [1], strides = [1]} : vector<16xi32> to vector<1xi32>
      %squeeze3A_110 = vector.extract %slice3A_109[0] : i32 from vector<1xi32>
      %slice3A_111 = vector.extract_strided_slice %or3A_96 {offsets = [8], sizes = [1], strides = [1]} : vector<16xi32> to vector<1xi32>
      %squeeze3A_112 = vector.extract %slice3A_111[0] : i32 from vector<1xi32>
      %slice3A_113 = vector.extract_strided_slice %or3A_96 {offsets = [9], sizes = [1], strides = [1]} : vector<16xi32> to vector<1xi32>
      %squeeze3A_114 = vector.extract %slice3A_113[0] : i32 from vector<1xi32>
      %slice3A_115 = vector.extract_strided_slice %or3A_96 {offsets = [10], sizes = [1], strides = [1]} : vector<16xi32> to vector<1xi32>
      %squeeze3A_116 = vector.extract %slice3A_115[0] : i32 from vector<1xi32>
      %slice3A_117 = vector.extract_strided_slice %or3A_96 {offsets = [11], sizes = [1], strides = [1]} : vector<16xi32> to vector<1xi32>
      %squeeze3A_118 = vector.extract %slice3A_117[0] : i32 from vector<1xi32>
      %slice3A_119 = vector.extract_strided_slice %or3A_96 {offsets = [12], sizes = [1], strides = [1]} : vector<16xi32> to vector<1xi32>
      %squeeze3A_120 = vector.extract %slice3A_119[0] : i32 from vector<1xi32>
      %slice3A_121 = vector.extract_strided_slice %or3A_96 {offsets = [13], sizes = [1], strides = [1]} : vector<16xi32> to vector<1xi32>
      %squeeze3A_122 = vector.extract %slice3A_121[0] : i32 from vector<1xi32>
      %slice3A_123 = vector.extract_strided_slice %or3A_96 {offsets = [14], sizes = [1], strides = [1]} : vector<16xi32> to vector<1xi32>
      %squeeze3A_124 = vector.extract %slice3A_123[0] : i32 from vector<1xi32>
      %slice3A_125 = vector.extract_strided_slice %or3A_96 {offsets = [15], sizes = [1], strides = [1]} : vector<16xi32> to vector<1xi32>
      %squeeze3A_126 = vector.extract %slice3A_125[0] : i32 from vector<1xi32>
      %ne3A = arith.constant 16843009 : i32
      %ne3A_127 = arith.cmpi ne, %squeeze3A, %ne3A : i32
      %ne3A_128 = arith.constant 16843009 : i32
      %ne3A_129 = arith.cmpi ne, %squeeze3A_98, %ne3A_128 : i32
      %or3A_130 = arith.ori %ne3A_127, %ne3A_129 : i1
      %ne3A_131 = arith.constant 16843009 : i32
      %ne3A_132 = arith.cmpi ne, %squeeze3A_100, %ne3A_131 : i32
      %or3A_133 = arith.ori %or3A_130, %ne3A_132 : i1
      %ne3A_134 = arith.constant 16843009 : i32
      %ne3A_135 = arith.cmpi ne, %squeeze3A_102, %ne3A_134 : i32
      %or3A_136 = arith.ori %or3A_133, %ne3A_135 : i1
      %ne3A_137 = arith.constant 16843009 : i32
      %ne3A_138 = arith.cmpi ne, %squeeze3A_104, %ne3A_137 : i32
      %or3A_139 = arith.ori %or3A_136, %ne3A_138 : i1
      %ne3A_140 = arith.constant 16843009 : i32
      %ne3A_141 = arith.cmpi ne, %squeeze3A_106, %ne3A_140 : i32
      %or3A_142 = arith.ori %or3A_139, %ne3A_141 : i1
      %ne3A_143 = arith.constant 16843009 : i32
      %ne3A_144 = arith.cmpi ne, %squeeze3A_108, %ne3A_143 : i32
      %or3A_145 = arith.ori %or3A_142, %ne3A_144 : i1
      %ne3A_146 = arith.constant 16843009 : i32
      %ne3A_147 = arith.cmpi ne, %squeeze3A_110, %ne3A_146 : i32
      %or3A_148 = arith.ori %or3A_145, %ne3A_147 : i1
      %ne3A_149 = arith.constant 16843009 : i32
      %ne3A_150 = arith.cmpi ne, %squeeze3A_112, %ne3A_149 : i32
      %or3A_151 = arith.ori %or3A_148, %ne3A_150 : i1
      %ne3A_152 = arith.constant 16843009 : i32
      %ne3A_153 = arith.cmpi ne, %squeeze3A_114, %ne3A_152 : i32
      %or3A_154 = arith.ori %or3A_151, %ne3A_153 : i1
      %ne3A_155 = arith.constant 16843009 : i32
      %ne3A_156 = arith.cmpi ne, %squeeze3A_116, %ne3A_155 : i32
      %or3A_157 = arith.ori %or3A_154, %ne3A_156 : i1
      %ne3A_158 = arith.constant 16843009 : i32
      %ne3A_159 = arith.cmpi ne, %squeeze3A_118, %ne3A_158 : i32
      %or3A_160 = arith.ori %or3A_157, %ne3A_159 : i1
      %ne3A_161 = arith.constant 16843009 : i32
      %ne3A_162 = arith.cmpi ne, %squeeze3A_120, %ne3A_161 : i32
      %or3A_163 = arith.ori %or3A_160, %ne3A_162 : i1
      %ne3A_164 = arith.constant 16843009 : i32
      %ne3A_165 = arith.cmpi ne, %squeeze3A_122, %ne3A_164 : i32
      %or3A_166 = arith.ori %or3A_163, %ne3A_165 : i1
      %ne3A_167 = arith.constant 16843009 : i32
      %ne3A_168 = arith.cmpi ne, %squeeze3A_124, %ne3A_167 : i32
      %or3A_169 = arith.ori %or3A_166, %ne3A_168 : i1
      %ne3A_170 = arith.constant 16843009 : i32
      %ne3A_171 = arith.cmpi ne, %squeeze3A_126, %ne3A_170 : i32
      %or3A_172 = arith.ori %or3A_169, %ne3A_171 : i1
      %mul3A_173 = arith.constant 4 : i32
      %mul3A_174 = arith.muli %scan3A_44, %mul3A_173 : i32
      %add3A_175 = arith.constant 0 : i32
      %add3A_176 = arith.addi %mul3A_174, %add3A_175 : i32
      %dma_wait3A_177 = arith.constant 0 : i32
      %dma_wait3A_178 = tpu.memref_slice %arg5[%add3A_176, %dma_wait3A_177] : memref<64x16xi32, #tpu.memory_space<vmem>> -> memref<1x16xi32, #tpu.memory_space<vmem>>
      %dma_wait3A_179 = tpu.memref_squeeze %dma_wait3A_178 : memref<1x16xi32, #tpu.memory_space<vmem>> -> memref<16xi32, #tpu.memory_space<vmem>>
      %dma_wait3A_180 = arith.constant 0 : i32
      %dma_wait3A_181 = arith.constant 0 : i32
      %dma_wait3A_182 = tpu.memref_slice %arg3[%dma_wait3A_180, %dma_wait3A_181] : memref<8193x1024xf32, #tpu.memory_space<hbm>> -> memref<8193x1024xf32, #tpu.memory_space<hbm>>
      tpu.wait_indirect_dma semaphore(%arg10 : memref<!tpu.dma_semaphore, #tpu.memory_space<semaphore_mem>>) src(%dma_wait3A_182 : memref<8193x1024xf32, #tpu.memory_space<hbm>>) dst(%arg6 : memref<16x1024xf32, #tpu.memory_space<vmem>>)
      %convert_element_type3A = arith.extui %or3A_172 : i1 to i32
      %cond3A = arith.constant 0 : i32
      %cond3A_183 = arith.cmpi ne, %convert_element_type3A, %cond3A : i32
      scf.if %cond3A_183 {
        %shift_right_arithmetic3A = arith.constant 0 : i32
        %shift_right_arithmetic3A_278 = arith.shrsi %squeeze3A, %shift_right_arithmetic3A : i32
        %and3A = arith.constant 255 : i32
        %and3A_279 = arith.andi %shift_right_arithmetic3A_278, %and3A : i32
        %eq3A = arith.constant 0 : i32
        %eq3A_280 = arith.cmpi eq, %and3A_279, %eq3A : i32
        %convert_element_type3A_281 = arith.extui %eq3A_280 : i1 to i32
        %cond3A_282 = arith.constant 0 : i32
        %cond3A_283 = arith.cmpi ne, %convert_element_type3A_281, %cond3A_282 : i32
        scf.if %cond3A_283 {
          %scan3A_419 = arith.constant 0 : i32
          %scan3A_420 = arith.constant 0 : i32
          %scan3A_421 = arith.constant 64 : i32
          %scan3A_422 = arith.addi %scan3A_420, %scan3A_421 : i32
          %scan3A_423 = arith.constant 1 : i32
          scf.for %scan3A_425 = %scan3A_420 to %scan3A_422 step %scan3A_423  : i32 {
            %mul3A_426 = arith.constant 16 : i32
            %mul3A_427 = arith.muli %scan3A_425, %mul3A_426 : i32
            %swap3A = arith.constant 0 : i32
            %swap3A_428 = arith.index_cast %swap3A : i32 to index
            %swap3A_429 = arith.index_cast %mul3A_427 : i32 to index
            %swap3A_430 = tpu.vector_load %arg6[%swap3A_428, %swap3A_429] {strides = array<i32>} : memref<16x1024xf32, #tpu.memory_space<vmem>>, vector<1x16xf32>,
            %swap3A_431 = vector.shape_cast %swap3A_430 : vector<1x16xf32> to vector<16xf32>
            %swap3A_432 = vector.shape_cast %broadcast_in_dim3A_3 : vector<16xf32> to vector<1x16xf32>
            tpu.vector_store %arg6[%swap3A_428, %swap3A_429], %swap3A_432 {strides = array<i32>} : memref<16x1024xf32, #tpu.memory_space<vmem>>, vector<1x16xf32>,
          }
          %scan3A_424 = arith.constant 64 : i32
        } else {
        }
        %shift_right_arithmetic3A_284 = arith.constant 0 : i32
        %shift_right_arithmetic3A_285 = arith.shrsi %squeeze3A_98, %shift_right_arithmetic3A_284 : i32
        %and3A_286 = arith.constant 255 : i32
        %and3A_287 = arith.andi %shift_right_arithmetic3A_285, %and3A_286 : i32
        %eq3A_288 = arith.constant 0 : i32
        %eq3A_289 = arith.cmpi eq, %and3A_287, %eq3A_288 : i32
        %convert_element_type3A_290 = arith.extui %eq3A_289 : i1 to i32
        %cond3A_291 = arith.constant 0 : i32
        %cond3A_292 = arith.cmpi ne, %convert_element_type3A_290, %cond3A_291 : i32
        scf.if %cond3A_292 {
          %scan3A_419 = arith.constant 0 : i32
          %scan3A_420 = arith.constant 0 : i32
          %scan3A_421 = arith.constant 64 : i32
          %scan3A_422 = arith.addi %scan3A_420, %scan3A_421 : i32
          %scan3A_423 = arith.constant 1 : i32
          scf.for %scan3A_425 = %scan3A_420 to %scan3A_422 step %scan3A_423  : i32 {
            %mul3A_426 = arith.constant 16 : i32
            %mul3A_427 = arith.muli %scan3A_425, %mul3A_426 : i32
            %swap3A = arith.constant 1 : i32
            %swap3A_428 = arith.index_cast %swap3A : i32 to index
            %swap3A_429 = arith.index_cast %mul3A_427 : i32 to index
            %swap3A_430 = tpu.vector_load %arg6[%swap3A_428, %swap3A_429] {strides = array<i32>} : memref<16x1024xf32, #tpu.memory_space<vmem>>, vector<1x16xf32>,
            %swap3A_431 = vector.shape_cast %swap3A_430 : vector<1x16xf32> to vector<16xf32>
            %swap3A_432 = vector.shape_cast %broadcast_in_dim3A_3 : vector<16xf32> to vector<1x16xf32>
            tpu.vector_store %arg6[%swap3A_428, %swap3A_429], %swap3A_432 {strides = array<i32>} : memref<16x1024xf32, #tpu.memory_space<vmem>>, vector<1x16xf32>,
          }
          %scan3A_424 = arith.constant 64 : i32
        } else {
        }
        %shift_right_arithmetic3A_293 = arith.constant 0 : i32
        %shift_right_arithmetic3A_294 = arith.shrsi %squeeze3A_100, %shift_right_arithmetic3A_293 : i32
        %and3A_295 = arith.constant 255 : i32
        %and3A_296 = arith.andi %shift_right_arithmetic3A_294, %and3A_295 : i32
        %eq3A_297 = arith.constant 0 : i32
        %eq3A_298 = arith.cmpi eq, %and3A_296, %eq3A_297 : i32
        %convert_element_type3A_299 = arith.extui %eq3A_298 : i1 to i32
        %cond3A_300 = arith.constant 0 : i32
        %cond3A_301 = arith.cmpi ne, %convert_element_type3A_299, %cond3A_300 : i32
        scf.if %cond3A_301 {
          %scan3A_419 = arith.constant 0 : i32
          %scan3A_420 = arith.constant 0 : i32
          %scan3A_421 = arith.constant 64 : i32
          %scan3A_422 = arith.addi %scan3A_420, %scan3A_421 : i32
          %scan3A_423 = arith.constant 1 : i32
          scf.for %scan3A_425 = %scan3A_420 to %scan3A_422 step %scan3A_423  : i32 {
            %mul3A_426 = arith.constant 16 : i32
            %mul3A_427 = arith.muli %scan3A_425, %mul3A_426 : i32
            %swap3A = arith.constant 2 : i32
            %swap3A_428 = arith.index_cast %swap3A : i32 to index
            %swap3A_429 = arith.index_cast %mul3A_427 : i32 to index
            %swap3A_430 = tpu.vector_load %arg6[%swap3A_428, %swap3A_429] {strides = array<i32>} : memref<16x1024xf32, #tpu.memory_space<vmem>>, vector<1x16xf32>,
            %swap3A_431 = vector.shape_cast %swap3A_430 : vector<1x16xf32> to vector<16xf32>
            %swap3A_432 = vector.shape_cast %broadcast_in_dim3A_3 : vector<16xf32> to vector<1x16xf32>
            tpu.vector_store %arg6[%swap3A_428, %swap3A_429], %swap3A_432 {strides = array<i32>} : memref<16x1024xf32, #tpu.memory_space<vmem>>, vector<1x16xf32>,
          }
          %scan3A_424 = arith.constant 64 : i32
        } else {
        }
        %shift_right_arithmetic3A_302 = arith.constant 0 : i32
        %shift_right_arithmetic3A_303 = arith.shrsi %squeeze3A_102, %shift_right_arithmetic3A_302 : i32
        %and3A_304 = arith.constant 255 : i32
        %and3A_305 = arith.andi %shift_right_arithmetic3A_303, %and3A_304 : i32
        %eq3A_306 = arith.constant 0 : i32
        %eq3A_307 = arith.cmpi eq, %and3A_305, %eq3A_306 : i32
        %convert_element_type3A_308 = arith.extui %eq3A_307 : i1 to i32
        %cond3A_309 = arith.constant 0 : i32
        %cond3A_310 = arith.cmpi ne, %convert_element_type3A_308, %cond3A_309 : i32
        scf.if %cond3A_310 {
          %scan3A_419 = arith.constant 0 : i32
          %scan3A_420 = arith.constant 0 : i32
          %scan3A_421 = arith.constant 64 : i32
          %scan3A_422 = arith.addi %scan3A_420, %scan3A_421 : i32
          %scan3A_423 = arith.constant 1 : i32
          scf.for %scan3A_425 = %scan3A_420 to %scan3A_422 step %scan3A_423  : i32 {
            %mul3A_426 = arith.constant 16 : i32
            %mul3A_427 = arith.muli %scan3A_425, %mul3A_426 : i32
            %swap3A = arith.constant 3 : i32
            %swap3A_428 = arith.index_cast %swap3A : i32 to index
            %swap3A_429 = arith.index_cast %mul3A_427 : i32 to index
            %swap3A_430 = tpu.vector_load %arg6[%swap3A_428, %swap3A_429] {strides = array<i32>} : memref<16x1024xf32, #tpu.memory_space<vmem>>, vector<1x16xf32>,
            %swap3A_431 = vector.shape_cast %swap3A_430 : vector<1x16xf32> to vector<16xf32>
            %swap3A_432 = vector.shape_cast %broadcast_in_dim3A_3 : vector<16xf32> to vector<1x16xf32>
            tpu.vector_store %arg6[%swap3A_428, %swap3A_429], %swap3A_432 {strides = array<i32>} : memref<16x1024xf32, #tpu.memory_space<vmem>>, vector<1x16xf32>,
          }
          %scan3A_424 = arith.constant 64 : i32
        } else {
        }
        %shift_right_arithmetic3A_311 = arith.constant 0 : i32
        %shift_right_arithmetic3A_312 = arith.shrsi %squeeze3A_104, %shift_right_arithmetic3A_311 : i32
        %and3A_313 = arith.constant 255 : i32
        %and3A_314 = arith.andi %shift_right_arithmetic3A_312, %and3A_313 : i32
        %eq3A_315 = arith.constant 0 : i32
        %eq3A_316 = arith.cmpi eq, %and3A_314, %eq3A_315 : i32
        %convert_element_type3A_317 = arith.extui %eq3A_316 : i1 to i32
        %cond3A_318 = arith.constant 0 : i32
        %cond3A_319 = arith.cmpi ne, %convert_element_type3A_317, %cond3A_318 : i32
        scf.if %cond3A_319 {
          %scan3A_419 = arith.constant 0 : i32
          %scan3A_420 = arith.constant 0 : i32
          %scan3A_421 = arith.constant 64 : i32
          %scan3A_422 = arith.addi %scan3A_420, %scan3A_421 : i32
          %scan3A_423 = arith.constant 1 : i32
          scf.for %scan3A_425 = %scan3A_420 to %scan3A_422 step %scan3A_423  : i32 {
            %mul3A_426 = arith.constant 16 : i32
            %mul3A_427 = arith.muli %scan3A_425, %mul3A_426 : i32
            %swap3A = arith.constant 4 : i32
            %swap3A_428 = arith.index_cast %swap3A : i32 to index
            %swap3A_429 = arith.index_cast %mul3A_427 : i32 to index
            %swap3A_430 = tpu.vector_load %arg6[%swap3A_428, %swap3A_429] {strides = array<i32>} : memref<16x1024xf32, #tpu.memory_space<vmem>>, vector<1x16xf32>,
            %swap3A_431 = vector.shape_cast %swap3A_430 : vector<1x16xf32> to vector<16xf32>
            %swap3A_432 = vector.shape_cast %broadcast_in_dim3A_3 : vector<16xf32> to vector<1x16xf32>
            tpu.vector_store %arg6[%swap3A_428, %swap3A_429], %swap3A_432 {strides = array<i32>} : memref<16x1024xf32, #tpu.memory_space<vmem>>, vector<1x16xf32>,
          }
          %scan3A_424 = arith.constant 64 : i32
        } else {
        }
        %shift_right_arithmetic3A_320 = arith.constant 0 : i32
        %shift_right_arithmetic3A_321 = arith.shrsi %squeeze3A_106, %shift_right_arithmetic3A_320 : i32
        %and3A_322 = arith.constant 255 : i32
        %and3A_323 = arith.andi %shift_right_arithmetic3A_321, %and3A_322 : i32
        %eq3A_324 = arith.constant 0 : i32
        %eq3A_325 = arith.cmpi eq, %and3A_323, %eq3A_324 : i32
        %convert_element_type3A_326 = arith.extui %eq3A_325 : i1 to i32
        %cond3A_327 = arith.constant 0 : i32
        %cond3A_328 = arith.cmpi ne, %convert_element_type3A_326, %cond3A_327 : i32
        scf.if %cond3A_328 {
          %scan3A_419 = arith.constant 0 : i32
          %scan3A_420 = arith.constant 0 : i32
          %scan3A_421 = arith.constant 64 : i32
          %scan3A_422 = arith.addi %scan3A_420, %scan3A_421 : i32
          %scan3A_423 = arith.constant 1 : i32
          scf.for %scan3A_425 = %scan3A_420 to %scan3A_422 step %scan3A_423  : i32 {
            %mul3A_426 = arith.constant 16 : i32
            %mul3A_427 = arith.muli %scan3A_425, %mul3A_426 : i32
            %swap3A = arith.constant 5 : i32
            %swap3A_428 = arith.index_cast %swap3A : i32 to index
            %swap3A_429 = arith.index_cast %mul3A_427 : i32 to index
            %swap3A_430 = tpu.vector_load %arg6[%swap3A_428, %swap3A_429] {strides = array<i32>} : memref<16x1024xf32, #tpu.memory_space<vmem>>, vector<1x16xf32>,
            %swap3A_431 = vector.shape_cast %swap3A_430 : vector<1x16xf32> to vector<16xf32>
            %swap3A_432 = vector.shape_cast %broadcast_in_dim3A_3 : vector<16xf32> to vector<1x16xf32>
            tpu.vector_store %arg6[%swap3A_428, %swap3A_429], %swap3A_432 {strides = array<i32>} : memref<16x1024xf32, #tpu.memory_space<vmem>>, vector<1x16xf32>,
          }
          %scan3A_424 = arith.constant 64 : i32
        } else {
        }
        %shift_right_arithmetic3A_329 = arith.constant 0 : i32
        %shift_right_arithmetic3A_330 = arith.shrsi %squeeze3A_108, %shift_right_arithmetic3A_329 : i32
        %and3A_331 = arith.constant 255 : i32
        %and3A_332 = arith.andi %shift_right_arithmetic3A_330, %and3A_331 : i32
        %eq3A_333 = arith.constant 0 : i32
        %eq3A_334 = arith.cmpi eq, %and3A_332, %eq3A_333 : i32
        %convert_element_type3A_335 = arith.extui %eq3A_334 : i1 to i32
        %cond3A_336 = arith.constant 0 : i32
        %cond3A_337 = arith.cmpi ne, %convert_element_type3A_335, %cond3A_336 : i32
        scf.if %cond3A_337 {
          %scan3A_419 = arith.constant 0 : i32
          %scan3A_420 = arith.constant 0 : i32
          %scan3A_421 = arith.constant 64 : i32
          %scan3A_422 = arith.addi %scan3A_420, %scan3A_421 : i32
          %scan3A_423 = arith.constant 1 : i32
          scf.for %scan3A_425 = %scan3A_420 to %scan3A_422 step %scan3A_423  : i32 {
            %mul3A_426 = arith.constant 16 : i32
            %mul3A_427 = arith.muli %scan3A_425, %mul3A_426 : i32
            %swap3A = arith.constant 6 : i32
            %swap3A_428 = arith.index_cast %swap3A : i32 to index
            %swap3A_429 = arith.index_cast %mul3A_427 : i32 to index
            %swap3A_430 = tpu.vector_load %arg6[%swap3A_428, %swap3A_429] {strides = array<i32>} : memref<16x1024xf32, #tpu.memory_space<vmem>>, vector<1x16xf32>,
            %swap3A_431 = vector.shape_cast %swap3A_430 : vector<1x16xf32> to vector<16xf32>
            %swap3A_432 = vector.shape_cast %broadcast_in_dim3A_3 : vector<16xf32> to vector<1x16xf32>
            tpu.vector_store %arg6[%swap3A_428, %swap3A_429], %swap3A_432 {strides = array<i32>} : memref<16x1024xf32, #tpu.memory_space<vmem>>, vector<1x16xf32>,
          }
          %scan3A_424 = arith.constant 64 : i32
        } else {
        }
        %shift_right_arithmetic3A_338 = arith.constant 0 : i32
        %shift_right_arithmetic3A_339 = arith.shrsi %squeeze3A_110, %shift_right_arithmetic3A_338 : i32
        %and3A_340 = arith.constant 255 : i32
        %and3A_341 = arith.andi %shift_right_arithmetic3A_339, %and3A_340 : i32
        %eq3A_342 = arith.constant 0 : i32
        %eq3A_343 = arith.cmpi eq, %and3A_341, %eq3A_342 : i32
        %convert_element_type3A_344 = arith.extui %eq3A_343 : i1 to i32
        %cond3A_345 = arith.constant 0 : i32
        %cond3A_346 = arith.cmpi ne, %convert_element_type3A_344, %cond3A_345 : i32
        scf.if %cond3A_346 {
          %scan3A_419 = arith.constant 0 : i32
          %scan3A_420 = arith.constant 0 : i32
          %scan3A_421 = arith.constant 64 : i32
          %scan3A_422 = arith.addi %scan3A_420, %scan3A_421 : i32
          %scan3A_423 = arith.constant 1 : i32
          scf.for %scan3A_425 = %scan3A_420 to %scan3A_422 step %scan3A_423  : i32 {
            %mul3A_426 = arith.constant 16 : i32
            %mul3A_427 = arith.muli %scan3A_425, %mul3A_426 : i32
            %swap3A = arith.constant 7 : i32
            %swap3A_428 = arith.index_cast %swap3A : i32 to index
            %swap3A_429 = arith.index_cast %mul3A_427 : i32 to index
            %swap3A_430 = tpu.vector_load %arg6[%swap3A_428, %swap3A_429] {strides = array<i32>} : memref<16x1024xf32, #tpu.memory_space<vmem>>, vector<1x16xf32>,
            %swap3A_431 = vector.shape_cast %swap3A_430 : vector<1x16xf32> to vector<16xf32>
            %swap3A_432 = vector.shape_cast %broadcast_in_dim3A_3 : vector<16xf32> to vector<1x16xf32>
            tpu.vector_store %arg6[%swap3A_428, %swap3A_429], %swap3A_432 {strides = array<i32>} : memref<16x1024xf32, #tpu.memory_space<vmem>>, vector<1x16xf32>,
          }
          %scan3A_424 = arith.constant 64 : i32
        } else {
        }
        %shift_right_arithmetic3A_347 = arith.constant 0 : i32
        %shift_right_arithmetic3A_348 = arith.shrsi %squeeze3A_112, %shift_right_arithmetic3A_347 : i32
        %and3A_349 = arith.constant 255 : i32
        %and3A_350 = arith.andi %shift_right_arithmetic3A_348, %and3A_349 : i32
        %eq3A_351 = arith.constant 0 : i32
        %eq3A_352 = arith.cmpi eq, %and3A_350, %eq3A_351 : i32
        %convert_element_type3A_353 = arith.extui %eq3A_352 : i1 to i32
        %cond3A_354 = arith.constant 0 : i32
        %cond3A_355 = arith.cmpi ne, %convert_element_type3A_353, %cond3A_354 : i32
        scf.if %cond3A_355 {
          %scan3A_419 = arith.constant 0 : i32
          %scan3A_420 = arith.constant 0 : i32
          %scan3A_421 = arith.constant 64 : i32
          %scan3A_422 = arith.addi %scan3A_420, %scan3A_421 : i32
          %scan3A_423 = arith.constant 1 : i32
          scf.for %scan3A_425 = %scan3A_420 to %scan3A_422 step %scan3A_423  : i32 {
            %mul3A_426 = arith.constant 16 : i32
            %mul3A_427 = arith.muli %scan3A_425, %mul3A_426 : i32
            %swap3A = arith.constant 8 : i32
            %swap3A_428 = arith.index_cast %swap3A : i32 to index
            %swap3A_429 = arith.index_cast %mul3A_427 : i32 to index
            %swap3A_430 = tpu.vector_load %arg6[%swap3A_428, %swap3A_429] {strides = array<i32>} : memref<16x1024xf32, #tpu.memory_space<vmem>>, vector<1x16xf32>,
            %swap3A_431 = vector.shape_cast %swap3A_430 : vector<1x16xf32> to vector<16xf32>
            %swap3A_432 = vector.shape_cast %broadcast_in_dim3A_3 : vector<16xf32> to vector<1x16xf32>
            tpu.vector_store %arg6[%swap3A_428, %swap3A_429], %swap3A_432 {strides = array<i32>} : memref<16x1024xf32, #tpu.memory_space<vmem>>, vector<1x16xf32>,
          }
          %scan3A_424 = arith.constant 64 : i32
        } else {
        }
        %shift_right_arithmetic3A_356 = arith.constant 0 : i32
        %shift_right_arithmetic3A_357 = arith.shrsi %squeeze3A_114, %shift_right_arithmetic3A_356 : i32
        %and3A_358 = arith.constant 255 : i32
        %and3A_359 = arith.andi %shift_right_arithmetic3A_357, %and3A_358 : i32
        %eq3A_360 = arith.constant 0 : i32
        %eq3A_361 = arith.cmpi eq, %and3A_359, %eq3A_360 : i32
        %convert_element_type3A_362 = arith.extui %eq3A_361 : i1 to i32
        %cond3A_363 = arith.constant 0 : i32
        %cond3A_364 = arith.cmpi ne, %convert_element_type3A_362, %cond3A_363 : i32
        scf.if %cond3A_364 {
          %scan3A_419 = arith.constant 0 : i32
          %scan3A_420 = arith.constant 0 : i32
          %scan3A_421 = arith.constant 64 : i32
          %scan3A_422 = arith.addi %scan3A_420, %scan3A_421 : i32
          %scan3A_423 = arith.constant 1 : i32
          scf.for %scan3A_425 = %scan3A_420 to %scan3A_422 step %scan3A_423  : i32 {
            %mul3A_426 = arith.constant 16 : i32
            %mul3A_427 = arith.muli %scan3A_425, %mul3A_426 : i32
            %swap3A = arith.constant 9 : i32
            %swap3A_428 = arith.index_cast %swap3A : i32 to index
            %swap3A_429 = arith.index_cast %mul3A_427 : i32 to index
            %swap3A_430 = tpu.vector_load %arg6[%swap3A_428, %swap3A_429] {strides = array<i32>} : memref<16x1024xf32, #tpu.memory_space<vmem>>, vector<1x16xf32>,
            %swap3A_431 = vector.shape_cast %swap3A_430 : vector<1x16xf32> to vector<16xf32>
            %swap3A_432 = vector.shape_cast %broadcast_in_dim3A_3 : vector<16xf32> to vector<1x16xf32>
            tpu.vector_store %arg6[%swap3A_428, %swap3A_429], %swap3A_432 {strides = array<i32>} : memref<16x1024xf32, #tpu.memory_space<vmem>>, vector<1x16xf32>,
          }
          %scan3A_424 = arith.constant 64 : i32
        } else {
        }
        %shift_right_arithmetic3A_365 = arith.constant 0 : i32
        %shift_right_arithmetic3A_366 = arith.shrsi %squeeze3A_116, %shift_right_arithmetic3A_365 : i32
        %and3A_367 = arith.constant 255 : i32
        %and3A_368 = arith.andi %shift_right_arithmetic3A_366, %and3A_367 : i32
        %eq3A_369 = arith.constant 0 : i32
        %eq3A_370 = arith.cmpi eq, %and3A_368, %eq3A_369 : i32
        %convert_element_type3A_371 = arith.extui %eq3A_370 : i1 to i32
        %cond3A_372 = arith.constant 0 : i32
        %cond3A_373 = arith.cmpi ne, %convert_element_type3A_371, %cond3A_372 : i32
        scf.if %cond3A_373 {
          %scan3A_419 = arith.constant 0 : i32
          %scan3A_420 = arith.constant 0 : i32
          %scan3A_421 = arith.constant 64 : i32
          %scan3A_422 = arith.addi %scan3A_420, %scan3A_421 : i32
          %scan3A_423 = arith.constant 1 : i32
          scf.for %scan3A_425 = %scan3A_420 to %scan3A_422 step %scan3A_423  : i32 {
            %mul3A_426 = arith.constant 16 : i32
            %mul3A_427 = arith.muli %scan3A_425, %mul3A_426 : i32
            %swap3A = arith.constant 10 : i32
            %swap3A_428 = arith.index_cast %swap3A : i32 to index
            %swap3A_429 = arith.index_cast %mul3A_427 : i32 to index
            %swap3A_430 = tpu.vector_load %arg6[%swap3A_428, %swap3A_429] {strides = array<i32>} : memref<16x1024xf32, #tpu.memory_space<vmem>>, vector<1x16xf32>,
            %swap3A_431 = vector.shape_cast %swap3A_430 : vector<1x16xf32> to vector<16xf32>
            %swap3A_432 = vector.shape_cast %broadcast_in_dim3A_3 : vector<16xf32> to vector<1x16xf32>
            tpu.vector_store %arg6[%swap3A_428, %swap3A_429], %swap3A_432 {strides = array<i32>} : memref<16x1024xf32, #tpu.memory_space<vmem>>, vector<1x16xf32>,
          }
          %scan3A_424 = arith.constant 64 : i32
        } else {
        }
        %shift_right_arithmetic3A_374 = arith.constant 0 : i32
        %shift_right_arithmetic3A_375 = arith.shrsi %squeeze3A_118, %shift_right_arithmetic3A_374 : i32
        %and3A_376 = arith.constant 255 : i32
        %and3A_377 = arith.andi %shift_right_arithmetic3A_375, %and3A_376 : i32
        %eq3A_378 = arith.constant 0 : i32
        %eq3A_379 = arith.cmpi eq, %and3A_377, %eq3A_378 : i32
        %convert_element_type3A_380 = arith.extui %eq3A_379 : i1 to i32
        %cond3A_381 = arith.constant 0 : i32
        %cond3A_382 = arith.cmpi ne, %convert_element_type3A_380, %cond3A_381 : i32
        scf.if %cond3A_382 {
          %scan3A_419 = arith.constant 0 : i32
          %scan3A_420 = arith.constant 0 : i32
          %scan3A_421 = arith.constant 64 : i32
          %scan3A_422 = arith.addi %scan3A_420, %scan3A_421 : i32
          %scan3A_423 = arith.constant 1 : i32
          scf.for %scan3A_425 = %scan3A_420 to %scan3A_422 step %scan3A_423  : i32 {
            %mul3A_426 = arith.constant 16 : i32
            %mul3A_427 = arith.muli %scan3A_425, %mul3A_426 : i32
            %swap3A = arith.constant 11 : i32
            %swap3A_428 = arith.index_cast %swap3A : i32 to index
            %swap3A_429 = arith.index_cast %mul3A_427 : i32 to index
            %swap3A_430 = tpu.vector_load %arg6[%swap3A_428, %swap3A_429] {strides = array<i32>} : memref<16x1024xf32, #tpu.memory_space<vmem>>, vector<1x16xf32>,
            %swap3A_431 = vector.shape_cast %swap3A_430 : vector<1x16xf32> to vector<16xf32>
            %swap3A_432 = vector.shape_cast %broadcast_in_dim3A_3 : vector<16xf32> to vector<1x16xf32>
            tpu.vector_store %arg6[%swap3A_428, %swap3A_429], %swap3A_432 {strides = array<i32>} : memref<16x1024xf32, #tpu.memory_space<vmem>>, vector<1x16xf32>,
          }
          %scan3A_424 = arith.constant 64 : i32
        } else {
        }
        %shift_right_arithmetic3A_383 = arith.constant 0 : i32
        %shift_right_arithmetic3A_384 = arith.shrsi %squeeze3A_120, %shift_right_arithmetic3A_383 : i32
        %and3A_385 = arith.constant 255 : i32
        %and3A_386 = arith.andi %shift_right_arithmetic3A_384, %and3A_385 : i32
        %eq3A_387 = arith.constant 0 : i32
        %eq3A_388 = arith.cmpi eq, %and3A_386, %eq3A_387 : i32
        %convert_element_type3A_389 = arith.extui %eq3A_388 : i1 to i32
        %cond3A_390 = arith.constant 0 : i32
        %cond3A_391 = arith.cmpi ne, %convert_element_type3A_389, %cond3A_390 : i32
        scf.if %cond3A_391 {
          %scan3A_419 = arith.constant 0 : i32
          %scan3A_420 = arith.constant 0 : i32
          %scan3A_421 = arith.constant 64 : i32
          %scan3A_422 = arith.addi %scan3A_420, %scan3A_421 : i32
          %scan3A_423 = arith.constant 1 : i32
          scf.for %scan3A_425 = %scan3A_420 to %scan3A_422 step %scan3A_423  : i32 {
            %mul3A_426 = arith.constant 16 : i32
            %mul3A_427 = arith.muli %scan3A_425, %mul3A_426 : i32
            %swap3A = arith.constant 12 : i32
            %swap3A_428 = arith.index_cast %swap3A : i32 to index
            %swap3A_429 = arith.index_cast %mul3A_427 : i32 to index
            %swap3A_430 = tpu.vector_load %arg6[%swap3A_428, %swap3A_429] {strides = array<i32>} : memref<16x1024xf32, #tpu.memory_space<vmem>>, vector<1x16xf32>,
            %swap3A_431 = vector.shape_cast %swap3A_430 : vector<1x16xf32> to vector<16xf32>
            %swap3A_432 = vector.shape_cast %broadcast_in_dim3A_3 : vector<16xf32> to vector<1x16xf32>
            tpu.vector_store %arg6[%swap3A_428, %swap3A_429], %swap3A_432 {strides = array<i32>} : memref<16x1024xf32, #tpu.memory_space<vmem>>, vector<1x16xf32>,
          }
          %scan3A_424 = arith.constant 64 : i32
        } else {
        }
        %shift_right_arithmetic3A_392 = arith.constant 0 : i32
        %shift_right_arithmetic3A_393 = arith.shrsi %squeeze3A_122, %shift_right_arithmetic3A_392 : i32
        %and3A_394 = arith.constant 255 : i32
        %and3A_395 = arith.andi %shift_right_arithmetic3A_393, %and3A_394 : i32
        %eq3A_396 = arith.constant 0 : i32
        %eq3A_397 = arith.cmpi eq, %and3A_395, %eq3A_396 : i32
        %convert_element_type3A_398 = arith.extui %eq3A_397 : i1 to i32
        %cond3A_399 = arith.constant 0 : i32
        %cond3A_400 = arith.cmpi ne, %convert_element_type3A_398, %cond3A_399 : i32
        scf.if %cond3A_400 {
          %scan3A_419 = arith.constant 0 : i32
          %scan3A_420 = arith.constant 0 : i32
          %scan3A_421 = arith.constant 64 : i32
          %scan3A_422 = arith.addi %scan3A_420, %scan3A_421 : i32
          %scan3A_423 = arith.constant 1 : i32
          scf.for %scan3A_425 = %scan3A_420 to %scan3A_422 step %scan3A_423  : i32 {
            %mul3A_426 = arith.constant 16 : i32
            %mul3A_427 = arith.muli %scan3A_425, %mul3A_426 : i32
            %swap3A = arith.constant 13 : i32
            %swap3A_428 = arith.index_cast %swap3A : i32 to index
            %swap3A_429 = arith.index_cast %mul3A_427 : i32 to index
            %swap3A_430 = tpu.vector_load %arg6[%swap3A_428, %swap3A_429] {strides = array<i32>} : memref<16x1024xf32, #tpu.memory_space<vmem>>, vector<1x16xf32>,
            %swap3A_431 = vector.shape_cast %swap3A_430 : vector<1x16xf32> to vector<16xf32>
            %swap3A_432 = vector.shape_cast %broadcast_in_dim3A_3 : vector<16xf32> to vector<1x16xf32>
            tpu.vector_store %arg6[%swap3A_428, %swap3A_429], %swap3A_432 {strides = array<i32>} : memref<16x1024xf32, #tpu.memory_space<vmem>>, vector<1x16xf32>,
          }
          %scan3A_424 = arith.constant 64 : i32
        } else {
        }
        %shift_right_arithmetic3A_401 = arith.constant 0 : i32
        %shift_right_arithmetic3A_402 = arith.shrsi %squeeze3A_124, %shift_right_arithmetic3A_401 : i32
        %and3A_403 = arith.constant 255 : i32
        %and3A_404 = arith.andi %shift_right_arithmetic3A_402, %and3A_403 : i32
        %eq3A_405 = arith.constant 0 : i32
        %eq3A_406 = arith.cmpi eq, %and3A_404, %eq3A_405 : i32
        %convert_element_type3A_407 = arith.extui %eq3A_406 : i1 to i32
        %cond3A_408 = arith.constant 0 : i32
        %cond3A_409 = arith.cmpi ne, %convert_element_type3A_407, %cond3A_408 : i32
        scf.if %cond3A_409 {
          %scan3A_419 = arith.constant 0 : i32
          %scan3A_420 = arith.constant 0 : i32
          %scan3A_421 = arith.constant 64 : i32
          %scan3A_422 = arith.addi %scan3A_420, %scan3A_421 : i32
          %scan3A_423 = arith.constant 1 : i32
          scf.for %scan3A_425 = %scan3A_420 to %scan3A_422 step %scan3A_423  : i32 {
            %mul3A_426 = arith.constant 16 : i32
            %mul3A_427 = arith.muli %scan3A_425, %mul3A_426 : i32
            %swap3A = arith.constant 14 : i32
            %swap3A_428 = arith.index_cast %swap3A : i32 to index
            %swap3A_429 = arith.index_cast %mul3A_427 : i32 to index
            %swap3A_430 = tpu.vector_load %arg6[%swap3A_428, %swap3A_429] {strides = array<i32>} : memref<16x1024xf32, #tpu.memory_space<vmem>>, vector<1x16xf32>,
            %swap3A_431 = vector.shape_cast %swap3A_430 : vector<1x16xf32> to vector<16xf32>
            %swap3A_432 = vector.shape_cast %broadcast_in_dim3A_3 : vector<16xf32> to vector<1x16xf32>
            tpu.vector_store %arg6[%swap3A_428, %swap3A_429], %swap3A_432 {strides = array<i32>} : memref<16x1024xf32, #tpu.memory_space<vmem>>, vector<1x16xf32>,
          }
          %scan3A_424 = arith.constant 64 : i32
        } else {
        }
        %shift_right_arithmetic3A_410 = arith.constant 0 : i32
        %shift_right_arithmetic3A_411 = arith.shrsi %squeeze3A_126, %shift_right_arithmetic3A_410 : i32
        %and3A_412 = arith.constant 255 : i32
        %and3A_413 = arith.andi %shift_right_arithmetic3A_411, %and3A_412 : i32
        %eq3A_414 = arith.constant 0 : i32
        %eq3A_415 = arith.cmpi eq, %and3A_413, %eq3A_414 : i32
        %convert_element_type3A_416 = arith.extui %eq3A_415 : i1 to i32
        %cond3A_417 = arith.constant 0 : i32
        %cond3A_418 = arith.cmpi ne, %convert_element_type3A_416, %cond3A_417 : i32
        scf.if %cond3A_418 {
          %scan3A_419 = arith.constant 0 : i32
          %scan3A_420 = arith.constant 0 : i32
          %scan3A_421 = arith.constant 64 : i32
          %scan3A_422 = arith.addi %scan3A_420, %scan3A_421 : i32
          %scan3A_423 = arith.constant 1 : i32
          scf.for %scan3A_425 = %scan3A_420 to %scan3A_422 step %scan3A_423  : i32 {
            %mul3A_426 = arith.constant 16 : i32
            %mul3A_427 = arith.muli %scan3A_425, %mul3A_426 : i32
            %swap3A = arith.constant 15 : i32
            %swap3A_428 = arith.index_cast %swap3A : i32 to index
            %swap3A_429 = arith.index_cast %mul3A_427 : i32 to index
            %swap3A_430 = tpu.vector_load %arg6[%swap3A_428, %swap3A_429] {strides = array<i32>} : memref<16x1024xf32, #tpu.memory_space<vmem>>, vector<1x16xf32>,
            %swap3A_431 = vector.shape_cast %swap3A_430 : vector<1x16xf32> to vector<16xf32>
            %swap3A_432 = vector.shape_cast %broadcast_in_dim3A_3 : vector<16xf32> to vector<1x16xf32>
            tpu.vector_store %arg6[%swap3A_428, %swap3A_429], %swap3A_432 {strides = array<i32>} : memref<16x1024xf32, #tpu.memory_space<vmem>>, vector<1x16xf32>,
          }
          %scan3A_424 = arith.constant 64 : i32
        } else {
        }
      } else {
      }
      %mul3A_184 = arith.constant 16 : i32
      %mul3A_185 = arith.muli %add3A_176, %mul3A_184 : i32
      %add3A_186 = arith.addi %mul3A_2, %mul3A_185 : i32
      %dma_start3A_187 = arith.constant 0 : i32
      %dma_start3A_188 = tpu.memref_slice %arg4[%add3A_186, %dma_start3A_187] : memref<32768x1024xf32, #tpu.memory_space<hbm>> -> memref<16x1024xf32, #tpu.memory_space<hbm>>
      %dma_start3A_189 = arith.constant 0 : i32
      %dma_start3A_190 = tpu.memref_slice %arg4[%add3A_186, %dma_start3A_189] : memref<32768x1024xf32, #tpu.memory_space<hbm>> -> memref<16x1024xf32, #tpu.memory_space<hbm>>
      tpu.enqueue_dma source(%arg6 : memref<16x1024xf32, #tpu.memory_space<vmem>>) target(%dma_start3A_190 : memref<16x1024xf32, #tpu.memory_space<hbm>>) target_semaphore(%arg14 : memref<!tpu.dma_semaphore, #tpu.memory_space<semaphore_mem>>)
      %gt3A = arith.constant 0 : i32
      %gt3A_191 = arith.cmpi sgt, %scan3A_44, %gt3A : i32
      %convert_element_type3A_192 = arith.extui %gt3A_191 : i1 to i32
      %cond3A_193 = arith.constant 0 : i32
      %cond3A_194 = arith.cmpi ne, %convert_element_type3A_192, %cond3A_193 : i32
      scf.if %cond3A_194 {
        %dma_wait3A_278 = arith.constant 0 : i32
        %dma_wait3A_279 = tpu.memref_slice %arg4[%mul3A_2, %dma_wait3A_278] : memref<32768x1024xf32, #tpu.memory_space<hbm>> -> memref<16x1024xf32, #tpu.memory_space<hbm>>
        %dma_wait3A_280 = arith.constant 0 : i32
        %dma_wait3A_281 = tpu.memref_slice %arg4[%mul3A_2, %dma_wait3A_280] : memref<32768x1024xf32, #tpu.memory_space<hbm>> -> memref<16x1024xf32, #tpu.memory_space<hbm>>
        tpu.wait_dma2 semaphore(%arg17 : memref<!tpu.dma_semaphore, #tpu.memory_space<semaphore_mem>>) src(%arg9 : memref<16x1024xf32, #tpu.memory_space<vmem>>) dst(%dma_wait3A_281 : memref<16x1024xf32, #tpu.memory_space<hbm>>)
      } else {
      }
      %add3A_195 = arith.constant 4 : i32
      %add3A_196 = arith.addi %add3A_176, %add3A_195 : i32
      %sub3A = arith.constant 1 : i32
      %sub3A_197 = arith.subi %add3A_196, %sub3A : i32
      %dma_start3A_198 = arith.constant 0 : i32
      %dma_start3A_199 = tpu.memref_slice %arg5[%sub3A_197, %dma_start3A_198] : memref<64x16xi32, #tpu.memory_space<vmem>> -> memref<1x16xi32, #tpu.memory_space<vmem>>
      %dma_start3A_200 = tpu.memref_squeeze %dma_start3A_199 : memref<1x16xi32, #tpu.memory_space<vmem>> -> memref<16xi32, #tpu.memory_space<vmem>>
      %dma_start3A_201 = arith.constant 0 : i32
      %dma_start3A_202 = arith.constant 0 : i32
      %dma_start3A_203 = tpu.memref_slice %arg3[%dma_start3A_201, %dma_start3A_202] : memref<8193x1024xf32, #tpu.memory_space<hbm>> -> memref<8193x1024xf32, #tpu.memory_space<hbm>>
      tpu.enqueue_indirect_dma source(%dma_start3A_203 : memref<8193x1024xf32, #tpu.memory_space<hbm>>) target(%arg9 : memref<16x1024xf32, #tpu.memory_space<vmem>>) offsets(%dma_start3A_200 : memref<16xi32, #tpu.memory_space<vmem>>) semaphore(%arg13 : memref<!tpu.dma_semaphore, #tpu.memory_space<semaphore_mem>>)
      %mul3A_204 = arith.constant 4 : i32
      %mul3A_205 = arith.muli %scan3A_44, %mul3A_204 : i32
      %add3A_206 = arith.constant 1 : i32
      %add3A_207 = arith.addi %mul3A_205, %add3A_206 : i32
      %dma_wait3A_208 = arith.constant 0 : i32
      %dma_wait3A_209 = tpu.memref_slice %arg5[%add3A_207, %dma_wait3A_208] : memref<64x16xi32, #tpu.memory_space<vmem>> -> memref<1x16xi32, #tpu.memory_space<vmem>>
      %dma_wait3A_210 = tpu.memref_squeeze %dma_wait3A_209 : memref<1x16xi32, #tpu.memory_space<vmem>> -> memref<16xi32, #tpu.memory_space<vmem>>
      %dma_wait3A_211 = arith.constant 0 : i32
      %dma_wait3A_212 = arith.constant 0 : i32
      %dma_wait3A_213 = tpu.memref_slice %arg3[%dma_wait3A_211, %dma_wait3A_212] : memref<8193x1024xf32, #tpu.memory_space<hbm>> -> memref<8193x1024xf32, #tpu.memory_space<hbm>>
      tpu.wait_indirect_dma semaphore(%arg11 : memref<!tpu.dma_semaphore, #tpu.memory_space<semaphore_mem>>) src(%dma_wait3A_213 : memref<8193x1024xf32, #tpu.memory_space<hbm>>) dst(%arg7 : memref<16x1024xf32, #tpu.memory_space<vmem>>)
      %convert_element_type3A_214 = arith.extui %or3A_172 : i1 to i32
      %cond3A_215 = arith.constant 0 : i32
      %cond3A_216 = arith.cmpi ne, %convert_element_type3A_214, %cond3A_215 : i32
      scf.if %cond3A_216 {
        %shift_right_arithmetic3A = arith.constant 8 : i32
        %shift_right_arithmetic3A_278 = arith.shrsi %squeeze3A, %shift_right_arithmetic3A : i32
        %and3A = arith.constant 255 : i32
        %and3A_279 = arith.andi %shift_right_arithmetic3A_278, %and3A : i32
        %eq3A = arith.constant 0 : i32
        %eq3A_280 = arith.cmpi eq, %and3A_279, %eq3A : i32
        %convert_element_type3A_281 = arith.extui %eq3A_280 : i1 to i32
        %cond3A_282 = arith.constant 0 : i32
        %cond3A_283 = arith.cmpi ne, %convert_element_type3A_281, %cond3A_282 : i32
        scf.if %cond3A_283 {
          %scan3A_419 = arith.constant 0 : i32
          %scan3A_420 = arith.constant 0 : i32
          %scan3A_421 = arith.constant 64 : i32
          %scan3A_422 = arith.addi %scan3A_420, %scan3A_421 : i32
          %scan3A_423 = arith.constant 1 : i32
          scf.for %scan3A_425 = %scan3A_420 to %scan3A_422 step %scan3A_423  : i32 {
            %mul3A_426 = arith.constant 16 : i32
            %mul3A_427 = arith.muli %scan3A_425, %mul3A_426 : i32
            %swap3A = arith.constant 0 : i32
            %swap3A_428 = arith.index_cast %swap3A : i32 to index
            %swap3A_429 = arith.index_cast %mul3A_427 : i32 to index
            %swap3A_430 = tpu.vector_load %arg7[%swap3A_428, %swap3A_429] {strides = array<i32>} : memref<16x1024xf32, #tpu.memory_space<vmem>>, vector<1x16xf32>,
            %swap3A_431 = vector.shape_cast %swap3A_430 : vector<1x16xf32> to vector<16xf32>
            %swap3A_432 = vector.shape_cast %broadcast_in_dim3A_3 : vector<16xf32> to vector<1x16xf32>
            tpu.vector_store %arg7[%swap3A_428, %swap3A_429], %swap3A_432 {strides = array<i32>} : memref<16x1024xf32, #tpu.memory_space<vmem>>, vector<1x16xf32>,
          }
          %scan3A_424 = arith.constant 64 : i32
        } else {
        }
        %shift_right_arithmetic3A_284 = arith.constant 8 : i32
        %shift_right_arithmetic3A_285 = arith.shrsi %squeeze3A_98, %shift_right_arithmetic3A_284 : i32
        %and3A_286 = arith.constant 255 : i32
        %and3A_287 = arith.andi %shift_right_arithmetic3A_285, %and3A_286 : i32
        %eq3A_288 = arith.constant 0 : i32
        %eq3A_289 = arith.cmpi eq, %and3A_287, %eq3A_288 : i32
        %convert_element_type3A_290 = arith.extui %eq3A_289 : i1 to i32
        %cond3A_291 = arith.constant 0 : i32
        %cond3A_292 = arith.cmpi ne, %convert_element_type3A_290, %cond3A_291 : i32
        scf.if %cond3A_292 {
          %scan3A_419 = arith.constant 0 : i32
          %scan3A_420 = arith.constant 0 : i32
          %scan3A_421 = arith.constant 64 : i32
          %scan3A_422 = arith.addi %scan3A_420, %scan3A_421 : i32
          %scan3A_423 = arith.constant 1 : i32
          scf.for %scan3A_425 = %scan3A_420 to %scan3A_422 step %scan3A_423  : i32 {
            %mul3A_426 = arith.constant 16 : i32
            %mul3A_427 = arith.muli %scan3A_425, %mul3A_426 : i32
            %swap3A = arith.constant 1 : i32
            %swap3A_428 = arith.index_cast %swap3A : i32 to index
            %swap3A_429 = arith.index_cast %mul3A_427 : i32 to index
            %swap3A_430 = tpu.vector_load %arg7[%swap3A_428, %swap3A_429] {strides = array<i32>} : memref<16x1024xf32, #tpu.memory_space<vmem>>, vector<1x16xf32>,
            %swap3A_431 = vector.shape_cast %swap3A_430 : vector<1x16xf32> to vector<16xf32>
            %swap3A_432 = vector.shape_cast %broadcast_in_dim3A_3 : vector<16xf32> to vector<1x16xf32>
            tpu.vector_store %arg7[%swap3A_428, %swap3A_429], %swap3A_432 {strides = array<i32>} : memref<16x1024xf32, #tpu.memory_space<vmem>>, vector<1x16xf32>,
          }
          %scan3A_424 = arith.constant 64 : i32
        } else {
        }
        %shift_right_arithmetic3A_293 = arith.constant 8 : i32
        %shift_right_arithmetic3A_294 = arith.shrsi %squeeze3A_100, %shift_right_arithmetic3A_293 : i32
        %and3A_295 = arith.constant 255 : i32
        %and3A_296 = arith.andi %shift_right_arithmetic3A_294, %and3A_295 : i32
        %eq3A_297 = arith.constant 0 : i32
        %eq3A_298 = arith.cmpi eq, %and3A_296, %eq3A_297 : i32
        %convert_element_type3A_299 = arith.extui %eq3A_298 : i1 to i32
        %cond3A_300 = arith.constant 0 : i32
        %cond3A_301 = arith.cmpi ne, %convert_element_type3A_299, %cond3A_300 : i32
        scf.if %cond3A_301 {
          %scan3A_419 = arith.constant 0 : i32
          %scan3A_420 = arith.constant 0 : i32
          %scan3A_421 = arith.constant 64 : i32
          %scan3A_422 = arith.addi %scan3A_420, %scan3A_421 : i32
          %scan3A_423 = arith.constant 1 : i32
          scf.for %scan3A_425 = %scan3A_420 to %scan3A_422 step %scan3A_423  : i32 {
            %mul3A_426 = arith.constant 16 : i32
            %mul3A_427 = arith.muli %scan3A_425, %mul3A_426 : i32
            %swap3A = arith.constant 2 : i32
            %swap3A_428 = arith.index_cast %swap3A : i32 to index
            %swap3A_429 = arith.index_cast %mul3A_427 : i32 to index
            %swap3A_430 = tpu.vector_load %arg7[%swap3A_428, %swap3A_429] {strides = array<i32>} : memref<16x1024xf32, #tpu.memory_space<vmem>>, vector<1x16xf32>,
            %swap3A_431 = vector.shape_cast %swap3A_430 : vector<1x16xf32> to vector<16xf32>
            %swap3A_432 = vector.shape_cast %broadcast_in_dim3A_3 : vector<16xf32> to vector<1x16xf32>
            tpu.vector_store %arg7[%swap3A_428, %swap3A_429], %swap3A_432 {strides = array<i32>} : memref<16x1024xf32, #tpu.memory_space<vmem>>, vector<1x16xf32>,
          }
          %scan3A_424 = arith.constant 64 : i32
        } else {
        }
        %shift_right_arithmetic3A_302 = arith.constant 8 : i32
        %shift_right_arithmetic3A_303 = arith.shrsi %squeeze3A_102, %shift_right_arithmetic3A_302 : i32
        %and3A_304 = arith.constant 255 : i32
        %and3A_305 = arith.andi %shift_right_arithmetic3A_303, %and3A_304 : i32
        %eq3A_306 = arith.constant 0 : i32
        %eq3A_307 = arith.cmpi eq, %and3A_305, %eq3A_306 : i32
        %convert_element_type3A_308 = arith.extui %eq3A_307 : i1 to i32
        %cond3A_309 = arith.constant 0 : i32
        %cond3A_310 = arith.cmpi ne, %convert_element_type3A_308, %cond3A_309 : i32
        scf.if %cond3A_310 {
          %scan3A_419 = arith.constant 0 : i32
          %scan3A_420 = arith.constant 0 : i32
          %scan3A_421 = arith.constant 64 : i32
          %scan3A_422 = arith.addi %scan3A_420, %scan3A_421 : i32
          %scan3A_423 = arith.constant 1 : i32
          scf.for %scan3A_425 = %scan3A_420 to %scan3A_422 step %scan3A_423  : i32 {
            %mul3A_426 = arith.constant 16 : i32
            %mul3A_427 = arith.muli %scan3A_425, %mul3A_426 : i32
            %swap3A = arith.constant 3 : i32
            %swap3A_428 = arith.index_cast %swap3A : i32 to index
            %swap3A_429 = arith.index_cast %mul3A_427 : i32 to index
            %swap3A_430 = tpu.vector_load %arg7[%swap3A_428, %swap3A_429] {strides = array<i32>} : memref<16x1024xf32, #tpu.memory_space<vmem>>, vector<1x16xf32>,
            %swap3A_431 = vector.shape_cast %swap3A_430 : vector<1x16xf32> to vector<16xf32>
            %swap3A_432 = vector.shape_cast %broadcast_in_dim3A_3 : vector<16xf32> to vector<1x16xf32>
            tpu.vector_store %arg7[%swap3A_428, %swap3A_429], %swap3A_432 {strides = array<i32>} : memref<16x1024xf32, #tpu.memory_space<vmem>>, vector<1x16xf32>,
          }
          %scan3A_424 = arith.constant 64 : i32
        } else {
        }
        %shift_right_arithmetic3A_311 = arith.constant 8 : i32
        %shift_right_arithmetic3A_312 = arith.shrsi %squeeze3A_104, %shift_right_arithmetic3A_311 : i32
        %and3A_313 = arith.constant 255 : i32
        %and3A_314 = arith.andi %shift_right_arithmetic3A_312, %and3A_313 : i32
        %eq3A_315 = arith.constant 0 : i32
        %eq3A_316 = arith.cmpi eq, %and3A_314, %eq3A_315 : i32
        %convert_element_type3A_317 = arith.extui %eq3A_316 : i1 to i32
        %cond3A_318 = arith.constant 0 : i32
        %cond3A_319 = arith.cmpi ne, %convert_element_type3A_317, %cond3A_318 : i32
        scf.if %cond3A_319 {
          %scan3A_419 = arith.constant 0 : i32
          %scan3A_420 = arith.constant 0 : i32
          %scan3A_421 = arith.constant 64 : i32
          %scan3A_422 = arith.addi %scan3A_420, %scan3A_421 : i32
          %scan3A_423 = arith.constant 1 : i32
          scf.for %scan3A_425 = %scan3A_420 to %scan3A_422 step %scan3A_423  : i32 {
            %mul3A_426 = arith.constant 16 : i32
            %mul3A_427 = arith.muli %scan3A_425, %mul3A_426 : i32
            %swap3A = arith.constant 4 : i32
            %swap3A_428 = arith.index_cast %swap3A : i32 to index
            %swap3A_429 = arith.index_cast %mul3A_427 : i32 to index
            %swap3A_430 = tpu.vector_load %arg7[%swap3A_428, %swap3A_429] {strides = array<i32>} : memref<16x1024xf32, #tpu.memory_space<vmem>>, vector<1x16xf32>,
            %swap3A_431 = vector.shape_cast %swap3A_430 : vector<1x16xf32> to vector<16xf32>
            %swap3A_432 = vector.shape_cast %broadcast_in_dim3A_3 : vector<16xf32> to vector<1x16xf32>
            tpu.vector_store %arg7[%swap3A_428, %swap3A_429], %swap3A_432 {strides = array<i32>} : memref<16x1024xf32, #tpu.memory_space<vmem>>, vector<1x16xf32>,
          }
          %scan3A_424 = arith.constant 64 : i32
        } else {
        }
        %shift_right_arithmetic3A_320 = arith.constant 8 : i32
        %shift_right_arithmetic3A_321 = arith.shrsi %squeeze3A_106, %shift_right_arithmetic3A_320 : i32
        %and3A_322 = arith.constant 255 : i32
        %and3A_323 = arith.andi %shift_right_arithmetic3A_321, %and3A_322 : i32
        %eq3A_324 = arith.constant 0 : i32
        %eq3A_325 = arith.cmpi eq, %and3A_323, %eq3A_324 : i32
        %convert_element_type3A_326 = arith.extui %eq3A_325 : i1 to i32
        %cond3A_327 = arith.constant 0 : i32
        %cond3A_328 = arith.cmpi ne, %convert_element_type3A_326, %cond3A_327 : i32
        scf.if %cond3A_328 {
          %scan3A_419 = arith.constant 0 : i32
          %scan3A_420 = arith.constant 0 : i32
          %scan3A_421 = arith.constant 64 : i32
          %scan3A_422 = arith.addi %scan3A_420, %scan3A_421 : i32
          %scan3A_423 = arith.constant 1 : i32
          scf.for %scan3A_425 = %scan3A_420 to %scan3A_422 step %scan3A_423  : i32 {
            %mul3A_426 = arith.constant 16 : i32
            %mul3A_427 = arith.muli %scan3A_425, %mul3A_426 : i32
            %swap3A = arith.constant 5 : i32
            %swap3A_428 = arith.index_cast %swap3A : i32 to index
            %swap3A_429 = arith.index_cast %mul3A_427 : i32 to index
            %swap3A_430 = tpu.vector_load %arg7[%swap3A_428, %swap3A_429] {strides = array<i32>} : memref<16x1024xf32, #tpu.memory_space<vmem>>, vector<1x16xf32>,
            %swap3A_431 = vector.shape_cast %swap3A_430 : vector<1x16xf32> to vector<16xf32>
            %swap3A_432 = vector.shape_cast %broadcast_in_dim3A_3 : vector<16xf32> to vector<1x16xf32>
            tpu.vector_store %arg7[%swap3A_428, %swap3A_429], %swap3A_432 {strides = array<i32>} : memref<16x1024xf32, #tpu.memory_space<vmem>>, vector<1x16xf32>,
          }
          %scan3A_424 = arith.constant 64 : i32
        } else {
        }
        %shift_right_arithmetic3A_329 = arith.constant 8 : i32
        %shift_right_arithmetic3A_330 = arith.shrsi %squeeze3A_108, %shift_right_arithmetic3A_329 : i32
        %and3A_331 = arith.constant 255 : i32
        %and3A_332 = arith.andi %shift_right_arithmetic3A_330, %and3A_331 : i32
        %eq3A_333 = arith.constant 0 : i32
        %eq3A_334 = arith.cmpi eq, %and3A_332, %eq3A_333 : i32
        %convert_element_type3A_335 = arith.extui %eq3A_334 : i1 to i32
        %cond3A_336 = arith.constant 0 : i32
        %cond3A_337 = arith.cmpi ne, %convert_element_type3A_335, %cond3A_336 : i32
        scf.if %cond3A_337 {
          %scan3A_419 = arith.constant 0 : i32
          %scan3A_420 = arith.constant 0 : i32
          %scan3A_421 = arith.constant 64 : i32
          %scan3A_422 = arith.addi %scan3A_420, %scan3A_421 : i32
          %scan3A_423 = arith.constant 1 : i32
          scf.for %scan3A_425 = %scan3A_420 to %scan3A_422 step %scan3A_423  : i32 {
            %mul3A_426 = arith.constant 16 : i32
            %mul3A_427 = arith.muli %scan3A_425, %mul3A_426 : i32
            %swap3A = arith.constant 6 : i32
            %swap3A_428 = arith.index_cast %swap3A : i32 to index
            %swap3A_429 = arith.index_cast %mul3A_427 : i32 to index
            %swap3A_430 = tpu.vector_load %arg7[%swap3A_428, %swap3A_429] {strides = array<i32>} : memref<16x1024xf32, #tpu.memory_space<vmem>>, vector<1x16xf32>,
            %swap3A_431 = vector.shape_cast %swap3A_430 : vector<1x16xf32> to vector<16xf32>
            %swap3A_432 = vector.shape_cast %broadcast_in_dim3A_3 : vector<16xf32> to vector<1x16xf32>
            tpu.vector_store %arg7[%swap3A_428, %swap3A_429], %swap3A_432 {strides = array<i32>} : memref<16x1024xf32, #tpu.memory_space<vmem>>, vector<1x16xf32>,
          }
          %scan3A_424 = arith.constant 64 : i32
        } else {
        }
        %shift_right_arithmetic3A_338 = arith.constant 8 : i32
        %shift_right_arithmetic3A_339 = arith.shrsi %squeeze3A_110, %shift_right_arithmetic3A_338 : i32
        %and3A_340 = arith.constant 255 : i32
        %and3A_341 = arith.andi %shift_right_arithmetic3A_339, %and3A_340 : i32
        %eq3A_342 = arith.constant 0 : i32
        %eq3A_343 = arith.cmpi eq, %and3A_341, %eq3A_342 : i32
        %convert_element_type3A_344 = arith.extui %eq3A_343 : i1 to i32
        %cond3A_345 = arith.constant 0 : i32
        %cond3A_346 = arith.cmpi ne, %convert_element_type3A_344, %cond3A_345 : i32
        scf.if %cond3A_346 {
          %scan3A_419 = arith.constant 0 : i32
          %scan3A_420 = arith.constant 0 : i32
          %scan3A_421 = arith.constant 64 : i32
          %scan3A_422 = arith.addi %scan3A_420, %scan3A_421 : i32
          %scan3A_423 = arith.constant 1 : i32
          scf.for %scan3A_425 = %scan3A_420 to %scan3A_422 step %scan3A_423  : i32 {
            %mul3A_426 = arith.constant 16 : i32
            %mul3A_427 = arith.muli %scan3A_425, %mul3A_426 : i32
            %swap3A = arith.constant 7 : i32
            %swap3A_428 = arith.index_cast %swap3A : i32 to index
            %swap3A_429 = arith.index_cast %mul3A_427 : i32 to index
            %swap3A_430 = tpu.vector_load %arg7[%swap3A_428, %swap3A_429] {strides = array<i32>} : memref<16x1024xf32, #tpu.memory_space<vmem>>, vector<1x16xf32>,
            %swap3A_431 = vector.shape_cast %swap3A_430 : vector<1x16xf32> to vector<16xf32>
            %swap3A_432 = vector.shape_cast %broadcast_in_dim3A_3 : vector<16xf32> to vector<1x16xf32>
            tpu.vector_store %arg7[%swap3A_428, %swap3A_429], %swap3A_432 {strides = array<i32>} : memref<16x1024xf32, #tpu.memory_space<vmem>>, vector<1x16xf32>,
          }
          %scan3A_424 = arith.constant 64 : i32
        } else {
        }
        %shift_right_arithmetic3A_347 = arith.constant 8 : i32
        %shift_right_arithmetic3A_348 = arith.shrsi %squeeze3A_112, %shift_right_arithmetic3A_347 : i32
        %and3A_349 = arith.constant 255 : i32
        %and3A_350 = arith.andi %shift_right_arithmetic3A_348, %and3A_349 : i32
        %eq3A_351 = arith.constant 0 : i32
        %eq3A_352 = arith.cmpi eq, %and3A_350, %eq3A_351 : i32
        %convert_element_type3A_353 = arith.extui %eq3A_352 : i1 to i32
        %cond3A_354 = arith.constant 0 : i32
        %cond3A_355 = arith.cmpi ne, %convert_element_type3A_353, %cond3A_354 : i32
        scf.if %cond3A_355 {
          %scan3A_419 = arith.constant 0 : i32
          %scan3A_420 = arith.constant 0 : i32
          %scan3A_421 = arith.constant 64 : i32
          %scan3A_422 = arith.addi %scan3A_420, %scan3A_421 : i32
          %scan3A_423 = arith.constant 1 : i32
          scf.for %scan3A_425 = %scan3A_420 to %scan3A_422 step %scan3A_423  : i32 {
            %mul3A_426 = arith.constant 16 : i32
            %mul3A_427 = arith.muli %scan3A_425, %mul3A_426 : i32
            %swap3A = arith.constant 8 : i32
            %swap3A_428 = arith.index_cast %swap3A : i32 to index
            %swap3A_429 = arith.index_cast %mul3A_427 : i32 to index
            %swap3A_430 = tpu.vector_load %arg7[%swap3A_428, %swap3A_429] {strides = array<i32>} : memref<16x1024xf32, #tpu.memory_space<vmem>>, vector<1x16xf32>,
            %swap3A_431 = vector.shape_cast %swap3A_430 : vector<1x16xf32> to vector<16xf32>
            %swap3A_432 = vector.shape_cast %broadcast_in_dim3A_3 : vector<16xf32> to vector<1x16xf32>
            tpu.vector_store %arg7[%swap3A_428, %swap3A_429], %swap3A_432 {strides = array<i32>} : memref<16x1024xf32, #tpu.memory_space<vmem>>, vector<1x16xf32>,
          }
          %scan3A_424 = arith.constant 64 : i32
        } else {
        }
        %shift_right_arithmetic3A_356 = arith.constant 8 : i32
        %shift_right_arithmetic3A_357 = arith.shrsi %squeeze3A_114, %shift_right_arithmetic3A_356 : i32
        %and3A_358 = arith.constant 255 : i32
        %and3A_359 = arith.andi %shift_right_arithmetic3A_357, %and3A_358 : i32
        %eq3A_360 = arith.constant 0 : i32
        %eq3A_361 = arith.cmpi eq, %and3A_359, %eq3A_360 : i32
        %convert_element_type3A_362 = arith.extui %eq3A_361 : i1 to i32
        %cond3A_363 = arith.constant 0 : i32
        %cond3A_364 = arith.cmpi ne, %convert_element_type3A_362, %cond3A_363 : i32
        scf.if %cond3A_364 {
          %scan3A_419 = arith.constant 0 : i32
          %scan3A_420 = arith.constant 0 : i32
          %scan3A_421 = arith.constant 64 : i32
          %scan3A_422 = arith.addi %scan3A_420, %scan3A_421 : i32
          %scan3A_423 = arith.constant 1 : i32
          scf.for %scan3A_425 = %scan3A_420 to %scan3A_422 step %scan3A_423  : i32 {
            %mul3A_426 = arith.constant 16 : i32
            %mul3A_427 = arith.muli %scan3A_425, %mul3A_426 : i32
            %swap3A = arith.constant 9 : i32
            %swap3A_428 = arith.index_cast %swap3A : i32 to index
            %swap3A_429 = arith.index_cast %mul3A_427 : i32 to index
            %swap3A_430 = tpu.vector_load %arg7[%swap3A_428, %swap3A_429] {strides = array<i32>} : memref<16x1024xf32, #tpu.memory_space<vmem>>, vector<1x16xf32>,
            %swap3A_431 = vector.shape_cast %swap3A_430 : vector<1x16xf32> to vector<16xf32>
            %swap3A_432 = vector.shape_cast %broadcast_in_dim3A_3 : vector<16xf32> to vector<1x16xf32>
            tpu.vector_store %arg7[%swap3A_428, %swap3A_429], %swap3A_432 {strides = array<i32>} : memref<16x1024xf32, #tpu.memory_space<vmem>>, vector<1x16xf32>,
          }
          %scan3A_424 = arith.constant 64 : i32
        } else {
        }
        %shift_right_arithmetic3A_365 = arith.constant 8 : i32
        %shift_right_arithmetic3A_366 = arith.shrsi %squeeze3A_116, %shift_right_arithmetic3A_365 : i32
        %and3A_367 = arith.constant 255 : i32
        %and3A_368 = arith.andi %shift_right_arithmetic3A_366, %and3A_367 : i32
        %eq3A_369 = arith.constant 0 : i32
        %eq3A_370 = arith.cmpi eq, %and3A_368, %eq3A_369 : i32
        %convert_element_type3A_371 = arith.extui %eq3A_370 : i1 to i32
        %cond3A_372 = arith.constant 0 : i32
        %cond3A_373 = arith.cmpi ne, %convert_element_type3A_371, %cond3A_372 : i32
        scf.if %cond3A_373 {
          %scan3A_419 = arith.constant 0 : i32
          %scan3A_420 = arith.constant 0 : i32
          %scan3A_421 = arith.constant 64 : i32
          %scan3A_422 = arith.addi %scan3A_420, %scan3A_421 : i32
          %scan3A_423 = arith.constant 1 : i32
          scf.for %scan3A_425 = %scan3A_420 to %scan3A_422 step %scan3A_423  : i32 {
            %mul3A_426 = arith.constant 16 : i32
            %mul3A_427 = arith.muli %scan3A_425, %mul3A_426 : i32
            %swap3A = arith.constant 10 : i32
            %swap3A_428 = arith.index_cast %swap3A : i32 to index
            %swap3A_429 = arith.index_cast %mul3A_427 : i32 to index
            %swap3A_430 = tpu.vector_load %arg7[%swap3A_428, %swap3A_429] {strides = array<i32>} : memref<16x1024xf32, #tpu.memory_space<vmem>>, vector<1x16xf32>,
            %swap3A_431 = vector.shape_cast %swap3A_430 : vector<1x16xf32> to vector<16xf32>
            %swap3A_432 = vector.shape_cast %broadcast_in_dim3A_3 : vector<16xf32> to vector<1x16xf32>
            tpu.vector_store %arg7[%swap3A_428, %swap3A_429], %swap3A_432 {strides = array<i32>} : memref<16x1024xf32, #tpu.memory_space<vmem>>, vector<1x16xf32>,
          }
          %scan3A_424 = arith.constant 64 : i32
        } else {
        }
        %shift_right_arithmetic3A_374 = arith.constant 8 : i32
        %shift_right_arithmetic3A_375 = arith.shrsi %squeeze3A_118, %shift_right_arithmetic3A_374 : i32
        %and3A_376 = arith.constant 255 : i32
        %and3A_377 = arith.andi %shift_right_arithmetic3A_375, %and3A_376 : i32
        %eq3A_378 = arith.constant 0 : i32
        %eq3A_379 = arith.cmpi eq, %and3A_377, %eq3A_378 : i32
        %convert_element_type3A_380 = arith.extui %eq3A_379 : i1 to i32
        %cond3A_381 = arith.constant 0 : i32
        %cond3A_382 = arith.cmpi ne, %convert_element_type3A_380, %cond3A_381 : i32
        scf.if %cond3A_382 {
          %scan3A_419 = arith.constant 0 : i32
          %scan3A_420 = arith.constant 0 : i32
          %scan3A_421 = arith.constant 64 : i32
          %scan3A_422 = arith.addi %scan3A_420, %scan3A_421 : i32
          %scan3A_423 = arith.constant 1 : i32
          scf.for %scan3A_425 = %scan3A_420 to %scan3A_422 step %scan3A_423  : i32 {
            %mul3A_426 = arith.constant 16 : i32
            %mul3A_427 = arith.muli %scan3A_425, %mul3A_426 : i32
            %swap3A = arith.constant 11 : i32
            %swap3A_428 = arith.index_cast %swap3A : i32 to index
            %swap3A_429 = arith.index_cast %mul3A_427 : i32 to index
            %swap3A_430 = tpu.vector_load %arg7[%swap3A_428, %swap3A_429] {strides = array<i32>} : memref<16x1024xf32, #tpu.memory_space<vmem>>, vector<1x16xf32>,
            %swap3A_431 = vector.shape_cast %swap3A_430 : vector<1x16xf32> to vector<16xf32>
            %swap3A_432 = vector.shape_cast %broadcast_in_dim3A_3 : vector<16xf32> to vector<1x16xf32>
            tpu.vector_store %arg7[%swap3A_428, %swap3A_429], %swap3A_432 {strides = array<i32>} : memref<16x1024xf32, #tpu.memory_space<vmem>>, vector<1x16xf32>,
          }
          %scan3A_424 = arith.constant 64 : i32
        } else {
        }
        %shift_right_arithmetic3A_383 = arith.constant 8 : i32
        %shift_right_arithmetic3A_384 = arith.shrsi %squeeze3A_120, %shift_right_arithmetic3A_383 : i32
        %and3A_385 = arith.constant 255 : i32
        %and3A_386 = arith.andi %shift_right_arithmetic3A_384, %and3A_385 : i32
        %eq3A_387 = arith.constant 0 : i32
        %eq3A_388 = arith.cmpi eq, %and3A_386, %eq3A_387 : i32
        %convert_element_type3A_389 = arith.extui %eq3A_388 : i1 to i32
        %cond3A_390 = arith.constant 0 : i32
        %cond3A_391 = arith.cmpi ne, %convert_element_type3A_389, %cond3A_390 : i32
        scf.if %cond3A_391 {
          %scan3A_419 = arith.constant 0 : i32
          %scan3A_420 = arith.constant 0 : i32
          %scan3A_421 = arith.constant 64 : i32
          %scan3A_422 = arith.addi %scan3A_420, %scan3A_421 : i32
          %scan3A_423 = arith.constant 1 : i32
          scf.for %scan3A_425 = %scan3A_420 to %scan3A_422 step %scan3A_423  : i32 {
            %mul3A_426 = arith.constant 16 : i32
            %mul3A_427 = arith.muli %scan3A_425, %mul3A_426 : i32
            %swap3A = arith.constant 12 : i32
            %swap3A_428 = arith.index_cast %swap3A : i32 to index
            %swap3A_429 = arith.index_cast %mul3A_427 : i32 to index
            %swap3A_430 = tpu.vector_load %arg7[%swap3A_428, %swap3A_429] {strides = array<i32>} : memref<16x1024xf32, #tpu.memory_space<vmem>>, vector<1x16xf32>,
            %swap3A_431 = vector.shape_cast %swap3A_430 : vector<1x16xf32> to vector<16xf32>
            %swap3A_432 = vector.shape_cast %broadcast_in_dim3A_3 : vector<16xf32> to vector<1x16xf32>
            tpu.vector_store %arg7[%swap3A_428, %swap3A_429], %swap3A_432 {strides = array<i32>} : memref<16x1024xf32, #tpu.memory_space<vmem>>, vector<1x16xf32>,
          }
          %scan3A_424 = arith.constant 64 : i32
        } else {
        }
        %shift_right_arithmetic3A_392 = arith.constant 8 : i32
        %shift_right_arithmetic3A_393 = arith.shrsi %squeeze3A_122, %shift_right_arithmetic3A_392 : i32
        %and3A_394 = arith.constant 255 : i32
        %and3A_395 = arith.andi %shift_right_arithmetic3A_393, %and3A_394 : i32
        %eq3A_396 = arith.constant 0 : i32
        %eq3A_397 = arith.cmpi eq, %and3A_395, %eq3A_396 : i32
        %convert_element_type3A_398 = arith.extui %eq3A_397 : i1 to i32
        %cond3A_399 = arith.constant 0 : i32
        %cond3A_400 = arith.cmpi ne, %convert_element_type3A_398, %cond3A_399 : i32
        scf.if %cond3A_400 {
          %scan3A_419 = arith.constant 0 : i32
          %scan3A_420 = arith.constant 0 : i32
          %scan3A_421 = arith.constant 64 : i32
          %scan3A_422 = arith.addi %scan3A_420, %scan3A_421 : i32
          %scan3A_423 = arith.constant 1 : i32
          scf.for %scan3A_425 = %scan3A_420 to %scan3A_422 step %scan3A_423  : i32 {
            %mul3A_426 = arith.constant 16 : i32
            %mul3A_427 = arith.muli %scan3A_425, %mul3A_426 : i32
            %swap3A = arith.constant 13 : i32
            %swap3A_428 = arith.index_cast %swap3A : i32 to index
            %swap3A_429 = arith.index_cast %mul3A_427 : i32 to index
            %swap3A_430 = tpu.vector_load %arg7[%swap3A_428, %swap3A_429] {strides = array<i32>} : memref<16x1024xf32, #tpu.memory_space<vmem>>, vector<1x16xf32>,
            %swap3A_431 = vector.shape_cast %swap3A_430 : vector<1x16xf32> to vector<16xf32>
            %swap3A_432 = vector.shape_cast %broadcast_in_dim3A_3 : vector<16xf32> to vector<1x16xf32>
            tpu.vector_store %arg7[%swap3A_428, %swap3A_429], %swap3A_432 {strides = array<i32>} : memref<16x1024xf32, #tpu.memory_space<vmem>>, vector<1x16xf32>,
          }
          %scan3A_424 = arith.constant 64 : i32
        } else {
        }
        %shift_right_arithmetic3A_401 = arith.constant 8 : i32
        %shift_right_arithmetic3A_402 = arith.shrsi %squeeze3A_124, %shift_right_arithmetic3A_401 : i32
        %and3A_403 = arith.constant 255 : i32
        %and3A_404 = arith.andi %shift_right_arithmetic3A_402, %and3A_403 : i32
        %eq3A_405 = arith.constant 0 : i32
        %eq3A_406 = arith.cmpi eq, %and3A_404, %eq3A_405 : i32
        %convert_element_type3A_407 = arith.extui %eq3A_406 : i1 to i32
        %cond3A_408 = arith.constant 0 : i32
        %cond3A_409 = arith.cmpi ne, %convert_element_type3A_407, %cond3A_408 : i32
        scf.if %cond3A_409 {
          %scan3A_419 = arith.constant 0 : i32
          %scan3A_420 = arith.constant 0 : i32
          %scan3A_421 = arith.constant 64 : i32
          %scan3A_422 = arith.addi %scan3A_420, %scan3A_421 : i32
          %scan3A_423 = arith.constant 1 : i32
          scf.for %scan3A_425 = %scan3A_420 to %scan3A_422 step %scan3A_423  : i32 {
            %mul3A_426 = arith.constant 16 : i32
            %mul3A_427 = arith.muli %scan3A_425, %mul3A_426 : i32
            %swap3A = arith.constant 14 : i32
            %swap3A_428 = arith.index_cast %swap3A : i32 to index
            %swap3A_429 = arith.index_cast %mul3A_427 : i32 to index
            %swap3A_430 = tpu.vector_load %arg7[%swap3A_428, %swap3A_429] {strides = array<i32>} : memref<16x1024xf32, #tpu.memory_space<vmem>>, vector<1x16xf32>,
            %swap3A_431 = vector.shape_cast %swap3A_430 : vector<1x16xf32> to vector<16xf32>
            %swap3A_432 = vector.shape_cast %broadcast_in_dim3A_3 : vector<16xf32> to vector<1x16xf32>
            tpu.vector_store %arg7[%swap3A_428, %swap3A_429], %swap3A_432 {strides = array<i32>} : memref<16x1024xf32, #tpu.memory_space<vmem>>, vector<1x16xf32>,
          }
          %scan3A_424 = arith.constant 64 : i32
        } else {
        }
        %shift_right_arithmetic3A_410 = arith.constant 8 : i32
        %shift_right_arithmetic3A_411 = arith.shrsi %squeeze3A_126, %shift_right_arithmetic3A_410 : i32
        %and3A_412 = arith.constant 255 : i32
        %and3A_413 = arith.andi %shift_right_arithmetic3A_411, %and3A_412 : i32
        %eq3A_414 = arith.constant 0 : i32
        %eq3A_415 = arith.cmpi eq, %and3A_413, %eq3A_414 : i32
        %convert_element_type3A_416 = arith.extui %eq3A_415 : i1 to i32
        %cond3A_417 = arith.constant 0 : i32
        %cond3A_418 = arith.cmpi ne, %convert_element_type3A_416, %cond3A_417 : i32
        scf.if %cond3A_418 {
          %scan3A_419 = arith.constant 0 : i32
          %scan3A_420 = arith.constant 0 : i32
          %scan3A_421 = arith.constant 64 : i32
          %scan3A_422 = arith.addi %scan3A_420, %scan3A_421 : i32
          %scan3A_423 = arith.constant 1 : i32
          scf.for %scan3A_425 = %scan3A_420 to %scan3A_422 step %scan3A_423  : i32 {
            %mul3A_426 = arith.constant 16 : i32
            %mul3A_427 = arith.muli %scan3A_425, %mul3A_426 : i32
            %swap3A = arith.constant 15 : i32
            %swap3A_428 = arith.index_cast %swap3A : i32 to index
            %swap3A_429 = arith.index_cast %mul3A_427 : i32 to index
            %swap3A_430 = tpu.vector_load %arg7[%swap3A_428, %swap3A_429] {strides = array<i32>} : memref<16x1024xf32, #tpu.memory_space<vmem>>, vector<1x16xf32>,
            %swap3A_431 = vector.shape_cast %swap3A_430 : vector<1x16xf32> to vector<16xf32>
            %swap3A_432 = vector.shape_cast %broadcast_in_dim3A_3 : vector<16xf32> to vector<1x16xf32>
            tpu.vector_store %arg7[%swap3A_428, %swap3A_429], %swap3A_432 {strides = array<i32>} : memref<16x1024xf32, #tpu.memory_space<vmem>>, vector<1x16xf32>,
          }
          %scan3A_424 = arith.constant 64 : i32
        } else {
        }
      } else {
      }
      %mul3A_217 = arith.constant 16 : i32
      %mul3A_218 = arith.muli %add3A_207, %mul3A_217 : i32
      %add3A_219 = arith.addi %mul3A_2, %mul3A_218 : i32
      %dma_start3A_220 = arith.constant 0 : i32
      %dma_start3A_221 = tpu.memref_slice %arg4[%add3A_219, %dma_start3A_220] : memref<32768x1024xf32, #tpu.memory_space<hbm>> -> memref<16x1024xf32, #tpu.memory_space<hbm>>
      %dma_start3A_222 = arith.constant 0 : i32
      %dma_start3A_223 = tpu.memref_slice %arg4[%add3A_219, %dma_start3A_222] : memref<32768x1024xf32, #tpu.memory_space<hbm>> -> memref<16x1024xf32, #tpu.memory_space<hbm>>
      tpu.enqueue_dma source(%arg7 : memref<16x1024xf32, #tpu.memory_space<vmem>>) target(%dma_start3A_223 : memref<16x1024xf32, #tpu.memory_space<hbm>>) target_semaphore(%arg15 : memref<!tpu.dma_semaphore, #tpu.memory_space<semaphore_mem>>)
      %lt3A = arith.constant 15 : i32
      %lt3A_224 = arith.cmpi slt, %scan3A_44, %lt3A : i32
      %convert_element_type3A_225 = arith.extui %lt3A_224 : i1 to i32
      %cond3A_226 = arith.constant 0 : i32
      %cond3A_227 = arith.cmpi ne, %convert_element_type3A_225, %cond3A_226 : i32
      scf.if %cond3A_227 {
        %dma_wait3A_278 = arith.constant 0 : i32
        %dma_wait3A_279 = tpu.memref_slice %arg4[%mul3A_2, %dma_wait3A_278] : memref<32768x1024xf32, #tpu.memory_space<hbm>> -> memref<16x1024xf32, #tpu.memory_space<hbm>>
        %dma_wait3A_280 = arith.constant 0 : i32
        %dma_wait3A_281 = tpu.memref_slice %arg4[%mul3A_2, %dma_wait3A_280] : memref<32768x1024xf32, #tpu.memory_space<hbm>> -> memref<16x1024xf32, #tpu.memory_space<hbm>>
        tpu.wait_dma2 semaphore(%arg14 : memref<!tpu.dma_semaphore, #tpu.memory_space<semaphore_mem>>) src(%arg6 : memref<16x1024xf32, #tpu.memory_space<vmem>>) dst(%dma_wait3A_281 : memref<16x1024xf32, #tpu.memory_space<hbm>>)
        %add3A_282 = arith.constant 4 : i32
        %add3A_283 = arith.addi %add3A_207, %add3A_282 : i32
        %sub3A_284 = arith.constant 1 : i32
        %sub3A_285 = arith.subi %add3A_283, %sub3A_284 : i32
        %dma_start3A_286 = arith.constant 0 : i32
        %dma_start3A_287 = tpu.memref_slice %arg5[%sub3A_285, %dma_start3A_286] : memref<64x16xi32, #tpu.memory_space<vmem>> -> memref<1x16xi32, #tpu.memory_space<vmem>>
        %dma_start3A_288 = tpu.memref_squeeze %dma_start3A_287 : memref<1x16xi32, #tpu.memory_space<vmem>> -> memref<16xi32, #tpu.memory_space<vmem>>
        %dma_start3A_289 = arith.constant 0 : i32
        %dma_start3A_290 = arith.constant 0 : i32
        %dma_start3A_291 = tpu.memref_slice %arg3[%dma_start3A_289, %dma_start3A_290] : memref<8193x1024xf32, #tpu.memory_space<hbm>> -> memref<8193x1024xf32, #tpu.memory_space<hbm>>
        tpu.enqueue_indirect_dma source(%dma_start3A_291 : memref<8193x1024xf32, #tpu.memory_space<hbm>>) target(%arg6 : memref<16x1024xf32, #tpu.memory_space<vmem>>) offsets(%dma_start3A_288 : memref<16xi32, #tpu.memory_space<vmem>>) semaphore(%arg10 : memref<!tpu.dma_semaphore, #tpu.memory_space<semaphore_mem>>)
      } else {
      }
      %mul3A_228 = arith.constant 4 : i32
      %mul3A_229 = arith.muli %scan3A_44, %mul3A_228 : i32
      %add3A_230 = arith.constant 2 : i32
      %add3A_231 = arith.addi %mul3A_229, %add3A_230 : i32
      %dma_wait3A_232 = arith.constant 0 : i32
      %dma_wait3A_233 = tpu.memref_slice %arg5[%add3A_231, %dma_wait3A_232] : memref<64x16xi32, #tpu.memory_space<vmem>> -> memref<1x16xi32, #tpu.memory_space<vmem>>
      %dma_wait3A_234 = tpu.memref_squeeze %dma_wait3A_233 : memref<1x16xi32, #tpu.memory_space<vmem>> -> memref<16xi32, #tpu.memory_space<vmem>>
      %dma_wait3A_235 = arith.constant 0 : i32
      %dma_wait3A_236 = arith.constant 0 : i32
      %dma_wait3A_237 = tpu.memref_slice %arg3[%dma_wait3A_235, %dma_wait3A_236] : memref<8193x1024xf32, #tpu.memory_space<hbm>> -> memref<8193x1024xf32, #tpu.memory_space<hbm>>
      tpu.wait_indirect_dma semaphore(%arg12 : memref<!tpu.dma_semaphore, #tpu.memory_space<semaphore_mem>>) src(%dma_wait3A_237 : memref<8193x1024xf32, #tpu.memory_space<hbm>>) dst(%arg8 : memref<16x1024xf32, #tpu.memory_space<vmem>>)
      %convert_element_type3A_238 = arith.extui %or3A_172 : i1 to i32
      %cond3A_239 = arith.constant 0 : i32
      %cond3A_240 = arith.cmpi ne, %convert_element_type3A_238, %cond3A_239 : i32
      scf.if %cond3A_240 {
        %shift_right_arithmetic3A = arith.constant 16 : i32
        %shift_right_arithmetic3A_278 = arith.shrsi %squeeze3A, %shift_right_arithmetic3A : i32
        %and3A = arith.constant 255 : i32
        %and3A_279 = arith.andi %shift_right_arithmetic3A_278, %and3A : i32
        %eq3A = arith.constant 0 : i32
        %eq3A_280 = arith.cmpi eq, %and3A_279, %eq3A : i32
        %convert_element_type3A_281 = arith.extui %eq3A_280 : i1 to i32
        %cond3A_282 = arith.constant 0 : i32
        %cond3A_283 = arith.cmpi ne, %convert_element_type3A_281, %cond3A_282 : i32
        scf.if %cond3A_283 {
          %scan3A_419 = arith.constant 0 : i32
          %scan3A_420 = arith.constant 0 : i32
          %scan3A_421 = arith.constant 64 : i32
          %scan3A_422 = arith.addi %scan3A_420, %scan3A_421 : i32
          %scan3A_423 = arith.constant 1 : i32
          scf.for %scan3A_425 = %scan3A_420 to %scan3A_422 step %scan3A_423  : i32 {
            %mul3A_426 = arith.constant 16 : i32
            %mul3A_427 = arith.muli %scan3A_425, %mul3A_426 : i32
            %swap3A = arith.constant 0 : i32
            %swap3A_428 = arith.index_cast %swap3A : i32 to index
            %swap3A_429 = arith.index_cast %mul3A_427 : i32 to index
            %swap3A_430 = tpu.vector_load %arg8[%swap3A_428, %swap3A_429] {strides = array<i32>} : memref<16x1024xf32, #tpu.memory_space<vmem>>, vector<1x16xf32>,
            %swap3A_431 = vector.shape_cast %swap3A_430 : vector<1x16xf32> to vector<16xf32>
            %swap3A_432 = vector.shape_cast %broadcast_in_dim3A_3 : vector<16xf32> to vector<1x16xf32>
            tpu.vector_store %arg8[%swap3A_428, %swap3A_429], %swap3A_432 {strides = array<i32>} : memref<16x1024xf32, #tpu.memory_space<vmem>>, vector<1x16xf32>,
          }
          %scan3A_424 = arith.constant 64 : i32
        } else {
        }
        %shift_right_arithmetic3A_284 = arith.constant 16 : i32
        %shift_right_arithmetic3A_285 = arith.shrsi %squeeze3A_98, %shift_right_arithmetic3A_284 : i32
        %and3A_286 = arith.constant 255 : i32
        %and3A_287 = arith.andi %shift_right_arithmetic3A_285, %and3A_286 : i32
        %eq3A_288 = arith.constant 0 : i32
        %eq3A_289 = arith.cmpi eq, %and3A_287, %eq3A_288 : i32
        %convert_element_type3A_290 = arith.extui %eq3A_289 : i1 to i32
        %cond3A_291 = arith.constant 0 : i32
        %cond3A_292 = arith.cmpi ne, %convert_element_type3A_290, %cond3A_291 : i32
        scf.if %cond3A_292 {
          %scan3A_419 = arith.constant 0 : i32
          %scan3A_420 = arith.constant 0 : i32
          %scan3A_421 = arith.constant 64 : i32
          %scan3A_422 = arith.addi %scan3A_420, %scan3A_421 : i32
          %scan3A_423 = arith.constant 1 : i32
          scf.for %scan3A_425 = %scan3A_420 to %scan3A_422 step %scan3A_423  : i32 {
            %mul3A_426 = arith.constant 16 : i32
            %mul3A_427 = arith.muli %scan3A_425, %mul3A_426 : i32
            %swap3A = arith.constant 1 : i32
            %swap3A_428 = arith.index_cast %swap3A : i32 to index
            %swap3A_429 = arith.index_cast %mul3A_427 : i32 to index
            %swap3A_430 = tpu.vector_load %arg8[%swap3A_428, %swap3A_429] {strides = array<i32>} : memref<16x1024xf32, #tpu.memory_space<vmem>>, vector<1x16xf32>,
            %swap3A_431 = vector.shape_cast %swap3A_430 : vector<1x16xf32> to vector<16xf32>
            %swap3A_432 = vector.shape_cast %broadcast_in_dim3A_3 : vector<16xf32> to vector<1x16xf32>
            tpu.vector_store %arg8[%swap3A_428, %swap3A_429], %swap3A_432 {strides = array<i32>} : memref<16x1024xf32, #tpu.memory_space<vmem>>, vector<1x16xf32>,
          }
          %scan3A_424 = arith.constant 64 : i32
        } else {
        }
        %shift_right_arithmetic3A_293 = arith.constant 16 : i32
        %shift_right_arithmetic3A_294 = arith.shrsi %squeeze3A_100, %shift_right_arithmetic3A_293 : i32
        %and3A_295 = arith.constant 255 : i32
        %and3A_296 = arith.andi %shift_right_arithmetic3A_294, %and3A_295 : i32
        %eq3A_297 = arith.constant 0 : i32
        %eq3A_298 = arith.cmpi eq, %and3A_296, %eq3A_297 : i32
        %convert_element_type3A_299 = arith.extui %eq3A_298 : i1 to i32
        %cond3A_300 = arith.constant 0 : i32
        %cond3A_301 = arith.cmpi ne, %convert_element_type3A_299, %cond3A_300 : i32
        scf.if %cond3A_301 {
          %scan3A_419 = arith.constant 0 : i32
          %scan3A_420 = arith.constant 0 : i32
          %scan3A_421 = arith.constant 64 : i32
          %scan3A_422 = arith.addi %scan3A_420, %scan3A_421 : i32
          %scan3A_423 = arith.constant 1 : i32
          scf.for %scan3A_425 = %scan3A_420 to %scan3A_422 step %scan3A_423  : i32 {
            %mul3A_426 = arith.constant 16 : i32
            %mul3A_427 = arith.muli %scan3A_425, %mul3A_426 : i32
            %swap3A = arith.constant 2 : i32
            %swap3A_428 = arith.index_cast %swap3A : i32 to index
            %swap3A_429 = arith.index_cast %mul3A_427 : i32 to index
            %swap3A_430 = tpu.vector_load %arg8[%swap3A_428, %swap3A_429] {strides = array<i32>} : memref<16x1024xf32, #tpu.memory_space<vmem>>, vector<1x16xf32>,
            %swap3A_431 = vector.shape_cast %swap3A_430 : vector<1x16xf32> to vector<16xf32>
            %swap3A_432 = vector.shape_cast %broadcast_in_dim3A_3 : vector<16xf32> to vector<1x16xf32>
            tpu.vector_store %arg8[%swap3A_428, %swap3A_429], %swap3A_432 {strides = array<i32>} : memref<16x1024xf32, #tpu.memory_space<vmem>>, vector<1x16xf32>,
          }
          %scan3A_424 = arith.constant 64 : i32
        } else {
        }
        %shift_right_arithmetic3A_302 = arith.constant 16 : i32
        %shift_right_arithmetic3A_303 = arith.shrsi %squeeze3A_102, %shift_right_arithmetic3A_302 : i32
        %and3A_304 = arith.constant 255 : i32
        %and3A_305 = arith.andi %shift_right_arithmetic3A_303, %and3A_304 : i32
        %eq3A_306 = arith.constant 0 : i32
        %eq3A_307 = arith.cmpi eq, %and3A_305, %eq3A_306 : i32
        %convert_element_type3A_308 = arith.extui %eq3A_307 : i1 to i32
        %cond3A_309 = arith.constant 0 : i32
        %cond3A_310 = arith.cmpi ne, %convert_element_type3A_308, %cond3A_309 : i32
        scf.if %cond3A_310 {
          %scan3A_419 = arith.constant 0 : i32
          %scan3A_420 = arith.constant 0 : i32
          %scan3A_421 = arith.constant 64 : i32
          %scan3A_422 = arith.addi %scan3A_420, %scan3A_421 : i32
          %scan3A_423 = arith.constant 1 : i32
          scf.for %scan3A_425 = %scan3A_420 to %scan3A_422 step %scan3A_423  : i32 {
            %mul3A_426 = arith.constant 16 : i32
            %mul3A_427 = arith.muli %scan3A_425, %mul3A_426 : i32
            %swap3A = arith.constant 3 : i32
            %swap3A_428 = arith.index_cast %swap3A : i32 to index
            %swap3A_429 = arith.index_cast %mul3A_427 : i32 to index
            %swap3A_430 = tpu.vector_load %arg8[%swap3A_428, %swap3A_429] {strides = array<i32>} : memref<16x1024xf32, #tpu.memory_space<vmem>>, vector<1x16xf32>,
            %swap3A_431 = vector.shape_cast %swap3A_430 : vector<1x16xf32> to vector<16xf32>
            %swap3A_432 = vector.shape_cast %broadcast_in_dim3A_3 : vector<16xf32> to vector<1x16xf32>
            tpu.vector_store %arg8[%swap3A_428, %swap3A_429], %swap3A_432 {strides = array<i32>} : memref<16x1024xf32, #tpu.memory_space<vmem>>, vector<1x16xf32>,
          }
          %scan3A_424 = arith.constant 64 : i32
        } else {
        }
        %shift_right_arithmetic3A_311 = arith.constant 16 : i32
        %shift_right_arithmetic3A_312 = arith.shrsi %squeeze3A_104, %shift_right_arithmetic3A_311 : i32
        %and3A_313 = arith.constant 255 : i32
        %and3A_314 = arith.andi %shift_right_arithmetic3A_312, %and3A_313 : i32
        %eq3A_315 = arith.constant 0 : i32
        %eq3A_316 = arith.cmpi eq, %and3A_314, %eq3A_315 : i32
        %convert_element_type3A_317 = arith.extui %eq3A_316 : i1 to i32
        %cond3A_318 = arith.constant 0 : i32
        %cond3A_319 = arith.cmpi ne, %convert_element_type3A_317, %cond3A_318 : i32
        scf.if %cond3A_319 {
          %scan3A_419 = arith.constant 0 : i32
          %scan3A_420 = arith.constant 0 : i32
          %scan3A_421 = arith.constant 64 : i32
          %scan3A_422 = arith.addi %scan3A_420, %scan3A_421 : i32
          %scan3A_423 = arith.constant 1 : i32
          scf.for %scan3A_425 = %scan3A_420 to %scan3A_422 step %scan3A_423  : i32 {
            %mul3A_426 = arith.constant 16 : i32
            %mul3A_427 = arith.muli %scan3A_425, %mul3A_426 : i32
            %swap3A = arith.constant 4 : i32
            %swap3A_428 = arith.index_cast %swap3A : i32 to index
            %swap3A_429 = arith.index_cast %mul3A_427 : i32 to index
            %swap3A_430 = tpu.vector_load %arg8[%swap3A_428, %swap3A_429] {strides = array<i32>} : memref<16x1024xf32, #tpu.memory_space<vmem>>, vector<1x16xf32>,
            %swap3A_431 = vector.shape_cast %swap3A_430 : vector<1x16xf32> to vector<16xf32>
            %swap3A_432 = vector.shape_cast %broadcast_in_dim3A_3 : vector<16xf32> to vector<1x16xf32>
            tpu.vector_store %arg8[%swap3A_428, %swap3A_429], %swap3A_432 {strides = array<i32>} : memref<16x1024xf32, #tpu.memory_space<vmem>>, vector<1x16xf32>,
          }
          %scan3A_424 = arith.constant 64 : i32
        } else {
        }
        %shift_right_arithmetic3A_320 = arith.constant 16 : i32
        %shift_right_arithmetic3A_321 = arith.shrsi %squeeze3A_106, %shift_right_arithmetic3A_320 : i32
        %and3A_322 = arith.constant 255 : i32
        %and3A_323 = arith.andi %shift_right_arithmetic3A_321, %and3A_322 : i32
        %eq3A_324 = arith.constant 0 : i32
        %eq3A_325 = arith.cmpi eq, %and3A_323, %eq3A_324 : i32
        %convert_element_type3A_326 = arith.extui %eq3A_325 : i1 to i32
        %cond3A_327 = arith.constant 0 : i32
        %cond3A_328 = arith.cmpi ne, %convert_element_type3A_326, %cond3A_327 : i32
        scf.if %cond3A_328 {
          %scan3A_419 = arith.constant 0 : i32
          %scan3A_420 = arith.constant 0 : i32
          %scan3A_421 = arith.constant 64 : i32
          %scan3A_422 = arith.addi %scan3A_420, %scan3A_421 : i32
          %scan3A_423 = arith.constant 1 : i32
          scf.for %scan3A_425 = %scan3A_420 to %scan3A_422 step %scan3A_423  : i32 {
            %mul3A_426 = arith.constant 16 : i32
            %mul3A_427 = arith.muli %scan3A_425, %mul3A_426 : i32
            %swap3A = arith.constant 5 : i32
            %swap3A_428 = arith.index_cast %swap3A : i32 to index
            %swap3A_429 = arith.index_cast %mul3A_427 : i32 to index
            %swap3A_430 = tpu.vector_load %arg8[%swap3A_428, %swap3A_429] {strides = array<i32>} : memref<16x1024xf32, #tpu.memory_space<vmem>>, vector<1x16xf32>,
            %swap3A_431 = vector.shape_cast %swap3A_430 : vector<1x16xf32> to vector<16xf32>
            %swap3A_432 = vector.shape_cast %broadcast_in_dim3A_3 : vector<16xf32> to vector<1x16xf32>
            tpu.vector_store %arg8[%swap3A_428, %swap3A_429], %swap3A_432 {strides = array<i32>} : memref<16x1024xf32, #tpu.memory_space<vmem>>, vector<1x16xf32>,
          }
          %scan3A_424 = arith.constant 64 : i32
        } else {
        }
        %shift_right_arithmetic3A_329 = arith.constant 16 : i32
        %shift_right_arithmetic3A_330 = arith.shrsi %squeeze3A_108, %shift_right_arithmetic3A_329 : i32
        %and3A_331 = arith.constant 255 : i32
        %and3A_332 = arith.andi %shift_right_arithmetic3A_330, %and3A_331 : i32
        %eq3A_333 = arith.constant 0 : i32
        %eq3A_334 = arith.cmpi eq, %and3A_332, %eq3A_333 : i32
        %convert_element_type3A_335 = arith.extui %eq3A_334 : i1 to i32
        %cond3A_336 = arith.constant 0 : i32
        %cond3A_337 = arith.cmpi ne, %convert_element_type3A_335, %cond3A_336 : i32
        scf.if %cond3A_337 {
          %scan3A_419 = arith.constant 0 : i32
          %scan3A_420 = arith.constant 0 : i32
          %scan3A_421 = arith.constant 64 : i32
          %scan3A_422 = arith.addi %scan3A_420, %scan3A_421 : i32
          %scan3A_423 = arith.constant 1 : i32
          scf.for %scan3A_425 = %scan3A_420 to %scan3A_422 step %scan3A_423  : i32 {
            %mul3A_426 = arith.constant 16 : i32
            %mul3A_427 = arith.muli %scan3A_425, %mul3A_426 : i32
            %swap3A = arith.constant 6 : i32
            %swap3A_428 = arith.index_cast %swap3A : i32 to index
            %swap3A_429 = arith.index_cast %mul3A_427 : i32 to index
            %swap3A_430 = tpu.vector_load %arg8[%swap3A_428, %swap3A_429] {strides = array<i32>} : memref<16x1024xf32, #tpu.memory_space<vmem>>, vector<1x16xf32>,
            %swap3A_431 = vector.shape_cast %swap3A_430 : vector<1x16xf32> to vector<16xf32>
            %swap3A_432 = vector.shape_cast %broadcast_in_dim3A_3 : vector<16xf32> to vector<1x16xf32>
            tpu.vector_store %arg8[%swap3A_428, %swap3A_429], %swap3A_432 {strides = array<i32>} : memref<16x1024xf32, #tpu.memory_space<vmem>>, vector<1x16xf32>,
          }
          %scan3A_424 = arith.constant 64 : i32
        } else {
        }
        %shift_right_arithmetic3A_338 = arith.constant 16 : i32
        %shift_right_arithmetic3A_339 = arith.shrsi %squeeze3A_110, %shift_right_arithmetic3A_338 : i32
        %and3A_340 = arith.constant 255 : i32
        %and3A_341 = arith.andi %shift_right_arithmetic3A_339, %and3A_340 : i32
        %eq3A_342 = arith.constant 0 : i32
        %eq3A_343 = arith.cmpi eq, %and3A_341, %eq3A_342 : i32
        %convert_element_type3A_344 = arith.extui %eq3A_343 : i1 to i32
        %cond3A_345 = arith.constant 0 : i32
        %cond3A_346 = arith.cmpi ne, %convert_element_type3A_344, %cond3A_345 : i32
        scf.if %cond3A_346 {
          %scan3A_419 = arith.constant 0 : i32
          %scan3A_420 = arith.constant 0 : i32
          %scan3A_421 = arith.constant 64 : i32
          %scan3A_422 = arith.addi %scan3A_420, %scan3A_421 : i32
          %scan3A_423 = arith.constant 1 : i32
          scf.for %scan3A_425 = %scan3A_420 to %scan3A_422 step %scan3A_423  : i32 {
            %mul3A_426 = arith.constant 16 : i32
            %mul3A_427 = arith.muli %scan3A_425, %mul3A_426 : i32
            %swap3A = arith.constant 7 : i32
            %swap3A_428 = arith.index_cast %swap3A : i32 to index
            %swap3A_429 = arith.index_cast %mul3A_427 : i32 to index
            %swap3A_430 = tpu.vector_load %arg8[%swap3A_428, %swap3A_429] {strides = array<i32>} : memref<16x1024xf32, #tpu.memory_space<vmem>>, vector<1x16xf32>,
            %swap3A_431 = vector.shape_cast %swap3A_430 : vector<1x16xf32> to vector<16xf32>
            %swap3A_432 = vector.shape_cast %broadcast_in_dim3A_3 : vector<16xf32> to vector<1x16xf32>
            tpu.vector_store %arg8[%swap3A_428, %swap3A_429], %swap3A_432 {strides = array<i32>} : memref<16x1024xf32, #tpu.memory_space<vmem>>, vector<1x16xf32>,
          }
          %scan3A_424 = arith.constant 64 : i32
        } else {
        }
        %shift_right_arithmetic3A_347 = arith.constant 16 : i32
        %shift_right_arithmetic3A_348 = arith.shrsi %squeeze3A_112, %shift_right_arithmetic3A_347 : i32
        %and3A_349 = arith.constant 255 : i32
        %and3A_350 = arith.andi %shift_right_arithmetic3A_348, %and3A_349 : i32
        %eq3A_351 = arith.constant 0 : i32
        %eq3A_352 = arith.cmpi eq, %and3A_350, %eq3A_351 : i32
        %convert_element_type3A_353 = arith.extui %eq3A_352 : i1 to i32
        %cond3A_354 = arith.constant 0 : i32
        %cond3A_355 = arith.cmpi ne, %convert_element_type3A_353, %cond3A_354 : i32
        scf.if %cond3A_355 {
          %scan3A_419 = arith.constant 0 : i32
          %scan3A_420 = arith.constant 0 : i32
          %scan3A_421 = arith.constant 64 : i32
          %scan3A_422 = arith.addi %scan3A_420, %scan3A_421 : i32
          %scan3A_423 = arith.constant 1 : i32
          scf.for %scan3A_425 = %scan3A_420 to %scan3A_422 step %scan3A_423  : i32 {
            %mul3A_426 = arith.constant 16 : i32
            %mul3A_427 = arith.muli %scan3A_425, %mul3A_426 : i32
            %swap3A = arith.constant 8 : i32
            %swap3A_428 = arith.index_cast %swap3A : i32 to index
            %swap3A_429 = arith.index_cast %mul3A_427 : i32 to index
            %swap3A_430 = tpu.vector_load %arg8[%swap3A_428, %swap3A_429] {strides = array<i32>} : memref<16x1024xf32, #tpu.memory_space<vmem>>, vector<1x16xf32>,
            %swap3A_431 = vector.shape_cast %swap3A_430 : vector<1x16xf32> to vector<16xf32>
            %swap3A_432 = vector.shape_cast %broadcast_in_dim3A_3 : vector<16xf32> to vector<1x16xf32>
            tpu.vector_store %arg8[%swap3A_428, %swap3A_429], %swap3A_432 {strides = array<i32>} : memref<16x1024xf32, #tpu.memory_space<vmem>>, vector<1x16xf32>,
          }
          %scan3A_424 = arith.constant 64 : i32
        } else {
        }
        %shift_right_arithmetic3A_356 = arith.constant 16 : i32
        %shift_right_arithmetic3A_357 = arith.shrsi %squeeze3A_114, %shift_right_arithmetic3A_356 : i32
        %and3A_358 = arith.constant 255 : i32
        %and3A_359 = arith.andi %shift_right_arithmetic3A_357, %and3A_358 : i32
        %eq3A_360 = arith.constant 0 : i32
        %eq3A_361 = arith.cmpi eq, %and3A_359, %eq3A_360 : i32
        %convert_element_type3A_362 = arith.extui %eq3A_361 : i1 to i32
        %cond3A_363 = arith.constant 0 : i32
        %cond3A_364 = arith.cmpi ne, %convert_element_type3A_362, %cond3A_363 : i32
        scf.if %cond3A_364 {
          %scan3A_419 = arith.constant 0 : i32
          %scan3A_420 = arith.constant 0 : i32
          %scan3A_421 = arith.constant 64 : i32
          %scan3A_422 = arith.addi %scan3A_420, %scan3A_421 : i32
          %scan3A_423 = arith.constant 1 : i32
          scf.for %scan3A_425 = %scan3A_420 to %scan3A_422 step %scan3A_423  : i32 {
            %mul3A_426 = arith.constant 16 : i32
            %mul3A_427 = arith.muli %scan3A_425, %mul3A_426 : i32
            %swap3A = arith.constant 9 : i32
            %swap3A_428 = arith.index_cast %swap3A : i32 to index
            %swap3A_429 = arith.index_cast %mul3A_427 : i32 to index
            %swap3A_430 = tpu.vector_load %arg8[%swap3A_428, %swap3A_429] {strides = array<i32>} : memref<16x1024xf32, #tpu.memory_space<vmem>>, vector<1x16xf32>,
            %swap3A_431 = vector.shape_cast %swap3A_430 : vector<1x16xf32> to vector<16xf32>
            %swap3A_432 = vector.shape_cast %broadcast_in_dim3A_3 : vector<16xf32> to vector<1x16xf32>
            tpu.vector_store %arg8[%swap3A_428, %swap3A_429], %swap3A_432 {strides = array<i32>} : memref<16x1024xf32, #tpu.memory_space<vmem>>, vector<1x16xf32>,
          }
          %scan3A_424 = arith.constant 64 : i32
        } else {
        }
        %shift_right_arithmetic3A_365 = arith.constant 16 : i32
        %shift_right_arithmetic3A_366 = arith.shrsi %squeeze3A_116, %shift_right_arithmetic3A_365 : i32
        %and3A_367 = arith.constant 255 : i32
        %and3A_368 = arith.andi %shift_right_arithmetic3A_366, %and3A_367 : i32
        %eq3A_369 = arith.constant 0 : i32
        %eq3A_370 = arith.cmpi eq, %and3A_368, %eq3A_369 : i32
        %convert_element_type3A_371 = arith.extui %eq3A_370 : i1 to i32
        %cond3A_372 = arith.constant 0 : i32
        %cond3A_373 = arith.cmpi ne, %convert_element_type3A_371, %cond3A_372 : i32
        scf.if %cond3A_373 {
          %scan3A_419 = arith.constant 0 : i32
          %scan3A_420 = arith.constant 0 : i32
          %scan3A_421 = arith.constant 64 : i32
          %scan3A_422 = arith.addi %scan3A_420, %scan3A_421 : i32
          %scan3A_423 = arith.constant 1 : i32
          scf.for %scan3A_425 = %scan3A_420 to %scan3A_422 step %scan3A_423  : i32 {
            %mul3A_426 = arith.constant 16 : i32
            %mul3A_427 = arith.muli %scan3A_425, %mul3A_426 : i32
            %swap3A = arith.constant 10 : i32
            %swap3A_428 = arith.index_cast %swap3A : i32 to index
            %swap3A_429 = arith.index_cast %mul3A_427 : i32 to index
            %swap3A_430 = tpu.vector_load %arg8[%swap3A_428, %swap3A_429] {strides = array<i32>} : memref<16x1024xf32, #tpu.memory_space<vmem>>, vector<1x16xf32>,
            %swap3A_431 = vector.shape_cast %swap3A_430 : vector<1x16xf32> to vector<16xf32>
            %swap3A_432 = vector.shape_cast %broadcast_in_dim3A_3 : vector<16xf32> to vector<1x16xf32>
            tpu.vector_store %arg8[%swap3A_428, %swap3A_429], %swap3A_432 {strides = array<i32>} : memref<16x1024xf32, #tpu.memory_space<vmem>>, vector<1x16xf32>,
          }
          %scan3A_424 = arith.constant 64 : i32
        } else {
        }
        %shift_right_arithmetic3A_374 = arith.constant 16 : i32
        %shift_right_arithmetic3A_375 = arith.shrsi %squeeze3A_118, %shift_right_arithmetic3A_374 : i32
        %and3A_376 = arith.constant 255 : i32
        %and3A_377 = arith.andi %shift_right_arithmetic3A_375, %and3A_376 : i32
        %eq3A_378 = arith.constant 0 : i32
        %eq3A_379 = arith.cmpi eq, %and3A_377, %eq3A_378 : i32
        %convert_element_type3A_380 = arith.extui %eq3A_379 : i1 to i32
        %cond3A_381 = arith.constant 0 : i32
        %cond3A_382 = arith.cmpi ne, %convert_element_type3A_380, %cond3A_381 : i32
        scf.if %cond3A_382 {
          %scan3A_419 = arith.constant 0 : i32
          %scan3A_420 = arith.constant 0 : i32
          %scan3A_421 = arith.constant 64 : i32
          %scan3A_422 = arith.addi %scan3A_420, %scan3A_421 : i32
          %scan3A_423 = arith.constant 1 : i32
          scf.for %scan3A_425 = %scan3A_420 to %scan3A_422 step %scan3A_423  : i32 {
            %mul3A_426 = arith.constant 16 : i32
            %mul3A_427 = arith.muli %scan3A_425, %mul3A_426 : i32
            %swap3A = arith.constant 11 : i32
            %swap3A_428 = arith.index_cast %swap3A : i32 to index
            %swap3A_429 = arith.index_cast %mul3A_427 : i32 to index
            %swap3A_430 = tpu.vector_load %arg8[%swap3A_428, %swap3A_429] {strides = array<i32>} : memref<16x1024xf32, #tpu.memory_space<vmem>>, vector<1x16xf32>,
            %swap3A_431 = vector.shape_cast %swap3A_430 : vector<1x16xf32> to vector<16xf32>
            %swap3A_432 = vector.shape_cast %broadcast_in_dim3A_3 : vector<16xf32> to vector<1x16xf32>
            tpu.vector_store %arg8[%swap3A_428, %swap3A_429], %swap3A_432 {strides = array<i32>} : memref<16x1024xf32, #tpu.memory_space<vmem>>, vector<1x16xf32>,
          }
          %scan3A_424 = arith.constant 64 : i32
        } else {
        }
        %shift_right_arithmetic3A_383 = arith.constant 16 : i32
        %shift_right_arithmetic3A_384 = arith.shrsi %squeeze3A_120, %shift_right_arithmetic3A_383 : i32
        %and3A_385 = arith.constant 255 : i32
        %and3A_386 = arith.andi %shift_right_arithmetic3A_384, %and3A_385 : i32
        %eq3A_387 = arith.constant 0 : i32
        %eq3A_388 = arith.cmpi eq, %and3A_386, %eq3A_387 : i32
        %convert_element_type3A_389 = arith.extui %eq3A_388 : i1 to i32
        %cond3A_390 = arith.constant 0 : i32
        %cond3A_391 = arith.cmpi ne, %convert_element_type3A_389, %cond3A_390 : i32
        scf.if %cond3A_391 {
          %scan3A_419 = arith.constant 0 : i32
          %scan3A_420 = arith.constant 0 : i32
          %scan3A_421 = arith.constant 64 : i32
          %scan3A_422 = arith.addi %scan3A_420, %scan3A_421 : i32
          %scan3A_423 = arith.constant 1 : i32
          scf.for %scan3A_425 = %scan3A_420 to %scan3A_422 step %scan3A_423  : i32 {
            %mul3A_426 = arith.constant 16 : i32
            %mul3A_427 = arith.muli %scan3A_425, %mul3A_426 : i32
            %swap3A = arith.constant 12 : i32
            %swap3A_428 = arith.index_cast %swap3A : i32 to index
            %swap3A_429 = arith.index_cast %mul3A_427 : i32 to index
            %swap3A_430 = tpu.vector_load %arg8[%swap3A_428, %swap3A_429] {strides = array<i32>} : memref<16x1024xf32, #tpu.memory_space<vmem>>, vector<1x16xf32>,
            %swap3A_431 = vector.shape_cast %swap3A_430 : vector<1x16xf32> to vector<16xf32>
            %swap3A_432 = vector.shape_cast %broadcast_in_dim3A_3 : vector<16xf32> to vector<1x16xf32>
            tpu.vector_store %arg8[%swap3A_428, %swap3A_429], %swap3A_432 {strides = array<i32>} : memref<16x1024xf32, #tpu.memory_space<vmem>>, vector<1x16xf32>,
          }
          %scan3A_424 = arith.constant 64 : i32
        } else {
        }
        %shift_right_arithmetic3A_392 = arith.constant 16 : i32
        %shift_right_arithmetic3A_393 = arith.shrsi %squeeze3A_122, %shift_right_arithmetic3A_392 : i32
        %and3A_394 = arith.constant 255 : i32
        %and3A_395 = arith.andi %shift_right_arithmetic3A_393, %and3A_394 : i32
        %eq3A_396 = arith.constant 0 : i32
        %eq3A_397 = arith.cmpi eq, %and3A_395, %eq3A_396 : i32
        %convert_element_type3A_398 = arith.extui %eq3A_397 : i1 to i32
        %cond3A_399 = arith.constant 0 : i32
        %cond3A_400 = arith.cmpi ne, %convert_element_type3A_398, %cond3A_399 : i32
        scf.if %cond3A_400 {
          %scan3A_419 = arith.constant 0 : i32
          %scan3A_420 = arith.constant 0 : i32
          %scan3A_421 = arith.constant 64 : i32
          %scan3A_422 = arith.addi %scan3A_420, %scan3A_421 : i32
          %scan3A_423 = arith.constant 1 : i32
          scf.for %scan3A_425 = %scan3A_420 to %scan3A_422 step %scan3A_423  : i32 {
            %mul3A_426 = arith.constant 16 : i32
            %mul3A_427 = arith.muli %scan3A_425, %mul3A_426 : i32
            %swap3A = arith.constant 13 : i32
            %swap3A_428 = arith.index_cast %swap3A : i32 to index
            %swap3A_429 = arith.index_cast %mul3A_427 : i32 to index
            %swap3A_430 = tpu.vector_load %arg8[%swap3A_428, %swap3A_429] {strides = array<i32>} : memref<16x1024xf32, #tpu.memory_space<vmem>>, vector<1x16xf32>,
            %swap3A_431 = vector.shape_cast %swap3A_430 : vector<1x16xf32> to vector<16xf32>
            %swap3A_432 = vector.shape_cast %broadcast_in_dim3A_3 : vector<16xf32> to vector<1x16xf32>
            tpu.vector_store %arg8[%swap3A_428, %swap3A_429], %swap3A_432 {strides = array<i32>} : memref<16x1024xf32, #tpu.memory_space<vmem>>, vector<1x16xf32>,
          }
          %scan3A_424 = arith.constant 64 : i32
        } else {
        }
        %shift_right_arithmetic3A_401 = arith.constant 16 : i32
        %shift_right_arithmetic3A_402 = arith.shrsi %squeeze3A_124, %shift_right_arithmetic3A_401 : i32
        %and3A_403 = arith.constant 255 : i32
        %and3A_404 = arith.andi %shift_right_arithmetic3A_402, %and3A_403 : i32
        %eq3A_405 = arith.constant 0 : i32
        %eq3A_406 = arith.cmpi eq, %and3A_404, %eq3A_405 : i32
        %convert_element_type3A_407 = arith.extui %eq3A_406 : i1 to i32
        %cond3A_408 = arith.constant 0 : i32
        %cond3A_409 = arith.cmpi ne, %convert_element_type3A_407, %cond3A_408 : i32
        scf.if %cond3A_409 {
          %scan3A_419 = arith.constant 0 : i32
          %scan3A_420 = arith.constant 0 : i32
          %scan3A_421 = arith.constant 64 : i32
          %scan3A_422 = arith.addi %scan3A_420, %scan3A_421 : i32
          %scan3A_423 = arith.constant 1 : i32
          scf.for %scan3A_425 = %scan3A_420 to %scan3A_422 step %scan3A_423  : i32 {
            %mul3A_426 = arith.constant 16 : i32
            %mul3A_427 = arith.muli %scan3A_425, %mul3A_426 : i32
            %swap3A = arith.constant 14 : i32
            %swap3A_428 = arith.index_cast %swap3A : i32 to index
            %swap3A_429 = arith.index_cast %mul3A_427 : i32 to index
            %swap3A_430 = tpu.vector_load %arg8[%swap3A_428, %swap3A_429] {strides = array<i32>} : memref<16x1024xf32, #tpu.memory_space<vmem>>, vector<1x16xf32>,
            %swap3A_431 = vector.shape_cast %swap3A_430 : vector<1x16xf32> to vector<16xf32>
            %swap3A_432 = vector.shape_cast %broadcast_in_dim3A_3 : vector<16xf32> to vector<1x16xf32>
            tpu.vector_store %arg8[%swap3A_428, %swap3A_429], %swap3A_432 {strides = array<i32>} : memref<16x1024xf32, #tpu.memory_space<vmem>>, vector<1x16xf32>,
          }
          %scan3A_424 = arith.constant 64 : i32
        } else {
        }
        %shift_right_arithmetic3A_410 = arith.constant 16 : i32
        %shift_right_arithmetic3A_411 = arith.shrsi %squeeze3A_126, %shift_right_arithmetic3A_410 : i32
        %and3A_412 = arith.constant 255 : i32
        %and3A_413 = arith.andi %shift_right_arithmetic3A_411, %and3A_412 : i32
        %eq3A_414 = arith.constant 0 : i32
        %eq3A_415 = arith.cmpi eq, %and3A_413, %eq3A_414 : i32
        %convert_element_type3A_416 = arith.extui %eq3A_415 : i1 to i32
        %cond3A_417 = arith.constant 0 : i32
        %cond3A_418 = arith.cmpi ne, %convert_element_type3A_416, %cond3A_417 : i32
        scf.if %cond3A_418 {
          %scan3A_419 = arith.constant 0 : i32
          %scan3A_420 = arith.constant 0 : i32
          %scan3A_421 = arith.constant 64 : i32
          %scan3A_422 = arith.addi %scan3A_420, %scan3A_421 : i32
          %scan3A_423 = arith.constant 1 : i32
          scf.for %scan3A_425 = %scan3A_420 to %scan3A_422 step %scan3A_423  : i32 {
            %mul3A_426 = arith.constant 16 : i32
            %mul3A_427 = arith.muli %scan3A_425, %mul3A_426 : i32
            %swap3A = arith.constant 15 : i32
            %swap3A_428 = arith.index_cast %swap3A : i32 to index
            %swap3A_429 = arith.index_cast %mul3A_427 : i32 to index
            %swap3A_430 = tpu.vector_load %arg8[%swap3A_428, %swap3A_429] {strides = array<i32>} : memref<16x1024xf32, #tpu.memory_space<vmem>>, vector<1x16xf32>,
            %swap3A_431 = vector.shape_cast %swap3A_430 : vector<1x16xf32> to vector<16xf32>
            %swap3A_432 = vector.shape_cast %broadcast_in_dim3A_3 : vector<16xf32> to vector<1x16xf32>
            tpu.vector_store %arg8[%swap3A_428, %swap3A_429], %swap3A_432 {strides = array<i32>} : memref<16x1024xf32, #tpu.memory_space<vmem>>, vector<1x16xf32>,
          }
          %scan3A_424 = arith.constant 64 : i32
        } else {
        }
      } else {
      }
      %mul3A_241 = arith.constant 16 : i32
      %mul3A_242 = arith.muli %add3A_231, %mul3A_241 : i32
      %add3A_243 = arith.addi %mul3A_2, %mul3A_242 : i32
      %dma_start3A_244 = arith.constant 0 : i32
      %dma_start3A_245 = tpu.memref_slice %arg4[%add3A_243, %dma_start3A_244] : memref<32768x1024xf32, #tpu.memory_space<hbm>> -> memref<16x1024xf32, #tpu.memory_space<hbm>>
      %dma_start3A_246 = arith.constant 0 : i32
      %dma_start3A_247 = tpu.memref_slice %arg4[%add3A_243, %dma_start3A_246] : memref<32768x1024xf32, #tpu.memory_space<hbm>> -> memref<16x1024xf32, #tpu.memory_space<hbm>>
      tpu.enqueue_dma source(%arg8 : memref<16x1024xf32, #tpu.memory_space<vmem>>) target(%dma_start3A_247 : memref<16x1024xf32, #tpu.memory_space<hbm>>) target_semaphore(%arg16 : memref<!tpu.dma_semaphore, #tpu.memory_space<semaphore_mem>>)
      %lt3A_248 = arith.constant 15 : i32
      %lt3A_249 = arith.cmpi slt, %scan3A_44, %lt3A_248 : i32
      %convert_element_type3A_250 = arith.extui %lt3A_249 : i1 to i32
      %cond3A_251 = arith.constant 0 : i32
      %cond3A_252 = arith.cmpi ne, %convert_element_type3A_250, %cond3A_251 : i32
      scf.if %cond3A_252 {
        %dma_wait3A_278 = arith.constant 0 : i32
        %dma_wait3A_279 = tpu.memref_slice %arg4[%mul3A_2, %dma_wait3A_278] : memref<32768x1024xf32, #tpu.memory_space<hbm>> -> memref<16x1024xf32, #tpu.memory_space<hbm>>
        %dma_wait3A_280 = arith.constant 0 : i32
        %dma_wait3A_281 = tpu.memref_slice %arg4[%mul3A_2, %dma_wait3A_280] : memref<32768x1024xf32, #tpu.memory_space<hbm>> -> memref<16x1024xf32, #tpu.memory_space<hbm>>
        tpu.wait_dma2 semaphore(%arg15 : memref<!tpu.dma_semaphore, #tpu.memory_space<semaphore_mem>>) src(%arg7 : memref<16x1024xf32, #tpu.memory_space<vmem>>) dst(%dma_wait3A_281 : memref<16x1024xf32, #tpu.memory_space<hbm>>)
        %add3A_282 = arith.constant 4 : i32
        %add3A_283 = arith.addi %add3A_231, %add3A_282 : i32
        %sub3A_284 = arith.constant 1 : i32
        %sub3A_285 = arith.subi %add3A_283, %sub3A_284 : i32
        %dma_start3A_286 = arith.constant 0 : i32
        %dma_start3A_287 = tpu.memref_slice %arg5[%sub3A_285, %dma_start3A_286] : memref<64x16xi32, #tpu.memory_space<vmem>> -> memref<1x16xi32, #tpu.memory_space<vmem>>
        %dma_start3A_288 = tpu.memref_squeeze %dma_start3A_287 : memref<1x16xi32, #tpu.memory_space<vmem>> -> memref<16xi32, #tpu.memory_space<vmem>>
        %dma_start3A_289 = arith.constant 0 : i32
        %dma_start3A_290 = arith.constant 0 : i32
        %dma_start3A_291 = tpu.memref_slice %arg3[%dma_start3A_289, %dma_start3A_290] : memref<8193x1024xf32, #tpu.memory_space<hbm>> -> memref<8193x1024xf32, #tpu.memory_space<hbm>>
        tpu.enqueue_indirect_dma source(%dma_start3A_291 : memref<8193x1024xf32, #tpu.memory_space<hbm>>) target(%arg7 : memref<16x1024xf32, #tpu.memory_space<vmem>>) offsets(%dma_start3A_288 : memref<16xi32, #tpu.memory_space<vmem>>) semaphore(%arg11 : memref<!tpu.dma_semaphore, #tpu.memory_space<semaphore_mem>>)
      } else {
      }
      %mul3A_253 = arith.constant 4 : i32
      %mul3A_254 = arith.muli %scan3A_44, %mul3A_253 : i32
      %add3A_255 = arith.constant 3 : i32
      %add3A_256 = arith.addi %mul3A_254, %add3A_255 : i32
      %dma_wait3A_257 = arith.constant 0 : i32
      %dma_wait3A_258 = tpu.memref_slice %arg5[%add3A_256, %dma_wait3A_257] : memref<64x16xi32, #tpu.memory_space<vmem>> -> memref<1x16xi32, #tpu.memory_space<vmem>>
      %dma_wait3A_259 = tpu.memref_squeeze %dma_wait3A_258 : memref<1x16xi32, #tpu.memory_space<vmem>> -> memref<16xi32, #tpu.memory_space<vmem>>
      %dma_wait3A_260 = arith.constant 0 : i32
      %dma_wait3A_261 = arith.constant 0 : i32
      %dma_wait3A_262 = tpu.memref_slice %arg3[%dma_wait3A_260, %dma_wait3A_261] : memref<8193x1024xf32, #tpu.memory_space<hbm>> -> memref<8193x1024xf32, #tpu.memory_space<hbm>>
      tpu.wait_indirect_dma semaphore(%arg13 : memref<!tpu.dma_semaphore, #tpu.memory_space<semaphore_mem>>) src(%dma_wait3A_262 : memref<8193x1024xf32, #tpu.memory_space<hbm>>) dst(%arg9 : memref<16x1024xf32, #tpu.memory_space<vmem>>)
      %convert_element_type3A_263 = arith.extui %or3A_172 : i1 to i32
      %cond3A_264 = arith.constant 0 : i32
      %cond3A_265 = arith.cmpi ne, %convert_element_type3A_263, %cond3A_264 : i32
      scf.if %cond3A_265 {
        %shift_right_arithmetic3A = arith.constant 24 : i32
        %shift_right_arithmetic3A_278 = arith.shrsi %squeeze3A, %shift_right_arithmetic3A : i32
        %and3A = arith.constant 255 : i32
        %and3A_279 = arith.andi %shift_right_arithmetic3A_278, %and3A : i32
        %eq3A = arith.constant 0 : i32
        %eq3A_280 = arith.cmpi eq, %and3A_279, %eq3A : i32
        %convert_element_type3A_281 = arith.extui %eq3A_280 : i1 to i32
        %cond3A_282 = arith.constant 0 : i32
        %cond3A_283 = arith.cmpi ne, %convert_element_type3A_281, %cond3A_282 : i32
        scf.if %cond3A_283 {
          %scan3A_419 = arith.constant 0 : i32
          %scan3A_420 = arith.constant 0 : i32
          %scan3A_421 = arith.constant 64 : i32
          %scan3A_422 = arith.addi %scan3A_420, %scan3A_421 : i32
          %scan3A_423 = arith.constant 1 : i32
          scf.for %scan3A_425 = %scan3A_420 to %scan3A_422 step %scan3A_423  : i32 {
            %mul3A_426 = arith.constant 16 : i32
            %mul3A_427 = arith.muli %scan3A_425, %mul3A_426 : i32
            %swap3A = arith.constant 0 : i32
            %swap3A_428 = arith.index_cast %swap3A : i32 to index
            %swap3A_429 = arith.index_cast %mul3A_427 : i32 to index
            %swap3A_430 = tpu.vector_load %arg9[%swap3A_428, %swap3A_429] {strides = array<i32>} : memref<16x1024xf32, #tpu.memory_space<vmem>>, vector<1x16xf32>,
            %swap3A_431 = vector.shape_cast %swap3A_430 : vector<1x16xf32> to vector<16xf32>
            %swap3A_432 = vector.shape_cast %broadcast_in_dim3A_3 : vector<16xf32> to vector<1x16xf32>
            tpu.vector_store %arg9[%swap3A_428, %swap3A_429], %swap3A_432 {strides = array<i32>} : memref<16x1024xf32, #tpu.memory_space<vmem>>, vector<1x16xf32>,
          }
          %scan3A_424 = arith.constant 64 : i32
        } else {
        }
        %shift_right_arithmetic3A_284 = arith.constant 24 : i32
        %shift_right_arithmetic3A_285 = arith.shrsi %squeeze3A_98, %shift_right_arithmetic3A_284 : i32
        %and3A_286 = arith.constant 255 : i32
        %and3A_287 = arith.andi %shift_right_arithmetic3A_285, %and3A_286 : i32
        %eq3A_288 = arith.constant 0 : i32
        %eq3A_289 = arith.cmpi eq, %and3A_287, %eq3A_288 : i32
        %convert_element_type3A_290 = arith.extui %eq3A_289 : i1 to i32
        %cond3A_291 = arith.constant 0 : i32
        %cond3A_292 = arith.cmpi ne, %convert_element_type3A_290, %cond3A_291 : i32
        scf.if %cond3A_292 {
          %scan3A_419 = arith.constant 0 : i32
          %scan3A_420 = arith.constant 0 : i32
          %scan3A_421 = arith.constant 64 : i32
          %scan3A_422 = arith.addi %scan3A_420, %scan3A_421 : i32
          %scan3A_423 = arith.constant 1 : i32
          scf.for %scan3A_425 = %scan3A_420 to %scan3A_422 step %scan3A_423  : i32 {
            %mul3A_426 = arith.constant 16 : i32
            %mul3A_427 = arith.muli %scan3A_425, %mul3A_426 : i32
            %swap3A = arith.constant 1 : i32
            %swap3A_428 = arith.index_cast %swap3A : i32 to index
            %swap3A_429 = arith.index_cast %mul3A_427 : i32 to index
            %swap3A_430 = tpu.vector_load %arg9[%swap3A_428, %swap3A_429] {strides = array<i32>} : memref<16x1024xf32, #tpu.memory_space<vmem>>, vector<1x16xf32>,
            %swap3A_431 = vector.shape_cast %swap3A_430 : vector<1x16xf32> to vector<16xf32>
            %swap3A_432 = vector.shape_cast %broadcast_in_dim3A_3 : vector<16xf32> to vector<1x16xf32>
            tpu.vector_store %arg9[%swap3A_428, %swap3A_429], %swap3A_432 {strides = array<i32>} : memref<16x1024xf32, #tpu.memory_space<vmem>>, vector<1x16xf32>,
          }
          %scan3A_424 = arith.constant 64 : i32
        } else {
        }
        %shift_right_arithmetic3A_293 = arith.constant 24 : i32
        %shift_right_arithmetic3A_294 = arith.shrsi %squeeze3A_100, %shift_right_arithmetic3A_293 : i32
        %and3A_295 = arith.constant 255 : i32
        %and3A_296 = arith.andi %shift_right_arithmetic3A_294, %and3A_295 : i32
        %eq3A_297 = arith.constant 0 : i32
        %eq3A_298 = arith.cmpi eq, %and3A_296, %eq3A_297 : i32
        %convert_element_type3A_299 = arith.extui %eq3A_298 : i1 to i32
        %cond3A_300 = arith.constant 0 : i32
        %cond3A_301 = arith.cmpi ne, %convert_element_type3A_299, %cond3A_300 : i32
        scf.if %cond3A_301 {
          %scan3A_419 = arith.constant 0 : i32
          %scan3A_420 = arith.constant 0 : i32
          %scan3A_421 = arith.constant 64 : i32
          %scan3A_422 = arith.addi %scan3A_420, %scan3A_421 : i32
          %scan3A_423 = arith.constant 1 : i32
          scf.for %scan3A_425 = %scan3A_420 to %scan3A_422 step %scan3A_423  : i32 {
            %mul3A_426 = arith.constant 16 : i32
            %mul3A_427 = arith.muli %scan3A_425, %mul3A_426 : i32
            %swap3A = arith.constant 2 : i32
            %swap3A_428 = arith.index_cast %swap3A : i32 to index
            %swap3A_429 = arith.index_cast %mul3A_427 : i32 to index
            %swap3A_430 = tpu.vector_load %arg9[%swap3A_428, %swap3A_429] {strides = array<i32>} : memref<16x1024xf32, #tpu.memory_space<vmem>>, vector<1x16xf32>,
            %swap3A_431 = vector.shape_cast %swap3A_430 : vector<1x16xf32> to vector<16xf32>
            %swap3A_432 = vector.shape_cast %broadcast_in_dim3A_3 : vector<16xf32> to vector<1x16xf32>
            tpu.vector_store %arg9[%swap3A_428, %swap3A_429], %swap3A_432 {strides = array<i32>} : memref<16x1024xf32, #tpu.memory_space<vmem>>, vector<1x16xf32>,
          }
          %scan3A_424 = arith.constant 64 : i32
        } else {
        }
        %shift_right_arithmetic3A_302 = arith.constant 24 : i32
        %shift_right_arithmetic3A_303 = arith.shrsi %squeeze3A_102, %shift_right_arithmetic3A_302 : i32
        %and3A_304 = arith.constant 255 : i32
        %and3A_305 = arith.andi %shift_right_arithmetic3A_303, %and3A_304 : i32
        %eq3A_306 = arith.constant 0 : i32
        %eq3A_307 = arith.cmpi eq, %and3A_305, %eq3A_306 : i32
        %convert_element_type3A_308 = arith.extui %eq3A_307 : i1 to i32
        %cond3A_309 = arith.constant 0 : i32
        %cond3A_310 = arith.cmpi ne, %convert_element_type3A_308, %cond3A_309 : i32
        scf.if %cond3A_310 {
          %scan3A_419 = arith.constant 0 : i32
          %scan3A_420 = arith.constant 0 : i32
          %scan3A_421 = arith.constant 64 : i32
          %scan3A_422 = arith.addi %scan3A_420, %scan3A_421 : i32
          %scan3A_423 = arith.constant 1 : i32
          scf.for %scan3A_425 = %scan3A_420 to %scan3A_422 step %scan3A_423  : i32 {
            %mul3A_426 = arith.constant 16 : i32
            %mul3A_427 = arith.muli %scan3A_425, %mul3A_426 : i32
            %swap3A = arith.constant 3 : i32
            %swap3A_428 = arith.index_cast %swap3A : i32 to index
            %swap3A_429 = arith.index_cast %mul3A_427 : i32 to index
            %swap3A_430 = tpu.vector_load %arg9[%swap3A_428, %swap3A_429] {strides = array<i32>} : memref<16x1024xf32, #tpu.memory_space<vmem>>, vector<1x16xf32>,
            %swap3A_431 = vector.shape_cast %swap3A_430 : vector<1x16xf32> to vector<16xf32>
            %swap3A_432 = vector.shape_cast %broadcast_in_dim3A_3 : vector<16xf32> to vector<1x16xf32>
            tpu.vector_store %arg9[%swap3A_428, %swap3A_429], %swap3A_432 {strides = array<i32>} : memref<16x1024xf32, #tpu.memory_space<vmem>>, vector<1x16xf32>,
          }
          %scan3A_424 = arith.constant 64 : i32
        } else {
        }
        %shift_right_arithmetic3A_311 = arith.constant 24 : i32
        %shift_right_arithmetic3A_312 = arith.shrsi %squeeze3A_104, %shift_right_arithmetic3A_311 : i32
        %and3A_313 = arith.constant 255 : i32
        %and3A_314 = arith.andi %shift_right_arithmetic3A_312, %and3A_313 : i32
        %eq3A_315 = arith.constant 0 : i32
        %eq3A_316 = arith.cmpi eq, %and3A_314, %eq3A_315 : i32
        %convert_element_type3A_317 = arith.extui %eq3A_316 : i1 to i32
        %cond3A_318 = arith.constant 0 : i32
        %cond3A_319 = arith.cmpi ne, %convert_element_type3A_317, %cond3A_318 : i32
        scf.if %cond3A_319 {
          %scan3A_419 = arith.constant 0 : i32
          %scan3A_420 = arith.constant 0 : i32
          %scan3A_421 = arith.constant 64 : i32
          %scan3A_422 = arith.addi %scan3A_420, %scan3A_421 : i32
          %scan3A_423 = arith.constant 1 : i32
          scf.for %scan3A_425 = %scan3A_420 to %scan3A_422 step %scan3A_423  : i32 {
            %mul3A_426 = arith.constant 16 : i32
            %mul3A_427 = arith.muli %scan3A_425, %mul3A_426 : i32
            %swap3A = arith.constant 4 : i32
            %swap3A_428 = arith.index_cast %swap3A : i32 to index
            %swap3A_429 = arith.index_cast %mul3A_427 : i32 to index
            %swap3A_430 = tpu.vector_load %arg9[%swap3A_428, %swap3A_429] {strides = array<i32>} : memref<16x1024xf32, #tpu.memory_space<vmem>>, vector<1x16xf32>,
            %swap3A_431 = vector.shape_cast %swap3A_430 : vector<1x16xf32> to vector<16xf32>
            %swap3A_432 = vector.shape_cast %broadcast_in_dim3A_3 : vector<16xf32> to vector<1x16xf32>
            tpu.vector_store %arg9[%swap3A_428, %swap3A_429], %swap3A_432 {strides = array<i32>} : memref<16x1024xf32, #tpu.memory_space<vmem>>, vector<1x16xf32>,
          }
          %scan3A_424 = arith.constant 64 : i32
        } else {
        }
        %shift_right_arithmetic3A_320 = arith.constant 24 : i32
        %shift_right_arithmetic3A_321 = arith.shrsi %squeeze3A_106, %shift_right_arithmetic3A_320 : i32
        %and3A_322 = arith.constant 255 : i32
        %and3A_323 = arith.andi %shift_right_arithmetic3A_321, %and3A_322 : i32
        %eq3A_324 = arith.constant 0 : i32
        %eq3A_325 = arith.cmpi eq, %and3A_323, %eq3A_324 : i32
        %convert_element_type3A_326 = arith.extui %eq3A_325 : i1 to i32
        %cond3A_327 = arith.constant 0 : i32
        %cond3A_328 = arith.cmpi ne, %convert_element_type3A_326, %cond3A_327 : i32
        scf.if %cond3A_328 {
          %scan3A_419 = arith.constant 0 : i32
          %scan3A_420 = arith.constant 0 : i32
          %scan3A_421 = arith.constant 64 : i32
          %scan3A_422 = arith.addi %scan3A_420, %scan3A_421 : i32
          %scan3A_423 = arith.constant 1 : i32
          scf.for %scan3A_425 = %scan3A_420 to %scan3A_422 step %scan3A_423  : i32 {
            %mul3A_426 = arith.constant 16 : i32
            %mul3A_427 = arith.muli %scan3A_425, %mul3A_426 : i32
            %swap3A = arith.constant 5 : i32
            %swap3A_428 = arith.index_cast %swap3A : i32 to index
            %swap3A_429 = arith.index_cast %mul3A_427 : i32 to index
            %swap3A_430 = tpu.vector_load %arg9[%swap3A_428, %swap3A_429] {strides = array<i32>} : memref<16x1024xf32, #tpu.memory_space<vmem>>, vector<1x16xf32>,
            %swap3A_431 = vector.shape_cast %swap3A_430 : vector<1x16xf32> to vector<16xf32>
            %swap3A_432 = vector.shape_cast %broadcast_in_dim3A_3 : vector<16xf32> to vector<1x16xf32>
            tpu.vector_store %arg9[%swap3A_428, %swap3A_429], %swap3A_432 {strides = array<i32>} : memref<16x1024xf32, #tpu.memory_space<vmem>>, vector<1x16xf32>,
          }
          %scan3A_424 = arith.constant 64 : i32
        } else {
        }
        %shift_right_arithmetic3A_329 = arith.constant 24 : i32
        %shift_right_arithmetic3A_330 = arith.shrsi %squeeze3A_108, %shift_right_arithmetic3A_329 : i32
        %and3A_331 = arith.constant 255 : i32
        %and3A_332 = arith.andi %shift_right_arithmetic3A_330, %and3A_331 : i32
        %eq3A_333 = arith.constant 0 : i32
        %eq3A_334 = arith.cmpi eq, %and3A_332, %eq3A_333 : i32
        %convert_element_type3A_335 = arith.extui %eq3A_334 : i1 to i32
        %cond3A_336 = arith.constant 0 : i32
        %cond3A_337 = arith.cmpi ne, %convert_element_type3A_335, %cond3A_336 : i32
        scf.if %cond3A_337 {
          %scan3A_419 = arith.constant 0 : i32
          %scan3A_420 = arith.constant 0 : i32
          %scan3A_421 = arith.constant 64 : i32
          %scan3A_422 = arith.addi %scan3A_420, %scan3A_421 : i32
          %scan3A_423 = arith.constant 1 : i32
          scf.for %scan3A_425 = %scan3A_420 to %scan3A_422 step %scan3A_423  : i32 {
            %mul3A_426 = arith.constant 16 : i32
            %mul3A_427 = arith.muli %scan3A_425, %mul3A_426 : i32
            %swap3A = arith.constant 6 : i32
            %swap3A_428 = arith.index_cast %swap3A : i32 to index
            %swap3A_429 = arith.index_cast %mul3A_427 : i32 to index
            %swap3A_430 = tpu.vector_load %arg9[%swap3A_428, %swap3A_429] {strides = array<i32>} : memref<16x1024xf32, #tpu.memory_space<vmem>>, vector<1x16xf32>,
            %swap3A_431 = vector.shape_cast %swap3A_430 : vector<1x16xf32> to vector<16xf32>
            %swap3A_432 = vector.shape_cast %broadcast_in_dim3A_3 : vector<16xf32> to vector<1x16xf32>
            tpu.vector_store %arg9[%swap3A_428, %swap3A_429], %swap3A_432 {strides = array<i32>} : memref<16x1024xf32, #tpu.memory_space<vmem>>, vector<1x16xf32>,
          }
          %scan3A_424 = arith.constant 64 : i32
        } else {
        }
        %shift_right_arithmetic3A_338 = arith.constant 24 : i32
        %shift_right_arithmetic3A_339 = arith.shrsi %squeeze3A_110, %shift_right_arithmetic3A_338 : i32
        %and3A_340 = arith.constant 255 : i32
        %and3A_341 = arith.andi %shift_right_arithmetic3A_339, %and3A_340 : i32
        %eq3A_342 = arith.constant 0 : i32
        %eq3A_343 = arith.cmpi eq, %and3A_341, %eq3A_342 : i32
        %convert_element_type3A_344 = arith.extui %eq3A_343 : i1 to i32
        %cond3A_345 = arith.constant 0 : i32
        %cond3A_346 = arith.cmpi ne, %convert_element_type3A_344, %cond3A_345 : i32
        scf.if %cond3A_346 {
          %scan3A_419 = arith.constant 0 : i32
          %scan3A_420 = arith.constant 0 : i32
          %scan3A_421 = arith.constant 64 : i32
          %scan3A_422 = arith.addi %scan3A_420, %scan3A_421 : i32
          %scan3A_423 = arith.constant 1 : i32
          scf.for %scan3A_425 = %scan3A_420 to %scan3A_422 step %scan3A_423  : i32 {
            %mul3A_426 = arith.constant 16 : i32
            %mul3A_427 = arith.muli %scan3A_425, %mul3A_426 : i32
            %swap3A = arith.constant 7 : i32
            %swap3A_428 = arith.index_cast %swap3A : i32 to index
            %swap3A_429 = arith.index_cast %mul3A_427 : i32 to index
            %swap3A_430 = tpu.vector_load %arg9[%swap3A_428, %swap3A_429] {strides = array<i32>} : memref<16x1024xf32, #tpu.memory_space<vmem>>, vector<1x16xf32>,
            %swap3A_431 = vector.shape_cast %swap3A_430 : vector<1x16xf32> to vector<16xf32>
            %swap3A_432 = vector.shape_cast %broadcast_in_dim3A_3 : vector<16xf32> to vector<1x16xf32>
            tpu.vector_store %arg9[%swap3A_428, %swap3A_429], %swap3A_432 {strides = array<i32>} : memref<16x1024xf32, #tpu.memory_space<vmem>>, vector<1x16xf32>,
          }
          %scan3A_424 = arith.constant 64 : i32
        } else {
        }
        %shift_right_arithmetic3A_347 = arith.constant 24 : i32
        %shift_right_arithmetic3A_348 = arith.shrsi %squeeze3A_112, %shift_right_arithmetic3A_347 : i32
        %and3A_349 = arith.constant 255 : i32
        %and3A_350 = arith.andi %shift_right_arithmetic3A_348, %and3A_349 : i32
        %eq3A_351 = arith.constant 0 : i32
        %eq3A_352 = arith.cmpi eq, %and3A_350, %eq3A_351 : i32
        %convert_element_type3A_353 = arith.extui %eq3A_352 : i1 to i32
        %cond3A_354 = arith.constant 0 : i32
        %cond3A_355 = arith.cmpi ne, %convert_element_type3A_353, %cond3A_354 : i32
        scf.if %cond3A_355 {
          %scan3A_419 = arith.constant 0 : i32
          %scan3A_420 = arith.constant 0 : i32
          %scan3A_421 = arith.constant 64 : i32
          %scan3A_422 = arith.addi %scan3A_420, %scan3A_421 : i32
          %scan3A_423 = arith.constant 1 : i32
          scf.for %scan3A_425 = %scan3A_420 to %scan3A_422 step %scan3A_423  : i32 {
            %mul3A_426 = arith.constant 16 : i32
            %mul3A_427 = arith.muli %scan3A_425, %mul3A_426 : i32
            %swap3A = arith.constant 8 : i32
            %swap3A_428 = arith.index_cast %swap3A : i32 to index
            %swap3A_429 = arith.index_cast %mul3A_427 : i32 to index
            %swap3A_430 = tpu.vector_load %arg9[%swap3A_428, %swap3A_429] {strides = array<i32>} : memref<16x1024xf32, #tpu.memory_space<vmem>>, vector<1x16xf32>,
            %swap3A_431 = vector.shape_cast %swap3A_430 : vector<1x16xf32> to vector<16xf32>
            %swap3A_432 = vector.shape_cast %broadcast_in_dim3A_3 : vector<16xf32> to vector<1x16xf32>
            tpu.vector_store %arg9[%swap3A_428, %swap3A_429], %swap3A_432 {strides = array<i32>} : memref<16x1024xf32, #tpu.memory_space<vmem>>, vector<1x16xf32>,
          }
          %scan3A_424 = arith.constant 64 : i32
        } else {
        }
        %shift_right_arithmetic3A_356 = arith.constant 24 : i32
        %shift_right_arithmetic3A_357 = arith.shrsi %squeeze3A_114, %shift_right_arithmetic3A_356 : i32
        %and3A_358 = arith.constant 255 : i32
        %and3A_359 = arith.andi %shift_right_arithmetic3A_357, %and3A_358 : i32
        %eq3A_360 = arith.constant 0 : i32
        %eq3A_361 = arith.cmpi eq, %and3A_359, %eq3A_360 : i32
        %convert_element_type3A_362 = arith.extui %eq3A_361 : i1 to i32
        %cond3A_363 = arith.constant 0 : i32
        %cond3A_364 = arith.cmpi ne, %convert_element_type3A_362, %cond3A_363 : i32
        scf.if %cond3A_364 {
          %scan3A_419 = arith.constant 0 : i32
          %scan3A_420 = arith.constant 0 : i32
          %scan3A_421 = arith.constant 64 : i32
          %scan3A_422 = arith.addi %scan3A_420, %scan3A_421 : i32
          %scan3A_423 = arith.constant 1 : i32
          scf.for %scan3A_425 = %scan3A_420 to %scan3A_422 step %scan3A_423  : i32 {
            %mul3A_426 = arith.constant 16 : i32
            %mul3A_427 = arith.muli %scan3A_425, %mul3A_426 : i32
            %swap3A = arith.constant 9 : i32
            %swap3A_428 = arith.index_cast %swap3A : i32 to index
            %swap3A_429 = arith.index_cast %mul3A_427 : i32 to index
            %swap3A_430 = tpu.vector_load %arg9[%swap3A_428, %swap3A_429] {strides = array<i32>} : memref<16x1024xf32, #tpu.memory_space<vmem>>, vector<1x16xf32>,
            %swap3A_431 = vector.shape_cast %swap3A_430 : vector<1x16xf32> to vector<16xf32>
            %swap3A_432 = vector.shape_cast %broadcast_in_dim3A_3 : vector<16xf32> to vector<1x16xf32>
            tpu.vector_store %arg9[%swap3A_428, %swap3A_429], %swap3A_432 {strides = array<i32>} : memref<16x1024xf32, #tpu.memory_space<vmem>>, vector<1x16xf32>,
          }
          %scan3A_424 = arith.constant 64 : i32
        } else {
        }
        %shift_right_arithmetic3A_365 = arith.constant 24 : i32
        %shift_right_arithmetic3A_366 = arith.shrsi %squeeze3A_116, %shift_right_arithmetic3A_365 : i32
        %and3A_367 = arith.constant 255 : i32
        %and3A_368 = arith.andi %shift_right_arithmetic3A_366, %and3A_367 : i32
        %eq3A_369 = arith.constant 0 : i32
        %eq3A_370 = arith.cmpi eq, %and3A_368, %eq3A_369 : i32
        %convert_element_type3A_371 = arith.extui %eq3A_370 : i1 to i32
        %cond3A_372 = arith.constant 0 : i32
        %cond3A_373 = arith.cmpi ne, %convert_element_type3A_371, %cond3A_372 : i32
        scf.if %cond3A_373 {
          %scan3A_419 = arith.constant 0 : i32
          %scan3A_420 = arith.constant 0 : i32
          %scan3A_421 = arith.constant 64 : i32
          %scan3A_422 = arith.addi %scan3A_420, %scan3A_421 : i32
          %scan3A_423 = arith.constant 1 : i32
          scf.for %scan3A_425 = %scan3A_420 to %scan3A_422 step %scan3A_423  : i32 {
            %mul3A_426 = arith.constant 16 : i32
            %mul3A_427 = arith.muli %scan3A_425, %mul3A_426 : i32
            %swap3A = arith.constant 10 : i32
            %swap3A_428 = arith.index_cast %swap3A : i32 to index
            %swap3A_429 = arith.index_cast %mul3A_427 : i32 to index
            %swap3A_430 = tpu.vector_load %arg9[%swap3A_428, %swap3A_429] {strides = array<i32>} : memref<16x1024xf32, #tpu.memory_space<vmem>>, vector<1x16xf32>,
            %swap3A_431 = vector.shape_cast %swap3A_430 : vector<1x16xf32> to vector<16xf32>
            %swap3A_432 = vector.shape_cast %broadcast_in_dim3A_3 : vector<16xf32> to vector<1x16xf32>
            tpu.vector_store %arg9[%swap3A_428, %swap3A_429], %swap3A_432 {strides = array<i32>} : memref<16x1024xf32, #tpu.memory_space<vmem>>, vector<1x16xf32>,
          }
          %scan3A_424 = arith.constant 64 : i32
        } else {
        }
        %shift_right_arithmetic3A_374 = arith.constant 24 : i32
        %shift_right_arithmetic3A_375 = arith.shrsi %squeeze3A_118, %shift_right_arithmetic3A_374 : i32
        %and3A_376 = arith.constant 255 : i32
        %and3A_377 = arith.andi %shift_right_arithmetic3A_375, %and3A_376 : i32
        %eq3A_378 = arith.constant 0 : i32
        %eq3A_379 = arith.cmpi eq, %and3A_377, %eq3A_378 : i32
        %convert_element_type3A_380 = arith.extui %eq3A_379 : i1 to i32
        %cond3A_381 = arith.constant 0 : i32
        %cond3A_382 = arith.cmpi ne, %convert_element_type3A_380, %cond3A_381 : i32
        scf.if %cond3A_382 {
          %scan3A_419 = arith.constant 0 : i32
          %scan3A_420 = arith.constant 0 : i32
          %scan3A_421 = arith.constant 64 : i32
          %scan3A_422 = arith.addi %scan3A_420, %scan3A_421 : i32
          %scan3A_423 = arith.constant 1 : i32
          scf.for %scan3A_425 = %scan3A_420 to %scan3A_422 step %scan3A_423  : i32 {
            %mul3A_426 = arith.constant 16 : i32
            %mul3A_427 = arith.muli %scan3A_425, %mul3A_426 : i32
            %swap3A = arith.constant 11 : i32
            %swap3A_428 = arith.index_cast %swap3A : i32 to index
            %swap3A_429 = arith.index_cast %mul3A_427 : i32 to index
            %swap3A_430 = tpu.vector_load %arg9[%swap3A_428, %swap3A_429] {strides = array<i32>} : memref<16x1024xf32, #tpu.memory_space<vmem>>, vector<1x16xf32>,
            %swap3A_431 = vector.shape_cast %swap3A_430 : vector<1x16xf32> to vector<16xf32>
            %swap3A_432 = vector.shape_cast %broadcast_in_dim3A_3 : vector<16xf32> to vector<1x16xf32>
            tpu.vector_store %arg9[%swap3A_428, %swap3A_429], %swap3A_432 {strides = array<i32>} : memref<16x1024xf32, #tpu.memory_space<vmem>>, vector<1x16xf32>,
          }
          %scan3A_424 = arith.constant 64 : i32
        } else {
        }
        %shift_right_arithmetic3A_383 = arith.constant 24 : i32
        %shift_right_arithmetic3A_384 = arith.shrsi %squeeze3A_120, %shift_right_arithmetic3A_383 : i32
        %and3A_385 = arith.constant 255 : i32
        %and3A_386 = arith.andi %shift_right_arithmetic3A_384, %and3A_385 : i32
        %eq3A_387 = arith.constant 0 : i32
        %eq3A_388 = arith.cmpi eq, %and3A_386, %eq3A_387 : i32
        %convert_element_type3A_389 = arith.extui %eq3A_388 : i1 to i32
        %cond3A_390 = arith.constant 0 : i32
        %cond3A_391 = arith.cmpi ne, %convert_element_type3A_389, %cond3A_390 : i32
        scf.if %cond3A_391 {
          %scan3A_419 = arith.constant 0 : i32
          %scan3A_420 = arith.constant 0 : i32
          %scan3A_421 = arith.constant 64 : i32
          %scan3A_422 = arith.addi %scan3A_420, %scan3A_421 : i32
          %scan3A_423 = arith.constant 1 : i32
          scf.for %scan3A_425 = %scan3A_420 to %scan3A_422 step %scan3A_423  : i32 {
            %mul3A_426 = arith.constant 16 : i32
            %mul3A_427 = arith.muli %scan3A_425, %mul3A_426 : i32
            %swap3A = arith.constant 12 : i32
            %swap3A_428 = arith.index_cast %swap3A : i32 to index
            %swap3A_429 = arith.index_cast %mul3A_427 : i32 to index
            %swap3A_430 = tpu.vector_load %arg9[%swap3A_428, %swap3A_429] {strides = array<i32>} : memref<16x1024xf32, #tpu.memory_space<vmem>>, vector<1x16xf32>,
            %swap3A_431 = vector.shape_cast %swap3A_430 : vector<1x16xf32> to vector<16xf32>
            %swap3A_432 = vector.shape_cast %broadcast_in_dim3A_3 : vector<16xf32> to vector<1x16xf32>
            tpu.vector_store %arg9[%swap3A_428, %swap3A_429], %swap3A_432 {strides = array<i32>} : memref<16x1024xf32, #tpu.memory_space<vmem>>, vector<1x16xf32>,
          }
          %scan3A_424 = arith.constant 64 : i32
        } else {
        }
        %shift_right_arithmetic3A_392 = arith.constant 24 : i32
        %shift_right_arithmetic3A_393 = arith.shrsi %squeeze3A_122, %shift_right_arithmetic3A_392 : i32
        %and3A_394 = arith.constant 255 : i32
        %and3A_395 = arith.andi %shift_right_arithmetic3A_393, %and3A_394 : i32
        %eq3A_396 = arith.constant 0 : i32
        %eq3A_397 = arith.cmpi eq, %and3A_395, %eq3A_396 : i32
        %convert_element_type3A_398 = arith.extui %eq3A_397 : i1 to i32
        %cond3A_399 = arith.constant 0 : i32
        %cond3A_400 = arith.cmpi ne, %convert_element_type3A_398, %cond3A_399 : i32
        scf.if %cond3A_400 {
          %scan3A_419 = arith.constant 0 : i32
          %scan3A_420 = arith.constant 0 : i32
          %scan3A_421 = arith.constant 64 : i32
          %scan3A_422 = arith.addi %scan3A_420, %scan3A_421 : i32
          %scan3A_423 = arith.constant 1 : i32
          scf.for %scan3A_425 = %scan3A_420 to %scan3A_422 step %scan3A_423  : i32 {
            %mul3A_426 = arith.constant 16 : i32
            %mul3A_427 = arith.muli %scan3A_425, %mul3A_426 : i32
            %swap3A = arith.constant 13 : i32
            %swap3A_428 = arith.index_cast %swap3A : i32 to index
            %swap3A_429 = arith.index_cast %mul3A_427 : i32 to index
            %swap3A_430 = tpu.vector_load %arg9[%swap3A_428, %swap3A_429] {strides = array<i32>} : memref<16x1024xf32, #tpu.memory_space<vmem>>, vector<1x16xf32>,
            %swap3A_431 = vector.shape_cast %swap3A_430 : vector<1x16xf32> to vector<16xf32>
            %swap3A_432 = vector.shape_cast %broadcast_in_dim3A_3 : vector<16xf32> to vector<1x16xf32>
            tpu.vector_store %arg9[%swap3A_428, %swap3A_429], %swap3A_432 {strides = array<i32>} : memref<16x1024xf32, #tpu.memory_space<vmem>>, vector<1x16xf32>,
          }
          %scan3A_424 = arith.constant 64 : i32
        } else {
        }
        %shift_right_arithmetic3A_401 = arith.constant 24 : i32
        %shift_right_arithmetic3A_402 = arith.shrsi %squeeze3A_124, %shift_right_arithmetic3A_401 : i32
        %and3A_403 = arith.constant 255 : i32
        %and3A_404 = arith.andi %shift_right_arithmetic3A_402, %and3A_403 : i32
        %eq3A_405 = arith.constant 0 : i32
        %eq3A_406 = arith.cmpi eq, %and3A_404, %eq3A_405 : i32
        %convert_element_type3A_407 = arith.extui %eq3A_406 : i1 to i32
        %cond3A_408 = arith.constant 0 : i32
        %cond3A_409 = arith.cmpi ne, %convert_element_type3A_407, %cond3A_408 : i32
        scf.if %cond3A_409 {
          %scan3A_419 = arith.constant 0 : i32
          %scan3A_420 = arith.constant 0 : i32
          %scan3A_421 = arith.constant 64 : i32
          %scan3A_422 = arith.addi %scan3A_420, %scan3A_421 : i32
          %scan3A_423 = arith.constant 1 : i32
          scf.for %scan3A_425 = %scan3A_420 to %scan3A_422 step %scan3A_423  : i32 {
            %mul3A_426 = arith.constant 16 : i32
            %mul3A_427 = arith.muli %scan3A_425, %mul3A_426 : i32
            %swap3A = arith.constant 14 : i32
            %swap3A_428 = arith.index_cast %swap3A : i32 to index
            %swap3A_429 = arith.index_cast %mul3A_427 : i32 to index
            %swap3A_430 = tpu.vector_load %arg9[%swap3A_428, %swap3A_429] {strides = array<i32>} : memref<16x1024xf32, #tpu.memory_space<vmem>>, vector<1x16xf32>,
            %swap3A_431 = vector.shape_cast %swap3A_430 : vector<1x16xf32> to vector<16xf32>
            %swap3A_432 = vector.shape_cast %broadcast_in_dim3A_3 : vector<16xf32> to vector<1x16xf32>
            tpu.vector_store %arg9[%swap3A_428, %swap3A_429], %swap3A_432 {strides = array<i32>} : memref<16x1024xf32, #tpu.memory_space<vmem>>, vector<1x16xf32>,
          }
          %scan3A_424 = arith.constant 64 : i32
        } else {
        }
        %shift_right_arithmetic3A_410 = arith.constant 24 : i32
        %shift_right_arithmetic3A_411 = arith.shrsi %squeeze3A_126, %shift_right_arithmetic3A_410 : i32
        %and3A_412 = arith.constant 255 : i32
        %and3A_413 = arith.andi %shift_right_arithmetic3A_411, %and3A_412 : i32
        %eq3A_414 = arith.constant 0 : i32
        %eq3A_415 = arith.cmpi eq, %and3A_413, %eq3A_414 : i32
        %convert_element_type3A_416 = arith.extui %eq3A_415 : i1 to i32
        %cond3A_417 = arith.constant 0 : i32
        %cond3A_418 = arith.cmpi ne, %convert_element_type3A_416, %cond3A_417 : i32
        scf.if %cond3A_418 {
          %scan3A_419 = arith.constant 0 : i32
          %scan3A_420 = arith.constant 0 : i32
          %scan3A_421 = arith.constant 64 : i32
          %scan3A_422 = arith.addi %scan3A_420, %scan3A_421 : i32
          %scan3A_423 = arith.constant 1 : i32
          scf.for %scan3A_425 = %scan3A_420 to %scan3A_422 step %scan3A_423  : i32 {
            %mul3A_426 = arith.constant 16 : i32
            %mul3A_427 = arith.muli %scan3A_425, %mul3A_426 : i32
            %swap3A = arith.constant 15 : i32
            %swap3A_428 = arith.index_cast %swap3A : i32 to index
            %swap3A_429 = arith.index_cast %mul3A_427 : i32 to index
            %swap3A_430 = tpu.vector_load %arg9[%swap3A_428, %swap3A_429] {strides = array<i32>} : memref<16x1024xf32, #tpu.memory_space<vmem>>, vector<1x16xf32>,
            %swap3A_431 = vector.shape_cast %swap3A_430 : vector<1x16xf32> to vector<16xf32>
            %swap3A_432 = vector.shape_cast %broadcast_in_dim3A_3 : vector<16xf32> to vector<1x16xf32>
            tpu.vector_store %arg9[%swap3A_428, %swap3A_429], %swap3A_432 {strides = array<i32>} : memref<16x1024xf32, #tpu.memory_space<vmem>>, vector<1x16xf32>,
          }
          %scan3A_424 = arith.constant 64 : i32
        } else {
        }
      } else {
      }
      %mul3A_266 = arith.constant 16 : i32
      %mul3A_267 = arith.muli %add3A_256, %mul3A_266 : i32
      %add3A_268 = arith.addi %mul3A_2, %mul3A_267 : i32
      %dma_start3A_269 = arith.constant 0 : i32
      %dma_start3A_270 = tpu.memref_slice %arg4[%add3A_268, %dma_start3A_269] : memref<32768x1024xf32, #tpu.memory_space<hbm>> -> memref<16x1024xf32, #tpu.memory_space<hbm>>
      %dma_start3A_271 = arith.constant 0 : i32
      %dma_start3A_272 = tpu.memref_slice %arg4[%add3A_268, %dma_start3A_271] : memref<32768x1024xf32, #tpu.memory_space<hbm>> -> memref<16x1024xf32, #tpu.memory_space<hbm>>
      tpu.enqueue_dma source(%arg9 : memref<16x1024xf32, #tpu.memory_space<vmem>>) target(%dma_start3A_272 : memref<16x1024xf32, #tpu.memory_space<hbm>>) target_semaphore(%arg17 : memref<!tpu.dma_semaphore, #tpu.memory_space<semaphore_mem>>)
      %lt3A_273 = arith.constant 15 : i32
      %lt3A_274 = arith.cmpi slt, %scan3A_44, %lt3A_273 : i32
      %convert_element_type3A_275 = arith.extui %lt3A_274 : i1 to i32
      %cond3A_276 = arith.constant 0 : i32
      %cond3A_277 = arith.cmpi ne, %convert_element_type3A_275, %cond3A_276 : i32
      scf.if %cond3A_277 {
        %dma_wait3A_278 = arith.constant 0 : i32
        %dma_wait3A_279 = tpu.memref_slice %arg4[%mul3A_2, %dma_wait3A_278] : memref<32768x1024xf32, #tpu.memory_space<hbm>> -> memref<16x1024xf32, #tpu.memory_space<hbm>>
        %dma_wait3A_280 = arith.constant 0 : i32
        %dma_wait3A_281 = tpu.memref_slice %arg4[%mul3A_2, %dma_wait3A_280] : memref<32768x1024xf32, #tpu.memory_space<hbm>> -> memref<16x1024xf32, #tpu.memory_space<hbm>>
        tpu.wait_dma2 semaphore(%arg16 : memref<!tpu.dma_semaphore, #tpu.memory_space<semaphore_mem>>) src(%arg8 : memref<16x1024xf32, #tpu.memory_space<vmem>>) dst(%dma_wait3A_281 : memref<16x1024xf32, #tpu.memory_space<hbm>>)
        %add3A_282 = arith.constant 4 : i32
        %add3A_283 = arith.addi %add3A_256, %add3A_282 : i32
        %sub3A_284 = arith.constant 1 : i32
        %sub3A_285 = arith.subi %add3A_283, %sub3A_284 : i32
        %dma_start3A_286 = arith.constant 0 : i32
        %dma_start3A_287 = tpu.memref_slice %arg5[%sub3A_285, %dma_start3A_286] : memref<64x16xi32, #tpu.memory_space<vmem>> -> memref<1x16xi32, #tpu.memory_space<vmem>>
        %dma_start3A_288 = tpu.memref_squeeze %dma_start3A_287 : memref<1x16xi32, #tpu.memory_space<vmem>> -> memref<16xi32, #tpu.memory_space<vmem>>
        %dma_start3A_289 = arith.constant 0 : i32
        %dma_start3A_290 = arith.constant 0 : i32
        %dma_start3A_291 = tpu.memref_slice %arg3[%dma_start3A_289, %dma_start3A_290] : memref<8193x1024xf32, #tpu.memory_space<hbm>> -> memref<8193x1024xf32, #tpu.memory_space<hbm>>
        tpu.enqueue_indirect_dma source(%dma_start3A_291 : memref<8193x1024xf32, #tpu.memory_space<hbm>>) target(%arg8 : memref<16x1024xf32, #tpu.memory_space<vmem>>) offsets(%dma_start3A_288 : memref<16xi32, #tpu.memory_space<vmem>>) semaphore(%arg12 : memref<!tpu.dma_semaphore, #tpu.memory_space<semaphore_mem>>)
      } else {
      }
    }
    %scan3A_28 = arith.constant 16 : i32
    %dma_wait3A = arith.constant 0 : i32
    %dma_wait3A_29 = tpu.memref_slice %arg4[%mul3A_2, %dma_wait3A] : memref<32768x1024xf32, #tpu.memory_space<hbm>> -> memref<16x1024xf32, #tpu.memory_space<hbm>>
    %dma_wait3A_30 = arith.constant 0 : i32
    %dma_wait3A_31 = tpu.memref_slice %arg4[%mul3A_2, %dma_wait3A_30] : memref<32768x1024xf32, #tpu.memory_space<hbm>> -> memref<16x1024xf32, #tpu.memory_space<hbm>>
    tpu.wait_dma2 semaphore(%arg14 : memref<!tpu.dma_semaphore, #tpu.memory_space<semaphore_mem>>) src(%arg6 : memref<16x1024xf32, #tpu.memory_space<vmem>>) dst(%dma_wait3A_31 : memref<16x1024xf32, #tpu.memory_space<hbm>>)
    %dma_wait3A_32 = arith.constant 0 : i32
    %dma_wait3A_33 = tpu.memref_slice %arg4[%mul3A_2, %dma_wait3A_32] : memref<32768x1024xf32, #tpu.memory_space<hbm>> -> memref<16x1024xf32, #tpu.memory_space<hbm>>
    %dma_wait3A_34 = arith.constant 0 : i32
    %dma_wait3A_35 = tpu.memref_slice %arg4[%mul3A_2, %dma_wait3A_34] : memref<32768x1024xf32, #tpu.memory_space<hbm>> -> memref<16x1024xf32, #tpu.memory_space<hbm>>
    tpu.wait_dma2 semaphore(%arg15 : memref<!tpu.dma_semaphore, #tpu.memory_space<semaphore_mem>>) src(%arg7 : memref<16x1024xf32, #tpu.memory_space<vmem>>) dst(%dma_wait3A_35 : memref<16x1024xf32, #tpu.memory_space<hbm>>)
    %dma_wait3A_36 = arith.constant 0 : i32
    %dma_wait3A_37 = tpu.memref_slice %arg4[%mul3A_2, %dma_wait3A_36] : memref<32768x1024xf32, #tpu.memory_space<hbm>> -> memref<16x1024xf32, #tpu.memory_space<hbm>>
    %dma_wait3A_38 = arith.constant 0 : i32
    %dma_wait3A_39 = tpu.memref_slice %arg4[%mul3A_2, %dma_wait3A_38] : memref<32768x1024xf32, #tpu.memory_space<hbm>> -> memref<16x1024xf32, #tpu.memory_space<hbm>>
    tpu.wait_dma2 semaphore(%arg16 : memref<!tpu.dma_semaphore, #tpu.memory_space<semaphore_mem>>) src(%arg8 : memref<16x1024xf32, #tpu.memory_space<vmem>>) dst(%dma_wait3A_39 : memref<16x1024xf32, #tpu.memory_space<hbm>>)
    %dma_wait3A_40 = arith.constant 0 : i32
    %dma_wait3A_41 = tpu.memref_slice %arg4[%mul3A_2, %dma_wait3A_40] : memref<32768x1024xf32, #tpu.memory_space<hbm>> -> memref<16x1024xf32, #tpu.memory_space<hbm>>
    %dma_wait3A_42 = arith.constant 0 : i32
    %dma_wait3A_43 = tpu.memref_slice %arg4[%mul3A_2, %dma_wait3A_42] : memref<32768x1024xf32, #tpu.memory_space<hbm>> -> memref<16x1024xf32, #tpu.memory_space<hbm>>
    tpu.wait_dma2 semaphore(%arg17 : memref<!tpu.dma_semaphore, #tpu.memory_space<semaphore_mem>>) src(%arg9 : memref<16x1024xf32, #tpu.memory_space<vmem>>) dst(%dma_wait3A_43 : memref<16x1024xf32, #tpu.memory_space<hbm>>)
    return
  }
}

</mosaic_0001>

<sc_bundles>
// kernel: _sc_embed.3.cloned.1.call-start
scs
__scs_entry_jumppad:
0x0: {  	(pc) =	sbr.rel $0x88, $3  }
0x1: {  	(tag) =	ssettag $0x0;
	lr =	simm.s32 $0x1  }
0x2: {  	[smem:$0x3F9F] =	sst lr;
	_ =	strace $0xD0000000  }
0x3: {  	_ = 	snop  }
0x4: {  	_ = 	snop  }
0x5: {  	_ = 	snop  }
0x6: {  	_ = 	snop  }
0x7: {  	_ = 	snop  }
__scs_overlays_trampoline_lowered:
0x8: {  	[smem:$0x3FAE] =	sst s0  }
0x9: {  	[smem:$0x3FAF] =	sst s1  }
0xa: {  	[smem:$0x3FB0] =	sst s2  }
0xb: {  	[smem:$0x3FB1] =	sst s3  }
0xc: {  	[smem:$0x3FB2] =	sst s4  }
0xd: {  	[smem:$0x3FB3] =	sst s5  }
0xe: {  	[smem:$0x3FB4] =	sst s6  }
0xf: {  	[smem:$0x3FB5] =	sst s7  }
0x10: {  	[smem:$0x3FB6] =	sst s8  }
0x11: {  	[smem:$0x3FB7] =	sst s9;
	s0 =	simm.s32 @!p0 $0x0  }
0x12: {  	s1 =	sld [smem:$0x3F9D];
	s0 =	simm.s32 @p0 $0x1  }
0x13: {  	[smem:$0x3FB8] =	sst s0;
	s0 =	simm.s32 @!p1 $0x0  }
0x14: {  	s2 =	sld [smem:$0x3F9C];
	s0 =	simm.s32 @p1 $0x1  }
0x15: {  	[smem:$0x3FB9] =	sst s0;
	s0 =	simm.s32 @!p2 $0x0  }
0x16: {  	s3 =	sld [smem:$0x3FDB];
	s0 =	simm.s32 @p2 $0x1  }
0x17: {  	s4 =	simm.s32 $0x1BF5;
	[smem:$0x3FBB] =	sst s0  }
0x18: {  	s0 =	sld [smem:$0x3F9E];
	_ =	swait.ge [sflag:s4], $0x0  }
0x19: {  	s7 =	sld [smem:$0x3F9F]  }
0x1a: {  	s8 =	sadd.s32 $0xFFFFE003, lr  }
0x1b: {  	s9 =	sadd.s32 $0xFFFFFEF7, lr;
	s5 =	simm.s32 $0xFFFFFFFF;
	p2 =	slt.u32 s8, $0xFFFFF086  }
0x1c: {  	p1 =	slt.u32 s9, $0xF7A;
	s5 =	simm.s32 @!p2 $0x0  }
0x1d: {  	s5 =	simm.s32 @p1 $0x1;
	p0 =	seq.s32 s7, s2  }
0x1e: {  	s7 =	smul.u32 @!p0 $0xF7A, s2;
	p2 =	seq.s32 @!p0 s5, $0x0  }
0x1f: {  	s9 =	smul.u32 $0xF7A, s1;
	s8 =	simm.s32 @!p0 $0x1BF5;
	p2 =	por !p2, p0  }
0x20: {  	[sflag:s8] =	ssyncset.s32 @!p0 $0xFFFFF086;
	s6 =	sadd.s32 @!p0 s3, s7;
	s7 =	simm.s32 @!p0 $0x108  }
0x21: {  	s3 =	sadd.s32 s3, s9;
	s6 =	sadd.s32 @!p0 $0x88, s6;
	s7 =	simm.s32 @p2 $0x1082  }
0x22: {  	[simem:s7], [sflag:s8] =	dma.local @!p0 [hbm:s6], $0xF7A  }
0x23: {  	s9 =	sor.u32 $0xD0000000, s2;
	s6 =	simm.s32 $0x108;
	_ =	swait.ge @!p0 [sflag:s8], $0x0  }
0x24: {  	s3 =	sadd.s32 $0x88, s3;
	s6 =	simm.s32 @!p1 $0x1082;
	[sflag:s4] =	ssyncset.s32 $0xFFFFF086  }
0x25: {  	[simem:s6], [sflag:s4] =	dma.local [hbm:s3], $0xF7A  }
0x26: {  	[smem:$0x3F9F] =	sst s1;
	(tag) =	ssettag s2;
	_ =	strace s9  }
0x27: {  	s1 =	sld [smem:$0x3FAF]  }
0x28: {  	s2 =	sld [smem:$0x3FB0]  }
0x29: {  	s4 =	sld [smem:$0x3FB2]  }
0x2a: {  	p0 =	seq.s32 s5, $0x0;
	s5 =	sld [smem:$0x3FB3]  }
0x2b: {  	s6 =	sld [smem:$0x3FB4]  }
0x2c: {  	s7 =	sld [smem:$0x3FB5]  }
0x2d: {  	s3 =	simm.s32 $0x108;
	s8 =	sld [smem:$0x3FB6]  }
0x2e: {  	s3 =	simm.s32 @!p0 $0x1082;
	s9 =	sld [smem:$0x3FB7]  }
0x2f: {  	lr =	sadd.s32 s0, s3;
	s0 =	sld [smem:$0x3FAE]  }
0x30: {  	s3 =	sld [smem:$0x3FB1]  }
0x31: {  	[smem:$0x3FBA] =	sst s10  }
0x32: {  	s10 =	sld [smem:$0x3FB8];
	_ =	sdelay $0x3  }
0x33: {  	p0 =	seq.s32 s10, $0x1;
	s10 =	sld [smem:$0x3FBA];
	_ =	sdelay $0x3  }
0x34: {  	[smem:$0x3FBA] =	sst s10  }
0x35: {  	s10 =	sld [smem:$0x3FB9];
	_ =	sdelay $0x3  }
0x36: {  	p1 =	seq.s32 s10, $0x1;
	s10 =	sld [smem:$0x3FBA];
	_ =	sdelay $0x3  }
0x37: {  	[smem:$0x3FBA] =	sst s10  }
0x38: {  	s10 =	sld [smem:$0x3FBB]  }
0x39: {  	_ = 	snop;
	(pc) =	sbr.ind lr, $3  }
0x3a: {  	_ = 	snop  }
0x3b: {  	_ = 	snop  }
0x3c: {  	p2 =	seq.s32 s10, $0x1;
	s10 =	sld [smem:$0x3FBA]  }
0x3d: {  	_ =	shalt  }
0x3e: {  	_ =	shalt  }
0x3f: {  	_ =	shalt  }
0x40: {  	_ =	shalt  }
0x41: {  	_ =	shalt  }
0x42: {  	_ =	shalt  }
0x43: {  	_ =	shalt  }
0x44: {  	_ =	shalt  }
0x45: {  	_ =	shalt  }
0x46: {  	_ =	shalt  }
0x47: {  	_ =	shalt  }
0x48: {  	_ =	shalt  }
0x49: {  	_ =	shalt  }
0x4a: {  	_ =	shalt  }
0x4b: {  	_ =	shalt  }
0x4c: {  	_ =	shalt  }
0x4d: {  	_ =	shalt  }
0x4e: {  	_ =	shalt  }
0x4f: {  	_ =	shalt  }
0x50: {  	_ =	shalt  }
0x51: {  	_ =	shalt  }
0x52: {  	_ =	shalt  }
0x53: {  	_ =	shalt  }
0x54: {  	_ =	shalt  }
0x55: {  	_ =	shalt  }
0x56: {  	_ =	shalt  }
0x57: {  	_ =	shalt  }
0x58: {  	_ =	shalt  }
0x59: {  	_ =	shalt  }
0x5a: {  	_ =	shalt  }
0x5b: {  	_ =	shalt  }
0x5c: {  	_ =	shalt  }
0x5d: {  	_ =	shalt  }
0x5e: {  	_ =	shalt  }
0x5f: {  	_ =	shalt  }
0x60: {  	_ =	shalt  }
0x61: {  	_ =	shalt  }
0x62: {  	_ =	shalt  }
0x63: {  	_ =	shalt  }
0x64: {  	_ =	shalt  }
0x65: {  	_ =	shalt  }
0x66: {  	_ =	shalt  }
0x67: {  	_ =	shalt  }
0x68: {  	_ =	shalt  }
0x69: {  	_ =	shalt  }
0x6a: {  	_ =	shalt  }
0x6b: {  	_ =	shalt  }
0x6c: {  	_ =	shalt  }
0x6d: {  	_ =	shalt  }
0x6e: {  	_ =	shalt  }
0x6f: {  	_ =	shalt  }
0x70: {  	_ =	shalt  }
0x71: {  	_ =	shalt  }
0x72: {  	_ =	shalt  }
0x73: {  	_ =	shalt  }
0x74: {  	_ =	shalt  }
0x75: {  	_ =	shalt  }
0x76: {  	_ =	shalt  }
0x77: {  	_ =	shalt  }
0x78: {  	_ =	shalt  }
0x79: {  	_ =	shalt  }
0x7a: {  	_ =	shalt  }
0x7b: {  	_ =	shalt  }
0x7c: {  	_ =	shalt  }
0x7d: {  	_ =	shalt  }
0x7e: {  	_ =	shalt  }
0x7f: {  	_ =	shalt  }
0x80: {  	_ =	shalt  }
0x81: {  	_ =	shalt  }
0x82: {  	_ =	shalt  }
0x83: {  	_ =	shalt  }
0x84: {  	_ =	shalt  }
0x85: {  	_ =	shalt  }
0x86: {  	_ =	shalt  }
0x87: {  	_ =	shalt  }
.Lfunc_end0:
.L_simem_size_0:
called_computation_lowered:
.L_overlay_start_0:
0x88: {  	s2 =	sld [smem:$0x3FD9]  }
0x89: {  	s3 =	sld [smem:$0x3FFE];
	_ =	sdelay $0x1  }
0x8a: {  	s1 =	srdreg.scid  }
0x8b: {  	s0 =	sand.u32 $0x1, s1  }
0x8c: {  	s17 =	sshll.u32 s0, $0xA;
	s2 =	sadd.s32 s3, s2  }
0x8d: {  	s2 =	sadd.s32 s2, s17  }
0x8e: {  	[smem:$0x3FC6] =	sst s2  }
0x8f: {  	_ = 	snop  }
0x90: {  	s2 =	sld [smem:$0x3FC8]  }
0x91: {  	s18 =	sld [smem:$0x3FD0];
	(tm) =	ssettm $0x1  }
0x92: {  	s4 =	sld [smem:$0x3FFB];
	_ =	sdelay $0x3  }
0x93: {  	_ =	strace s4  }
0x94: {  	s4 =	sld [smem:$0x3FFC];
	_ =	sdelay $0x3  }
0x95: {  	_ =	strace s4  }
0x96: {  	s4 =	sld [smem:$0x3FFD];
	_ =	sdelay $0x3  }
0x97: {  	_ =	strace s4  }
0x98: {  	_ =	strace $0x8FFFFFFF  }
0x99: {  	s19 =	sld [smem:$0x3FDB];
	_ =	sdelay $0x1  }
0x9a: {  	s5 =	simm.s32 $_scs_section_size  }
0x9b: {  	s6 =	simm.s32 $_size__tile_overlayer_lowered;
	s7 =	simm.s32 $_tile_overlayer_lowered  }
0x9c: {  	s22 =	simm.s32 $0x1BFF;
	s21 =	sshll.u32 s7, $0x1;
	s4 =	sadd.s32 s5, s19  }
0x9d: {  	s8 =	simm.s32 $0x0;
	s20 =	sshll.u32 s6, $0x1;
	s6 =	sadd.s32 s21, s4  }
0x9e: {  	[timem:s8], [sflag:s22] =	dma.local [hbm:s6], s20  }
0x9f: {  	_ =	swait.ge [sflag:s22], s20  }
0xa0: {  	s5 =	ssub.s32 $0x0, s20;
	[sflag:s22] =	ssyncset.done $0x0  }
0xa1: {  	[sflag:s22] =	ssyncadd.s32 s5;
	_ =	sdelay $0x1  }
0xa2: {  	s23 =	simm.s32 $0x1B8B  }
0xa3: {  	_ =	swait.ge [sflag:s23], $0x1  }
0xa4: {  	[sflag:s23] =	ssyncset.done $0x0  }
0xa5: {  	s25 =	simm.s32 $0x1B8E;
	s24 =	sld [smem:$0x3FFE];
	[sflag:s23] =	ssyncadd.s32 $0xFFFFFFFF  }
0xa6: {  	s26 =	simm.s32 $execute0_lowered;
	[smem:$0x3FD2] =	sst s25  }
0xa7: {  	s6 =	sshll.u32 s26, $0x1;
	_ =	strace $0x80000046;
	[dreg:$0x1] =	wrdreg $0xFFFFFFFF  }
0xa8: {  	s28 =	simm.s32 $_size_execute0_lowered;
	s4 =	sadd.s32 s4, s6;
	[dreg:$0x0] =	wrdreg $0x0  }
0xa9: {  	s6 =	sshll.u32 s28, $0x1;
	[dreg:$0x2] =	wrdreg s4  }
0xaa: {  	[dreg:$0x3] =	wrdreg s6  }
0xab: {  	[dreg:$0x4] =	wrdreg $0xC0  }
0xac: {  	_ =	task [dreg:s8], $0x5FFFF  }
0xad: {  	[dreg:$0x1] =	wrdreg $0xFFFFFFFF  }
0xae: {  	[dreg:$0x0] =	wrdreg $0x60  }
0xaf: {  	[dreg:$0x2] =	wrdreg s24  }
0xb0: {  	[dreg:$0x3] =	wrdreg s2  }
0xb1: {  	[dreg:$0x4] =	wrdreg s18  }
0xb2: {  	[dreg:$0x5] =	wrdreg $0x9  }
0xb3: {  	_ =	task.clear_ibuf [dreg:s8], $0x6FFFF;
	_ =	strace $0x90000046  }
0xb4: {  	s29 =	simm.s32 $0x9;
	_ =	strace $0x80000048  }
0xb5: {  	_ =	swait.ge [sflag:s29], $0x1  }
0xb6: {  	[sflag:s29] =	ssyncadd.s32 $0xFFFFFFFF  }
0xb7: {  	_ =	strace $0x90000048  }
0xb8: {  	_ =	sfence  }
0xb9: {  	s30 =	sld [smem:$0x0];
	_ =	sdelay $0x2  }
0xba: {  	s31 =	sshll.u32 s1, $0xD;
	s1 =	sshrl.u32 s1, $0x2  }
0xbb: {  	s3 =	sand.u32 $0x4000, s31;
	s1 =	sadd.s32 s1, s30  }
0xbc: {  	s0 =	sor.u32 s3, s0;
	s1 =	sshll.u32 s1, $0x11  }
0xbd: {  	s0 =	sor.u32 s1, s0  }
0xbe: {  	s0 =	sadd.s32 $0x8F2B, s0  }
0xbf: {  	[sflag:s0] =	ssyncadd.remote.s32 $0x1  }
0xc0: {  	_ =	sfence.sel $0xFFFF  }
0xc1: {  	[dreg:$0x0] =	wrdreg $0xFFFFFFFF;
	(pc) =	sbr.abs _section_cstart, $3  }
0xc2: {  	[dreg:$0x1] =	wrdreg $0xFFFFFFFF  }
0xc3: {  	_ =	task.clear_ibuf [dreg:s8], $0x2FFFF;
	_ =	strace $0x9FFFFFFF  }
0xc4: {  	(tm) =	ssettm $0x7FFFFFFF  }
0xc5: {  	_ =	shalt  }
tec
execute0_lowered:
.L_overlay_start_1:
0x0: {  	(tag) =	ssettag $0x1  }
0x1: {  	s0 =	rddreg [dreg:$0x0]  }
0x2: {  	s2 =	rddreg [dreg:$0x1]  }
0x3: {  	s1 =	rddreg [dreg:$0x2];
	s4 =	srdreg.scid  }
0x4: {  	s5 =	stileid.u32;
	s3 =	simm.s32 $0x0;
	s25 =	simm.s32 $0xA000  }
0x5: {  	s4 =	sand.u32 $0x1, s4;
	s5 =	sshll.u32 s5, $0x1;
	[smem:$0x7FF] =	sst s3  }
0x6: {  	s5 =	sor.u32 s4, s5;
	s4 =	ssub.s32 $0x2, s4;
	_ =	strace $0x80000047  }
.Ltmp0:
0x7: {  	s6 =	sshll.u32 s5, $0xA;
	s7 =	sshrl.u32 s4, $0x1;
	(pc) =	sbr.rel .LBB2_1-.Ltmp0, $4  }
0x8: {  	s8 =	sshll.u32 s5, $0x11;
	s5 =	sadd.s32 $0x100, s2;
	s0 =	sadd.s32 s6, s0  }
0x9: {  	v2 =	vlaneseq.u32;
	s4 =	ssub.s32 s4, s7;
	s6 =	sadd.s32 $0x200, s2;
	s0 =	sadd.s32 $0x400, s0  }
0xa: {  	vm0 =	vmmov $0xffff;
	v3 =	vimm.f32 $0.0e+00;
	v1 =	vshrl.u32 v2, $0x3;
	s7 =	sadd.s32 $0x300, s2;
	s31 =	smax.u32 s4, $0x1;
	[dreg:$0x4] =	wrdreg s0  }
0xb: {  	v0 =	vand.u32 $0x7, v2;
	v2 =	vor.u32 $0x8, v2;
	v1 =	vmul.u32 $0x8, v1;
	s8 =	sadd.s32 s1, s8;
	s4 =	simm.s32 $0x0;
	[dreg:$0x5] =	wrdreg s31  }
.LBB2_204:
0xc: {  	s0 =	simm.s32 $0x5  }
0xd: {  	_ =	swait.ge [sflag:s0], $0x4000  }
0xe: {  	[sflag:s0] =	ssyncset.done $0x0  }
0xf: {  	s29 =	simm.s32 $0x6;
	[sflag:s0] =	ssyncadd.s32 $0xFFFFC000  }
0x10: {  	_ =	swait.ge [sflag:s29], $0x4000  }
0x11: {  	[sflag:s29] =	ssyncset.done $0x0  }
0x12: {  	s30 =	simm.s32 $0x7;
	[sflag:s29] =	ssyncadd.s32 $0xFFFFC000  }
0x13: {  	_ =	swait.ge [sflag:s30], $0x4000  }
0x14: {  	[sflag:s30] =	ssyncset.done $0x0  }
0x15: {  	s1 =	simm.s32 $0x8;
	[sflag:s30] =	ssyncadd.s32 $0xFFFFC000  }
0x16: {  	_ =	swait.ge [sflag:s1], $0x4000  }
0x17: {  	s4 =	rddreg [dreg:$0x6]  }
0x18: {  	s31 =	rddreg [dreg:$0x5];
	s4 =	sadd.s32 $0x1, s4  }
0x19: {  	p0 =	sne.s32 s4, s31  }
.Ltmp1:
0x1a: {  	_ = 	snop;
	(pc) =	sbr.rel @!p0 .LBB2_205-.Ltmp1, $3  }
0x1b: {  	_ =	sdelay $0x1  }
0x1c: {  	[sflag:s1] =	ssyncset.done $0x0  }
0x1d: {  	[sflag:s1] =	ssyncadd.s32 $0xFFFFC000  }
.LBB2_1:
0x1e: {  	[dreg:$0x6] =	wrdreg s4  }
0x1f: {  	s0 =	rddreg [dreg:$0x4];
	s1 =	simm.s32 $0x9  }
0x20: {  	[tilespmem:s3], [sflag:$0x9] =	stream.linear.gather [hbm4b:s0+s3], $0x2000, $0x38;
	[tilespmem:$0x12000] =	vst v63  }
0x21: {  	_ =	swait.ge [sflag:s1], $0x2000  }
0x22: {  	[sflag:s1] =	ssyncset.done $0x0  }
0x23: {  	[sflag:s1] =	ssyncadd.s32 $0xFFFFE000  }
0x24: {  	v4 =	vld [tilespmem:$0x0];
	_ =	sdelay $0x4  }
0x25: {  	v5 =	vshll.u32 v4, $0x3  }
0x26: {  	v4 =	vand.u32 $0x7, v4;
	v5 =	vand.u32 $0xFFFFFFC0, v5  }
0x27: {  	v4 =	vor.u32 v4, v5  }
0x28: {  	v5 =	vperm.xlane v4, v0;
	_ =	sdelay $0x1  }
0x29: {  	v5 =	vadd.s32 v1, v5;
	_ =	sdelay $0x3  }
0x2a: {  	s4 =	simm.s32 $0x2000  }
0x2b: {  	[tilespmem:s4], [sflag:$0x1] =	stream.indirect_vreg.gather [hbm4b:s2+s3], $0x80, v5, vm0, $0xb8;
	[tilespmem:$0x12000] =	vst v63  }
0x2c: {  	s9 =	simm.s32 $0x2800;
	v4 =	vperm.xlane v4, v2  }
0x2d: {  	[tilespmem:s9], [sflag:$0x1] =	stream.indirect_vreg.gather [hbm4b:s5+s3], $0x80, v5, vm0, $0xb8;
	[tilespmem:$0x12000] =	vst v63  }
0x2e: {  	s10 =	simm.s32 $0x3000;
	v4 =	vadd.s32 v1, v4  }
0x2f: {  	[tilespmem:s10], [sflag:$0x1] =	stream.indirect_vreg.gather [hbm4b:s6+s3], $0x80, v5, vm0, $0xb8;
	[tilespmem:$0x12000] =	vst v63  }
0x30: {  	s11 =	simm.s32 $0x3800  }
0x31: {  	[tilespmem:s11], [sflag:$0x1] =	stream.indirect_vreg.gather [hbm4b:s7+s3], $0x80, v5, vm0, $0xb8;
	[tilespmem:$0x12000] =	vst v63  }
0x32: {  	s12 =	simm.s32 $0x4000  }
0x33: {  	[tilespmem:s12], [sflag:$0x1] =	stream.indirect_vreg.gather [hbm4b:s2+s3], $0x80, v4, vm0, $0xb8;
	[tilespmem:$0x12000] =	vst v63  }
0x34: {  	s13 =	simm.s32 $0x4800  }
0x35: {  	[tilespmem:s13], [sflag:$0x1] =	stream.indirect_vreg.gather [hbm4b:s5+s3], $0x80, v4, vm0, $0xb8;
	[tilespmem:$0x12000] =	vst v63  }
0x36: {  	s14 =	simm.s32 $0x5000  }
0x37: {  	[tilespmem:s14], [sflag:$0x1] =	stream.indirect_vreg.gather [hbm4b:s6+s3], $0x80, v4, vm0, $0xb8;
	[tilespmem:$0x12000] =	vst v63  }
0x38: {  	s15 =	simm.s32 $0x5800  }
0x39: {  	[tilespmem:s15], [sflag:$0x1] =	stream.indirect_vreg.gather [hbm4b:s7+s3], $0x80, v4, vm0, $0xb8;
	[tilespmem:$0x12000] =	vst v63  }
0x3a: {  	v4 =	vld [tilespmem:$0x80];
	_ =	sdelay $0x4  }
0x3b: {  	v5 =	vshll.u32 v4, $0x3  }
0x3c: {  	v4 =	vand.u32 $0x7, v4;
	v5 =	vand.u32 $0xFFFFFFC0, v5  }
0x3d: {  	v4 =	vor.u32 v4, v5  }
0x3e: {  	v5 =	vperm.xlane v4, v0;
	_ =	sdelay $0x1  }
0x3f: {  	v5 =	vadd.s32 v1, v5;
	_ =	sdelay $0x3  }
0x40: {  	s16 =	simm.s32 $0x6000  }
0x41: {  	[tilespmem:s16], [sflag:$0x2] =	stream.indirect_vreg.gather [hbm4b:s2+s3], $0x80, v5, vm0, $0xb8;
	[tilespmem:$0x12000] =	vst v63  }
0x42: {  	s17 =	simm.s32 $0x6800;
	v4 =	vperm.xlane v4, v2  }
0x43: {  	[tilespmem:s17], [sflag:$0x2] =	stream.indirect_vreg.gather [hbm4b:s5+s3], $0x80, v5, vm0, $0xb8;
	[tilespmem:$0x12000] =	vst v63  }
0x44: {  	s18 =	simm.s32 $0x7000;
	v4 =	vadd.s32 v1, v4  }
0x45: {  	[tilespmem:s18], [sflag:$0x2] =	stream.indirect_vreg.gather [hbm4b:s6+s3], $0x80, v5, vm0, $0xb8;
	[tilespmem:$0x12000] =	vst v63  }
0x46: {  	s19 =	simm.s32 $0x7800  }
0x47: {  	[tilespmem:s19], [sflag:$0x2] =	stream.indirect_vreg.gather [hbm4b:s7+s3], $0x80, v5, vm0, $0xb8;
	[tilespmem:$0x12000] =	vst v63  }
0x48: {  	s20 =	simm.s32 $0x8000  }
0x49: {  	[tilespmem:s20], [sflag:$0x2] =	stream.indirect_vreg.gather [hbm4b:s2+s3], $0x80, v4, vm0, $0xb8;
	[tilespmem:$0x12000] =	vst v63  }
0x4a: {  	s21 =	simm.s32 $0x8800  }
0x4b: {  	[tilespmem:s21], [sflag:$0x2] =	stream.indirect_vreg.gather [hbm4b:s5+s3], $0x80, v4, vm0, $0xb8;
	[tilespmem:$0x12000] =	vst v63  }
0x4c: {  	s22 =	simm.s32 $0x9000  }
0x4d: {  	[tilespmem:s22], [sflag:$0x2] =	stream.indirect_vreg.gather [hbm4b:s6+s3], $0x80, v4, vm0, $0xb8;
	[tilespmem:$0x12000] =	vst v63  }
0x4e: {  	s23 =	simm.s32 $0x9800  }
0x4f: {  	[tilespmem:s23], [sflag:$0x2] =	stream.indirect_vreg.gather [hbm4b:s7+s3], $0x80, v4, vm0, $0xb8;
	[tilespmem:$0x12000] =	vst v63  }
0x50: {  	v4 =	vld [tilespmem:$0x100];
	_ =	sdelay $0x4  }
0x51: {  	v5 =	vshll.u32 v4, $0x3  }
0x52: {  	v4 =	vand.u32 $0x7, v4;
	v5 =	vand.u32 $0xFFFFFFC0, v5  }
0x53: {  	v4 =	vor.u32 v4, v5  }
0x54: {  	v5 =	vperm.xlane v4, v0;
	_ =	sdelay $0x1  }
0x55: {  	v5 =	vadd.s32 v1, v5;
	_ =	sdelay $0x4  }
0x56: {  	[tilespmem:s25], [sflag:$0x3] =	stream.indirect_vreg.gather [hbm4b:s2+s3], $0x80, v5, vm0, $0xb8;
	[tilespmem:$0x12000] =	vst v63  }
0x57: {  	s24 =	simm.s32 $0xA800;
	v4 =	vperm.xlane v4, v2  }
0x58: {  	[tilespmem:s24], [sflag:$0x3] =	stream.indirect_vreg.gather [hbm4b:s5+s3], $0x80, v5, vm0, $0xb8;
	[tilespmem:$0x12000] =	vst v63  }
0x59: {  	v4 =	vadd.s32 v1, v4;
	s25 =	simm.s32 $0xB000  }
0x5a: {  	[tilespmem:s25], [sflag:$0x3] =	stream.indirect_vreg.gather [hbm4b:s6+s3], $0x80, v5, vm0, $0xb8;
	[tilespmem:$0x12000] =	vst v63  }
0x5b: {  	s26 =	simm.s32 $0xB800  }
0x5c: {  	[tilespmem:s26], [sflag:$0x3] =	stream.indirect_vreg.gather [hbm4b:s7+s3], $0x80, v5, vm0, $0xb8;
	[tilespmem:$0x12000] =	vst v63  }
0x5d: {  	s28 =	simm.s32 $0xC000  }
0x5e: {  	[tilespmem:s28], [sflag:$0x3] =	stream.indirect_vreg.gather [hbm4b:s2+s3], $0x80, v4, vm0, $0xb8;
	[tilespmem:$0x12000] =	vst v63  }
0x5f: {  	s29 =	simm.s32 $0xC800  }
0x60: {  	[tilespmem:s29], [sflag:$0x3] =	stream.indirect_vreg.gather [hbm4b:s5+s3], $0x80, v4, vm0, $0xb8;
	[tilespmem:$0x12000] =	vst v63  }
0x61: {  	s30 =	simm.s32 $0xD000  }
0x62: {  	[tilespmem:s30], [sflag:$0x3] =	stream.indirect_vreg.gather [hbm4b:s6+s3], $0x80, v4, vm0, $0xb8;
	[tilespmem:$0x12000] =	vst v63  }
0x63: {  	s31 =	simm.s32 $0xD800;
	s4 =	simm.s32 $0x0  }
0x64: {  	[tilespmem:s31], [sflag:$0x3] =	stream.indirect_vreg.gather [hbm4b:s7+s3], $0x80, v4, vm0, $0xb8;
	[tilespmem:$0x12000] =	vst v63  }
.LBB2_2:
0x65: {  	s0 =	sshll.u32 s4, $0x2  }
0x66: {  	s1 =	sshll.u32 s4, $0x9;
	s14 =	sor.u32 $0x1, s0  }
0x67: {  	s9 =	sand.u32 $0x3FFFFE00, s1;
	s28 =	sor.u32 $0x2, s0;
	s22 =	sshll.u32 s14, $0x7  }
0x68: {  	s10 =	sshllo.u32 s4, $0x2;
	v4 =	vld [tilespmem:s9+$0x0];
	s24 =	sshll.u32 s28, $0x7;
	s23 =	sand.u32 $0x3FFFFE80, s22  }
0x69: {  	s26 =	sshll.u32 s10, $0x9;
	s25 =	sand.u32 $0x3FFFFF00, s24;
	v5 =	vld [tilespmem:s23+$0x0]  }
0x6a: {  	s24 =	sshrl.u32 s26, $0x2;
	v6 =	vld [tilespmem:s25+$0x0]  }
0x6b: {  	v7 =	vld [tilespmem:s24+$0x0];
	_ =	sdelay $0x2  }
0x6c: {  	vm1 =	vlt.s32 v4, $0x1;
	vm2 =	vlt.s32 v5, $0x1  }
0x6d: {  	v4 =	vnsel vm1, $0x1, v4;
	vm1 =	vlt.s32 v6, $0x1;
	v5 =	vnsel vm2, $0x1, v5  }
0x6e: {  	v6 =	vnsel vm1, $0x1, v6;
	vm1 =	vlt.s32 v7, $0x1;
	v5 =	vshll.u32 v5, $0x8  }
0x6f: {  	v7 =	vnsel vm1, $0x1, v7;
	v4 =	vor.u32 v4, v5;
	v5 =	vshll.u32 v6, $0x10  }
0x70: {  	v4 =	vor.u32 v5, v4;
	v5 =	vshll.u32 v7, $0x18  }
0x71: {  	v4 =	vor.u32 v5, v4  }
0x72: {  	(v2sf) =	vpush v4, $0x0  }
0x73: {  	(v2sf) =	vpush v4, $0x1  }
0x74: {  	(v2sf) =	vpush v4, $0x2  }
0x75: {  	(v2sf) =	vpush v4, $0x3  }
0x76: {  	(v2sf) =	vpush v4, $0x4  }
0x77: {  	(v2sf) =	vpush v4, $0x5  }
0x78: {  	(v2sf) =	vpush v4, $0x6  }
0x79: {  	(v2sf) =	vpush v4, $0x7  }
0x7a: {  	(v2sf) =	vpush v4, $0x8  }
0x7b: {  	(v2sf) =	vpush v4, $0x9  }
0x7c: {  	(v2sf) =	vpush v4, $0xA  }
0x7d: {  	(v2sf) =	vpush v4, $0xB  }
0x7e: {  	(v2sf) =	vpush v4, $0xC  }
0x7f: {  	(v2sf) =	vpush v4, $0xD  }
0x80: {  	(v2sf) =	vpush v4, $0xE  }
0x81: {  	s15 =	spop (v2sf);
	(v2sf) =	vpush v4, $0xF  }
0x82: {  	s19 =	spop (v2sf)  }
0x83: {  	p0 =	sne.s32 s15, $0x1010101;
	s11 =	spop (v2sf);
	p1 =	sne.s32 s19, $0x1010101  }
0x84: {  	s23 =	spop (v2sf);
	p0 =	por p0, p1;
	p3 =	sne.s32 s11, $0x1010101  }
0x85: {  	s22 =	spop (v2sf);
	p0 =	por p3, p0;
	p4 =	sne.s32 s23, $0x1010101  }
0x86: {  	s21 =	spop (v2sf);
	p0 =	por p4, p0;
	p5 =	sne.s32 s22, $0x1010101  }
0x87: {  	s20 =	spop (v2sf);
	p0 =	por p5, p0;
	p6 =	sne.s32 s21, $0x1010101  }
0x88: {  	s18 =	spop (v2sf);
	p0 =	por p6, p0;
	p2 =	sne.s32 s20, $0x1010101  }
0x89: {  	s17 =	spop (v2sf);
	p0 =	por p2, p0;
	p3 =	sne.s32 s18, $0x1010101  }
0x8a: {  	s16 =	spop (v2sf);
	p0 =	por p3, p0;
	p4 =	sne.s32 s17, $0x1010101  }
0x8b: {  	s13 =	spop (v2sf);
	p0 =	por p4, p0;
	p5 =	sne.s32 s16, $0x1010101  }
0x8c: {  	s12 =	spop (v2sf);
	p0 =	por p5, p0;
	p6 =	sne.s32 s13, $0x1010101  }
0x8d: {  	s1 =	spop (v2sf);
	p0 =	por p6, p0;
	p2 =	sne.s32 s12, $0x1010101  }
0x8e: {  	s0 =	spop (v2sf);
	p0 =	por p2, p0;
	p3 =	sne.s32 s1, $0x1010101  }
0x8f: {  	s31 =	spop (v2sf);
	p0 =	por p3, p0;
	p4 =	sne.s32 s0, $0x1010101  }
0x90: {  	s30 =	spop (v2sf);
	p0 =	por p4, p0;
	p5 =	sne.s32 s31, $0x1010101  }
0x91: {  	p0 =	por p5, p0;
	p6 =	sne.s32 s30, $0x1010101  }
0x92: {  	p0 =	por p6, p0  }
.Ltmp2:
0x93: {  	_ = 	snop;
	(pc) =	sbr.rel @!p0 .LBB2_52-.Ltmp2, $4  }
0x94: {  	s29 =	simm.s32 $0x1;
	[dreg:$0x7] =	wrdreg s10  }
0x95: {  	_ =	swait.ge [sflag:s29], $0x4000  }
0x96: {  	[sflag:s29] =	ssyncset.done $0x0  }
0x97: {  	[sflag:s29] =	ssyncadd.s32 $0xFFFFC000  }
0x98: {  	s10 =	sand.u32 $0xFF, s15  }
0x99: {  	p1 =	sne.s32 s10, $0x0  }
.Ltmp3:
0x9a: {  	_ = 	snop;
	(pc) =	sbr.rel @p1 .LBB2_6-.Ltmp3, $1  }
0x9b: {  	_ =	sdelay $0x3  }
0x9c: {  	s25 =	simm.s32 $0x0  }
0x9d: {  	s10 =	sand.u32 $0x70, s25;
	s26 =	sand.u32 $0x1C00, s25  }
0x9e: {  	s10 =	sor.u32 s10, s26  }
0x9f: {  	s26 =	simm.s32 $0x10;
	[tilespmem:s10+$0x2000] =	vst v3  }
.LBB2_5:
0xa0: {  	p1 =	sne.s32 s26, $0x3F0  }
.Ltmp4:
0xa1: {  	_ = 	snop;
	(pc) =	sbr.rel @p1 .LBB2_5-.Ltmp4, $4  }
0xa2: {  	s25 =	sadd.s32 $0x80, s25  }
0xa3: {  	s10 =	sand.u32 $0x70, s26;
	s29 =	sand.u32 $0x1C00, s25  }
0xa4: {  	s10 =	sor.u32 s10, s29  }
0xa5: {  	s26 =	sadd.s32 $0x10, s26;
	[tilespmem:s10+$0x2000] =	vst v3  }
.LBB2_6:
0xa6: {  	s10 =	sand.u32 $0xFF, s19  }
0xa7: {  	p1 =	sne.s32 s10, $0x0  }
.Ltmp5:
0xa8: {  	_ = 	snop;
	(pc) =	sbr.rel @p1 .LBB2_9-.Ltmp5, $1  }
0xa9: {  	_ =	sdelay $0x3  }
0xaa: {  	s25 =	simm.s32 $0x0  }
0xab: {  	s10 =	sand.u32 $0x70, s25;
	s26 =	sand.u32 $0x1C00, s25  }
0xac: {  	s10 =	sor.u32 s10, s26  }
0xad: {  	s26 =	simm.s32 $0x10;
	[tilespmem:s10+$0x2080] =	vst v3  }
.LBB2_8:
0xae: {  	p1 =	sne.s32 s26, $0x3F0  }
.Ltmp6:
0xaf: {  	_ = 	snop;
	(pc) =	sbr.rel @p1 .LBB2_8-.Ltmp6, $4  }
0xb0: {  	s25 =	sadd.s32 $0x80, s25  }
0xb1: {  	s10 =	sand.u32 $0x70, s26;
	s29 =	sand.u32 $0x1C00, s25  }
0xb2: {  	s10 =	sor.u32 s10, s29  }
0xb3: {  	s26 =	sadd.s32 $0x10, s26;
	[tilespmem:s10+$0x2080] =	vst v3  }
.LBB2_9:
0xb4: {  	s10 =	sand.u32 $0xFF, s11  }
0xb5: {  	p1 =	sne.s32 s10, $0x0  }
.Ltmp7:
0xb6: {  	_ = 	snop;
	(pc) =	sbr.rel @p1 .LBB2_12-.Ltmp7, $1  }
0xb7: {  	_ =	sdelay $0x3  }
0xb8: {  	s25 =	simm.s32 $0x0  }
0xb9: {  	s10 =	sand.u32 $0x70, s25;
	s26 =	sand.u32 $0x1C00, s25  }
0xba: {  	s10 =	sor.u32 s10, s26  }
0xbb: {  	s26 =	simm.s32 $0x10;
	[tilespmem:s10+$0x2100] =	vst v3  }
.LBB2_11:
0xbc: {  	p1 =	sne.s32 s26, $0x3F0  }
.Ltmp8:
0xbd: {  	_ = 	snop;
	(pc) =	sbr.rel @p1 .LBB2_11-.Ltmp8, $4  }
0xbe: {  	s25 =	sadd.s32 $0x80, s25  }
0xbf: {  	s10 =	sand.u32 $0x70, s26;
	s29 =	sand.u32 $0x1C00, s25  }
0xc0: {  	s10 =	sor.u32 s10, s29  }
0xc1: {  	s26 =	sadd.s32 $0x10, s26;
	[tilespmem:s10+$0x2100] =	vst v3  }
.LBB2_12:
0xc2: {  	s10 =	sand.u32 $0xFF, s23  }
0xc3: {  	p1 =	sne.s32 s10, $0x0  }
.Ltmp9:
0xc4: {  	_ = 	snop;
	(pc) =	sbr.rel @p1 .LBB2_15-.Ltmp9, $1  }
0xc5: {  	_ =	sdelay $0x3  }
0xc6: {  	s25 =	simm.s32 $0x0  }
0xc7: {  	s10 =	sand.u32 $0x70, s25;
	s26 =	sand.u32 $0x1C00, s25  }
0xc8: {  	s10 =	sor.u32 s10, s26  }
0xc9: {  	s26 =	simm.s32 $0x10;
	[tilespmem:s10+$0x2180] =	vst v3  }
.LBB2_14:
0xca: {  	p1 =	sne.s32 s26, $0x3F0  }
.Ltmp10:
0xcb: {  	_ = 	snop;
	(pc) =	sbr.rel @p1 .LBB2_14-.Ltmp10, $4  }
0xcc: {  	s25 =	sadd.s32 $0x80, s25  }
0xcd: {  	s10 =	sand.u32 $0x70, s26;
	s29 =	sand.u32 $0x1C00, s25  }
0xce: {  	s10 =	sor.u32 s10, s29  }
0xcf: {  	s26 =	sadd.s32 $0x10, s26;
	[tilespmem:s10+$0x2180] =	vst v3  }
.LBB2_15:
0xd0: {  	s10 =	sand.u32 $0xFF, s22  }
0xd1: {  	p1 =	sne.s32 s10, $0x0  }
.Ltmp11:
0xd2: {  	_ = 	snop;
	(pc) =	sbr.rel @p1 .LBB2_18-.Ltmp11, $1  }
0xd3: {  	_ =	sdelay $0x3  }
0xd4: {  	s25 =	simm.s32 $0x0  }
0xd5: {  	s10 =	sand.u32 $0x70, s25;
	s26 =	sand.u32 $0x1C00, s25  }
0xd6: {  	s10 =	sor.u32 s10, s26  }
0xd7: {  	s26 =	simm.s32 $0x10;
	[tilespmem:s10+$0x2200] =	vst v3  }
.LBB2_17:
0xd8: {  	p1 =	sne.s32 s26, $0x3F0  }
.Ltmp12:
0xd9: {  	_ = 	snop;
	(pc) =	sbr.rel @p1 .LBB2_17-.Ltmp12, $4  }
0xda: {  	s25 =	sadd.s32 $0x80, s25  }
0xdb: {  	s10 =	sand.u32 $0x70, s26;
	s29 =	sand.u32 $0x1C00, s25  }
0xdc: {  	s10 =	sor.u32 s10, s29  }
0xdd: {  	s26 =	sadd.s32 $0x10, s26;
	[tilespmem:s10+$0x2200] =	vst v3  }
.LBB2_18:
0xde: {  	s10 =	sand.u32 $0xFF, s21  }
0xdf: {  	p1 =	sne.s32 s10, $0x0  }
.Ltmp13:
0xe0: {  	_ = 	snop;
	(pc) =	sbr.rel @p1 .LBB2_21-.Ltmp13, $1  }
0xe1: {  	_ =	sdelay $0x3  }
0xe2: {  	s25 =	simm.s32 $0x0  }
0xe3: {  	s10 =	sand.u32 $0x70, s25;
	s26 =	sand.u32 $0x1C00, s25  }
0xe4: {  	s10 =	sor.u32 s10, s26  }
0xe5: {  	s26 =	simm.s32 $0x10;
	[tilespmem:s10+$0x2280] =	vst v3  }
.LBB2_20:
0xe6: {  	p1 =	sne.s32 s26, $0x3F0  }
.Ltmp14:
0xe7: {  	_ = 	snop;
	(pc) =	sbr.rel @p1 .LBB2_20-.Ltmp14, $4  }
0xe8: {  	s25 =	sadd.s32 $0x80, s25  }
0xe9: {  	s10 =	sand.u32 $0x70, s26;
	s29 =	sand.u32 $0x1C00, s25  }
0xea: {  	s10 =	sor.u32 s10, s29  }
0xeb: {  	s26 =	sadd.s32 $0x10, s26;
	[tilespmem:s10+$0x2280] =	vst v3  }
.LBB2_21:
0xec: {  	s10 =	sand.u32 $0xFF, s20  }
0xed: {  	p1 =	sne.s32 s10, $0x0  }
.Ltmp15:
0xee: {  	_ = 	snop;
	(pc) =	sbr.rel @p1 .LBB2_24-.Ltmp15, $1  }
0xef: {  	_ =	sdelay $0x3  }
0xf0: {  	s25 =	simm.s32 $0x0  }
0xf1: {  	s10 =	sand.u32 $0x70, s25;
	s26 =	sand.u32 $0x1C00, s25  }
0xf2: {  	s10 =	sor.u32 s10, s26  }
0xf3: {  	s26 =	simm.s32 $0x10;
	[tilespmem:s10+$0x2300] =	vst v3  }
.LBB2_23:
0xf4: {  	p1 =	sne.s32 s26, $0x3F0  }
.Ltmp16:
0xf5: {  	_ = 	snop;
	(pc) =	sbr.rel @p1 .LBB2_23-.Ltmp16, $4  }
0xf6: {  	s25 =	sadd.s32 $0x80, s25  }
0xf7: {  	s10 =	sand.u32 $0x70, s26;
	s29 =	sand.u32 $0x1C00, s25  }
0xf8: {  	s10 =	sor.u32 s10, s29  }
0xf9: {  	s26 =	sadd.s32 $0x10, s26;
	[tilespmem:s10+$0x2300] =	vst v3  }
.LBB2_24:
0xfa: {  	s10 =	sand.u32 $0xFF, s18  }
0xfb: {  	p1 =	sne.s32 s10, $0x0  }
.Ltmp17:
0xfc: {  	_ = 	snop;
	(pc) =	sbr.rel @p1 .LBB2_28-.Ltmp17, $1  }
0xfd: {  	_ =	sdelay $0x3  }
0xfe: {  	s25 =	simm.s32 $0x0  }
0xff: {  	s10 =	sor.u32 s25, s25  }
0x100: {  	s26 =	simm.s32 $0x10;
	s10 =	sor.u32 $0x380, s10  }
.LBB2_26:
0x101: {  	p1 =	sne.s32 s26, $0x3F0  }
0x102: {  	[tilespmem:s10+$0x2000] =	vst v3;
	s25 =	sadd.s32 $0x80, s25;
	s10 =	smov.u32 s26;
	s26 =	sadd.s32 $0x10, s26  }
.Ltmp18:
0x103: {  	(pc) =	sbr.rel @p1 .LBB2_26-.Ltmp18, $3  }
0x104: {  	_ =	sdelay $0x1  }
0x105: {  	s10 =	sor.u32 s25, s10  }
0x106: {  	s10 =	sor.u32 $0x380, s10  }
0x107: {  	[tilespmem:s10+$0x2000] =	vst v3  }
.LBB2_28:
0x108: {  	s10 =	sand.u32 $0xFF, s17  }
0x109: {  	p1 =	sne.s32 s10, $0x0  }
.Ltmp19:
0x10a: {  	_ = 	snop;
	(pc) =	sbr.rel @p1 .LBB2_31-.Ltmp19, $1  }
0x10b: {  	_ =	sdelay $0x3  }
0x10c: {  	s25 =	simm.s32 $0x0  }
0x10d: {  	s10 =	sand.u32 $0x70, s25;
	s26 =	sand.u32 $0x1C00, s25  }
0x10e: {  	s10 =	sor.u32 s10, s26  }
0x10f: {  	s26 =	simm.s32 $0x10;
	[tilespmem:s10+$0x4000] =	vst v3  }
.LBB2_30:
0x110: {  	p1 =	sne.s32 s26, $0x3F0  }
.Ltmp20:
0x111: {  	_ = 	snop;
	(pc) =	sbr.rel @p1 .LBB2_30-.Ltmp20, $4  }
0x112: {  	s25 =	sadd.s32 $0x80, s25  }
0x113: {  	s10 =	sand.u32 $0x70, s26;
	s29 =	sand.u32 $0x1C00, s25  }
0x114: {  	s10 =	sor.u32 s10, s29  }
0x115: {  	s26 =	sadd.s32 $0x10, s26;
	[tilespmem:s10+$0x4000] =	vst v3  }
.LBB2_31:
0x116: {  	s10 =	sand.u32 $0xFF, s16  }
0x117: {  	p1 =	sne.s32 s10, $0x0  }
.Ltmp21:
0x118: {  	_ = 	snop;
	(pc) =	sbr.rel @p1 .LBB2_34-.Ltmp21, $1  }
0x119: {  	_ =	sdelay $0x3  }
0x11a: {  	s25 =	simm.s32 $0x0  }
0x11b: {  	s10 =	sand.u32 $0x70, s25;
	s26 =	sand.u32 $0x1C00, s25  }
0x11c: {  	s10 =	sor.u32 s10, s26  }
0x11d: {  	s26 =	simm.s32 $0x10;
	[tilespmem:s10+$0x4080] =	vst v3  }
.LBB2_33:
0x11e: {  	p1 =	sne.s32 s26, $0x3F0  }
.Ltmp22:
0x11f: {  	_ = 	snop;
	(pc) =	sbr.rel @p1 .LBB2_33-.Ltmp22, $4  }
0x120: {  	s25 =	sadd.s32 $0x80, s25  }
0x121: {  	s10 =	sand.u32 $0x70, s26;
	s29 =	sand.u32 $0x1C00, s25  }
0x122: {  	s10 =	sor.u32 s10, s29  }
0x123: {  	s26 =	sadd.s32 $0x10, s26;
	[tilespmem:s10+$0x4080] =	vst v3  }
.LBB2_34:
0x124: {  	s10 =	sand.u32 $0xFF, s13  }
0x125: {  	p1 =	sne.s32 s10, $0x0  }
.Ltmp23:
0x126: {  	_ = 	snop;
	(pc) =	sbr.rel @p1 .LBB2_37-.Ltmp23, $1  }
0x127: {  	_ =	sdelay $0x3  }
0x128: {  	s25 =	simm.s32 $0x0  }
0x129: {  	s10 =	sand.u32 $0x70, s25;
	s26 =	sand.u32 $0x1C00, s25  }
0x12a: {  	s10 =	sor.u32 s10, s26  }
0x12b: {  	s26 =	simm.s32 $0x10;
	[tilespmem:s10+$0x4100] =	vst v3  }
.LBB2_36:
0x12c: {  	p1 =	sne.s32 s26, $0x3F0  }
.Ltmp24:
0x12d: {  	_ = 	snop;
	(pc) =	sbr.rel @p1 .LBB2_36-.Ltmp24, $4  }
0x12e: {  	s25 =	sadd.s32 $0x80, s25  }
0x12f: {  	s10 =	sand.u32 $0x70, s26;
	s29 =	sand.u32 $0x1C00, s25  }
0x130: {  	s10 =	sor.u32 s10, s29  }
0x131: {  	s26 =	sadd.s32 $0x10, s26;
	[tilespmem:s10+$0x4100] =	vst v3  }
.LBB2_37:
0x132: {  	s10 =	sand.u32 $0xFF, s12  }
0x133: {  	p1 =	sne.s32 s10, $0x0  }
.Ltmp25:
0x134: {  	_ = 	snop;
	(pc) =	sbr.rel @p1 .LBB2_40-.Ltmp25, $1  }
0x135: {  	_ =	sdelay $0x3  }
0x136: {  	s25 =	simm.s32 $0x0  }
0x137: {  	s10 =	sand.u32 $0x70, s25;
	s26 =	sand.u32 $0x1C00, s25  }
0x138: {  	s10 =	sor.u32 s10, s26  }
0x139: {  	s26 =	simm.s32 $0x10;
	[tilespmem:s10+$0x4180] =	vst v3  }
.LBB2_39:
0x13a: {  	p1 =	sne.s32 s26, $0x3F0  }
.Ltmp26:
0x13b: {  	_ = 	snop;
	(pc) =	sbr.rel @p1 .LBB2_39-.Ltmp26, $4  }
0x13c: {  	s25 =	sadd.s32 $0x80, s25  }
0x13d: {  	s10 =	sand.u32 $0x70, s26;
	s29 =	sand.u32 $0x1C00, s25  }
0x13e: {  	s10 =	sor.u32 s10, s29  }
0x13f: {  	s26 =	sadd.s32 $0x10, s26;
	[tilespmem:s10+$0x4180] =	vst v3  }
.LBB2_40:
0x140: {  	s10 =	sand.u32 $0xFF, s1  }
0x141: {  	p1 =	sne.s32 s10, $0x0  }
.Ltmp27:
0x142: {  	_ = 	snop;
	(pc) =	sbr.rel @p1 .LBB2_43-.Ltmp27, $1  }
0x143: {  	_ =	sdelay $0x3  }
0x144: {  	s25 =	simm.s32 $0x0  }
0x145: {  	s10 =	sand.u32 $0x70, s25;
	s26 =	sand.u32 $0x1C00, s25  }
0x146: {  	s10 =	sor.u32 s10, s26  }
0x147: {  	s26 =	simm.s32 $0x10;
	[tilespmem:s10+$0x4200] =	vst v3  }
.LBB2_42:
0x148: {  	p1 =	sne.s32 s26, $0x3F0  }
.Ltmp28:
0x149: {  	_ = 	snop;
	(pc) =	sbr.rel @p1 .LBB2_42-.Ltmp28, $4  }
0x14a: {  	s25 =	sadd.s32 $0x80, s25  }
0x14b: {  	s10 =	sand.u32 $0x70, s26;
	s29 =	sand.u32 $0x1C00, s25  }
0x14c: {  	s10 =	sor.u32 s10, s29  }
0x14d: {  	s26 =	sadd.s32 $0x10, s26;
	[tilespmem:s10+$0x4200] =	vst v3  }
.LBB2_43:
0x14e: {  	s10 =	sand.u32 $0xFF, s0  }
0x14f: {  	p1 =	sne.s32 s10, $0x0  }
.Ltmp29:
0x150: {  	_ = 	snop;
	(pc) =	sbr.rel @p1 .LBB2_46-.Ltmp29, $1  }
0x151: {  	_ =	sdelay $0x3  }
0x152: {  	s25 =	simm.s32 $0x0  }
0x153: {  	s10 =	sand.u32 $0x70, s25;
	s26 =	sand.u32 $0x1C00, s25  }
0x154: {  	s10 =	sor.u32 s10, s26  }
0x155: {  	s26 =	simm.s32 $0x10;
	[tilespmem:s10+$0x4280] =	vst v3  }
.LBB2_45:
0x156: {  	p1 =	sne.s32 s26, $0x3F0  }
.Ltmp30:
0x157: {  	_ = 	snop;
	(pc) =	sbr.rel @p1 .LBB2_45-.Ltmp30, $4  }
0x158: {  	s25 =	sadd.s32 $0x80, s25  }
0x159: {  	s10 =	sand.u32 $0x70, s26;
	s29 =	sand.u32 $0x1C00, s25  }
0x15a: {  	s10 =	sor.u32 s10, s29  }
0x15b: {  	s26 =	sadd.s32 $0x10, s26;
	[tilespmem:s10+$0x4280] =	vst v3  }
.LBB2_46:
0x15c: {  	s10 =	sand.u32 $0xFF, s31  }
0x15d: {  	p1 =	sne.s32 s10, $0x0  }
.Ltmp31:
0x15e: {  	_ = 	snop;
	(pc) =	sbr.rel @p1 .LBB2_49-.Ltmp31, $1  }
0x15f: {  	_ =	sdelay $0x3  }
0x160: {  	s25 =	simm.s32 $0x0  }
0x161: {  	s10 =	sand.u32 $0x70, s25;
	s26 =	sand.u32 $0x1C00, s25  }
0x162: {  	s10 =	sor.u32 s10, s26  }
0x163: {  	s26 =	simm.s32 $0x10;
	[tilespmem:s10+$0x4300] =	vst v3  }
.LBB2_48:
0x164: {  	p1 =	sne.s32 s26, $0x3F0  }
.Ltmp32:
0x165: {  	_ = 	snop;
	(pc) =	sbr.rel @p1 .LBB2_48-.Ltmp32, $4  }
0x166: {  	s25 =	sadd.s32 $0x80, s25  }
0x167: {  	s10 =	sand.u32 $0x70, s26;
	s29 =	sand.u32 $0x1C00, s25  }
0x168: {  	s10 =	sor.u32 s10, s29  }
0x169: {  	s26 =	sadd.s32 $0x10, s26;
	[tilespmem:s10+$0x4300] =	vst v3  }
.LBB2_49:
0x16a: {  	s10 =	sand.u32 $0xFF, s30  }
0x16b: {  	p1 =	sne.s32 s10, $0x0  }
.Ltmp33:
0x16c: {  	_ = 	snop;
	(pc) =	sbr.rel @p1 .LBB2_52-.Ltmp33, $1  }
0x16d: {  	_ =	sdelay $0x3  }
0x16e: {  	s25 =	simm.s32 $0x0  }
0x16f: {  	s10 =	sand.u32 $0x70, s25;
	s26 =	sand.u32 $0x1C00, s25  }
0x170: {  	s10 =	sor.u32 s10, s26  }
0x171: {  	s26 =	simm.s32 $0x10;
	[tilespmem:s10+$0x4380] =	vst v3  }
.LBB2_51:
0x172: {  	p1 =	sne.s32 s26, $0x3F0  }
.Ltmp34:
0x173: {  	_ = 	snop;
	(pc) =	sbr.rel @p1 .LBB2_51-.Ltmp34, $4  }
0x174: {  	s25 =	sadd.s32 $0x80, s25  }
0x175: {  	s10 =	sand.u32 $0x70, s26;
	s29 =	sand.u32 $0x1C00, s25  }
0x176: {  	s10 =	sor.u32 s10, s29  }
0x177: {  	s26 =	sadd.s32 $0x10, s26;
	[tilespmem:s10+$0x4380] =	vst v3  }
.LBB2_52:
0x178: {  	s10 =	sshll.u32 s4, $0xD  }
0x179: {  	s25 =	simm.s32 $0x2000;
	p1 =	seq.s32 s4, $0x0;
	s10 =	sadd.s32 s10, s8  }
0x17a: {  	[hbm4b:s10+s3] =	stream.linear.scatter [tilespmem:s25], [sflag:$0x5], $0x4000, $0x38;
	[tilespmem:$0x12000] =	vst v63  }
0x17b: {  	s10 =	simm.s32 @!p1 $0x8  }
0x17c: {  	_ =	swait.ge @!p1 [sflag:s10], $0x4000  }
0x17d: {  	[sflag:s10] =	ssyncset.done @!p1 $0x0  }
0x17e: {  	[sflag:s10] =	ssyncadd.s32 @!p1 $0xFFFFC000  }
0x17f: {  	v4 =	vld [tilespmem:s24+$0x0];
	_ =	sdelay $0x4  }
0x180: {  	v5 =	vshll.u32 v4, $0x3  }
0x181: {  	v4 =	vand.u32 $0x7, v4;
	v5 =	vand.u32 $0xFFFFFFC0, v5  }
0x182: {  	v4 =	vor.u32 v4, v5  }
0x183: {  	v5 =	vperm.xlane v4, v0;
	_ =	sdelay $0x1  }
0x184: {  	v5 =	vadd.s32 v1, v5;
	_ =	sdelay $0x3  }
0x185: {  	s29 =	simm.s32 $0xE000  }
0x186: {  	[tilespmem:s29], [sflag:$0x4] =	stream.indirect_vreg.gather [hbm4b:s2+s3], $0x80, v5, vm0, $0xb8;
	[tilespmem:$0x12000] =	vst v63  }
0x187: {  	s24 =	simm.s32 $0xE800;
	v4 =	vperm.xlane v4, v2  }
0x188: {  	[tilespmem:s24], [sflag:$0x4] =	stream.indirect_vreg.gather [hbm4b:s5+s3], $0x80, v5, vm0, $0xb8;
	[tilespmem:$0x12000] =	vst v63  }
0x189: {  	s25 =	simm.s32 $0xF000;
	v4 =	vadd.s32 v1, v4  }
0x18a: {  	[tilespmem:s25], [sflag:$0x4] =	stream.indirect_vreg.gather [hbm4b:s6+s3], $0x80, v5, vm0, $0xb8;
	[tilespmem:$0x12000] =	vst v63  }
0x18b: {  	s26 =	simm.s32 $0xF800  }
0x18c: {  	[tilespmem:s26], [sflag:$0x4] =	stream.indirect_vreg.gather [hbm4b:s7+s3], $0x80, v5, vm0, $0xb8;
	[tilespmem:$0x12000] =	vst v63  }
0x18d: {  	s29 =	simm.s32 $0x10000  }
0x18e: {  	[tilespmem:s29], [sflag:$0x4] =	stream.indirect_vreg.gather [hbm4b:s2+s3], $0x80, v4, vm0, $0xb8;
	[tilespmem:$0x12000] =	vst v63  }
0x18f: {  	s24 =	simm.s32 $0x10800  }
0x190: {  	[tilespmem:s24], [sflag:$0x4] =	stream.indirect_vreg.gather [hbm4b:s5+s3], $0x80, v4, vm0, $0xb8;
	[tilespmem:$0x12000] =	vst v63  }
0x191: {  	s25 =	simm.s32 $0x11000  }
0x192: {  	[tilespmem:s25], [sflag:$0x4] =	stream.indirect_vreg.gather [hbm4b:s6+s3], $0x80, v4, vm0, $0xb8;
	[tilespmem:$0x12000] =	vst v63  }
.Ltmp35:
0x193: {  	s26 =	simm.s32 $0x11800;
	s29 =	simm.s32 $0x2;
	(pc) =	sbr.rel @!p0 .LBB2_102-.Ltmp35, $4  }
0x194: {  	[tilespmem:s26], [sflag:$0x4] =	stream.indirect_vreg.gather [hbm4b:s7+s3], $0x80, v4, vm0, $0xb8;
	[tilespmem:$0x12000] =	vst v63  }
0x195: {  	_ =	swait.ge [sflag:s29], $0x4000  }
0x196: {  	[sflag:s29] =	ssyncset.done $0x0  }
0x197: {  	[sflag:s29] =	ssyncadd.s32 $0xFFFFC000  }
0x198: {  	s10 =	sand.u32 $0xFF00, s15  }
0x199: {  	p1 =	sne.s32 s10, $0x0  }
.Ltmp36:
0x19a: {  	_ = 	snop;
	(pc) =	sbr.rel @p1 .LBB2_56-.Ltmp36, $1  }
0x19b: {  	_ =	sdelay $0x3  }
0x19c: {  	s24 =	simm.s32 $0x0  }
0x19d: {  	s10 =	sand.u32 $0x70, s24;
	s25 =	sand.u32 $0x1C00, s24  }
0x19e: {  	s10 =	sor.u32 s10, s25  }
0x19f: {  	s25 =	simm.s32 $0x10;
	[tilespmem:s10+$0x6000] =	vst v3  }
.LBB2_55:
0x1a0: {  	p1 =	sne.s32 s25, $0x3F0  }
.Ltmp37:
0x1a1: {  	_ = 	snop;
	(pc) =	sbr.rel @p1 .LBB2_55-.Ltmp37, $4  }
0x1a2: {  	s24 =	sadd.s32 $0x80, s24  }
0x1a3: {  	s10 =	sand.u32 $0x70, s25;
	s26 =	sand.u32 $0x1C00, s24  }
0x1a4: {  	s10 =	sor.u32 s10, s26  }
0x1a5: {  	s25 =	sadd.s32 $0x10, s25;
	[tilespmem:s10+$0x6000] =	vst v3  }
.LBB2_56:
0x1a6: {  	s10 =	sand.u32 $0xFF00, s19  }
0x1a7: {  	p1 =	sne.s32 s10, $0x0  }
.Ltmp38:
0x1a8: {  	_ = 	snop;
	(pc) =	sbr.rel @p1 .LBB2_59-.Ltmp38, $1  }
0x1a9: {  	_ =	sdelay $0x3  }
0x1aa: {  	s24 =	simm.s32 $0x0  }
0x1ab: {  	s10 =	sand.u32 $0x70, s24;
	s25 =	sand.u32 $0x1C00, s24  }
0x1ac: {  	s10 =	sor.u32 s10, s25  }
0x1ad: {  	s25 =	simm.s32 $0x10;
	[tilespmem:s10+$0x6080] =	vst v3  }
.LBB2_58:
0x1ae: {  	p1 =	sne.s32 s25, $0x3F0  }
.Ltmp39:
0x1af: {  	_ = 	snop;
	(pc) =	sbr.rel @p1 .LBB2_58-.Ltmp39, $4  }
0x1b0: {  	s24 =	sadd.s32 $0x80, s24  }
0x1b1: {  	s10 =	sand.u32 $0x70, s25;
	s26 =	sand.u32 $0x1C00, s24  }
0x1b2: {  	s10 =	sor.u32 s10, s26  }
0x1b3: {  	s25 =	sadd.s32 $0x10, s25;
	[tilespmem:s10+$0x6080] =	vst v3  }
.LBB2_59:
0x1b4: {  	s10 =	sand.u32 $0xFF00, s11  }
0x1b5: {  	p1 =	sne.s32 s10, $0x0  }
.Ltmp40:
0x1b6: {  	_ = 	snop;
	(pc) =	sbr.rel @p1 .LBB2_62-.Ltmp40, $1  }
0x1b7: {  	_ =	sdelay $0x3  }
0x1b8: {  	s24 =	simm.s32 $0x0  }
0x1b9: {  	s10 =	sand.u32 $0x70, s24;
	s25 =	sand.u32 $0x1C00, s24  }
0x1ba: {  	s10 =	sor.u32 s10, s25  }
0x1bb: {  	s25 =	simm.s32 $0x10;
	[tilespmem:s10+$0x6100] =	vst v3  }
.LBB2_61:
0x1bc: {  	p1 =	sne.s32 s25, $0x3F0  }
.Ltmp41:
0x1bd: {  	_ = 	snop;
	(pc) =	sbr.rel @p1 .LBB2_61-.Ltmp41, $4  }
0x1be: {  	s24 =	sadd.s32 $0x80, s24  }
0x1bf: {  	s10 =	sand.u32 $0x70, s25;
	s26 =	sand.u32 $0x1C00, s24  }
0x1c0: {  	s10 =	sor.u32 s10, s26  }
0x1c1: {  	s25 =	sadd.s32 $0x10, s25;
	[tilespmem:s10+$0x6100] =	vst v3  }
.LBB2_62:
0x1c2: {  	s10 =	sand.u32 $0xFF00, s23  }
0x1c3: {  	p1 =	sne.s32 s10, $0x0  }
.Ltmp42:
0x1c4: {  	_ = 	snop;
	(pc) =	sbr.rel @p1 .LBB2_65-.Ltmp42, $1  }
0x1c5: {  	_ =	sdelay $0x3  }
0x1c6: {  	s24 =	simm.s32 $0x0  }
0x1c7: {  	s10 =	sand.u32 $0x70, s24;
	s25 =	sand.u32 $0x1C00, s24  }
0x1c8: {  	s10 =	sor.u32 s10, s25  }
0x1c9: {  	s25 =	simm.s32 $0x10;
	[tilespmem:s10+$0x6180] =	vst v3  }
.LBB2_64:
0x1ca: {  	p1 =	sne.s32 s25, $0x3F0  }
.Ltmp43:
0x1cb: {  	_ = 	snop;
	(pc) =	sbr.rel @p1 .LBB2_64-.Ltmp43, $4  }
0x1cc: {  	s24 =	sadd.s32 $0x80, s24  }
0x1cd: {  	s10 =	sand.u32 $0x70, s25;
	s26 =	sand.u32 $0x1C00, s24  }
0x1ce: {  	s10 =	sor.u32 s10, s26  }
0x1cf: {  	s25 =	sadd.s32 $0x10, s25;
	[tilespmem:s10+$0x6180] =	vst v3  }
.LBB2_65:
0x1d0: {  	s10 =	sand.u32 $0xFF00, s22  }
0x1d1: {  	p1 =	sne.s32 s10, $0x0  }
.Ltmp44:
0x1d2: {  	_ = 	snop;
	(pc) =	sbr.rel @p1 .LBB2_68-.Ltmp44, $1  }
0x1d3: {  	_ =	sdelay $0x3  }
0x1d4: {  	s24 =	simm.s32 $0x0  }
0x1d5: {  	s10 =	sand.u32 $0x70, s24;
	s25 =	sand.u32 $0x1C00, s24  }
0x1d6: {  	s10 =	sor.u32 s10, s25  }
0x1d7: {  	s25 =	simm.s32 $0x10;
	[tilespmem:s10+$0x6200] =	vst v3  }
.LBB2_67:
0x1d8: {  	p1 =	sne.s32 s25, $0x3F0  }
.Ltmp45:
0x1d9: {  	_ = 	snop;
	(pc) =	sbr.rel @p1 .LBB2_67-.Ltmp45, $4  }
0x1da: {  	s24 =	sadd.s32 $0x80, s24  }
0x1db: {  	s10 =	sand.u32 $0x70, s25;
	s26 =	sand.u32 $0x1C00, s24  }
0x1dc: {  	s10 =	sor.u32 s10, s26  }
0x1dd: {  	s25 =	sadd.s32 $0x10, s25;
	[tilespmem:s10+$0x6200] =	vst v3  }
.LBB2_68:
0x1de: {  	s10 =	sand.u32 $0xFF00, s21  }
0x1df: {  	p1 =	sne.s32 s10, $0x0  }
.Ltmp46:
0x1e0: {  	_ = 	snop;
	(pc) =	sbr.rel @p1 .LBB2_71-.Ltmp46, $1  }
0x1e1: {  	_ =	sdelay $0x3  }
0x1e2: {  	s24 =	simm.s32 $0x0  }
0x1e3: {  	s10 =	sand.u32 $0x70, s24;
	s25 =	sand.u32 $0x1C00, s24  }
0x1e4: {  	s10 =	sor.u32 s10, s25  }
0x1e5: {  	s25 =	simm.s32 $0x10;
	[tilespmem:s10+$0x6280] =	vst v3  }
.LBB2_70:
0x1e6: {  	p1 =	sne.s32 s25, $0x3F0  }
.Ltmp47:
0x1e7: {  	_ = 	snop;
	(pc) =	sbr.rel @p1 .LBB2_70-.Ltmp47, $4  }
0x1e8: {  	s24 =	sadd.s32 $0x80, s24  }
0x1e9: {  	s10 =	sand.u32 $0x70, s25;
	s26 =	sand.u32 $0x1C00, s24  }
0x1ea: {  	s10 =	sor.u32 s10, s26  }
0x1eb: {  	s25 =	sadd.s32 $0x10, s25;
	[tilespmem:s10+$0x6280] =	vst v3  }
.LBB2_71:
0x1ec: {  	s10 =	sand.u32 $0xFF00, s20  }
0x1ed: {  	p1 =	sne.s32 s10, $0x0  }
.Ltmp48:
0x1ee: {  	_ = 	snop;
	(pc) =	sbr.rel @p1 .LBB2_74-.Ltmp48, $1  }
0x1ef: {  	_ =	sdelay $0x3  }
0x1f0: {  	s24 =	simm.s32 $0x0  }
0x1f1: {  	s10 =	sand.u32 $0x70, s24;
	s25 =	sand.u32 $0x1C00, s24  }
0x1f2: {  	s10 =	sor.u32 s10, s25  }
0x1f3: {  	s25 =	simm.s32 $0x10;
	[tilespmem:s10+$0x6300] =	vst v3  }
.LBB2_73:
0x1f4: {  	p1 =	sne.s32 s25, $0x3F0  }
.Ltmp49:
0x1f5: {  	_ = 	snop;
	(pc) =	sbr.rel @p1 .LBB2_73-.Ltmp49, $4  }
0x1f6: {  	s24 =	sadd.s32 $0x80, s24  }
0x1f7: {  	s10 =	sand.u32 $0x70, s25;
	s26 =	sand.u32 $0x1C00, s24  }
0x1f8: {  	s10 =	sor.u32 s10, s26  }
0x1f9: {  	s25 =	sadd.s32 $0x10, s25;
	[tilespmem:s10+$0x6300] =	vst v3  }
.LBB2_74:
0x1fa: {  	s10 =	sand.u32 $0xFF00, s18  }
0x1fb: {  	p1 =	sne.s32 s10, $0x0  }
.Ltmp50:
0x1fc: {  	_ = 	snop;
	(pc) =	sbr.rel @p1 .LBB2_78-.Ltmp50, $1  }
0x1fd: {  	_ =	sdelay $0x3  }
0x1fe: {  	s24 =	simm.s32 $0x0  }
0x1ff: {  	s10 =	sor.u32 s24, s24  }
0x200: {  	s25 =	simm.s32 $0x10;
	s10 =	sor.u32 $0x380, s10  }
.LBB2_76:
0x201: {  	p1 =	sne.s32 s25, $0x3F0  }
0x202: {  	[tilespmem:s10+$0x6000] =	vst v3;
	s24 =	sadd.s32 $0x80, s24;
	s10 =	smov.u32 s25;
	s25 =	sadd.s32 $0x10, s25  }
.Ltmp51:
0x203: {  	(pc) =	sbr.rel @p1 .LBB2_76-.Ltmp51, $3  }
0x204: {  	_ =	sdelay $0x1  }
0x205: {  	s10 =	sor.u32 s24, s10  }
0x206: {  	s10 =	sor.u32 $0x380, s10  }
0x207: {  	[tilespmem:s10+$0x6000] =	vst v3  }
.LBB2_78:
0x208: {  	s10 =	sand.u32 $0xFF00, s17  }
0x209: {  	p1 =	sne.s32 s10, $0x0  }
.Ltmp52:
0x20a: {  	_ = 	snop;
	(pc) =	sbr.rel @p1 .LBB2_81-.Ltmp52, $1  }
0x20b: {  	_ =	sdelay $0x3  }
0x20c: {  	s24 =	simm.s32 $0x0  }
0x20d: {  	s10 =	sand.u32 $0x70, s24;
	s25 =	sand.u32 $0x1C00, s24  }
0x20e: {  	s10 =	sor.u32 s10, s25  }
0x20f: {  	s25 =	simm.s32 $0x10;
	[tilespmem:s10+$0x8000] =	vst v3  }
.LBB2_80:
0x210: {  	p1 =	sne.s32 s25, $0x3F0  }
.Ltmp53:
0x211: {  	_ = 	snop;
	(pc) =	sbr.rel @p1 .LBB2_80-.Ltmp53, $4  }
0x212: {  	s24 =	sadd.s32 $0x80, s24  }
0x213: {  	s10 =	sand.u32 $0x70, s25;
	s26 =	sand.u32 $0x1C00, s24  }
0x214: {  	s10 =	sor.u32 s10, s26  }
0x215: {  	s25 =	sadd.s32 $0x10, s25;
	[tilespmem:s10+$0x8000] =	vst v3  }
.LBB2_81:
0x216: {  	s10 =	sand.u32 $0xFF00, s16  }
0x217: {  	p1 =	sne.s32 s10, $0x0  }
.Ltmp54:
0x218: {  	_ = 	snop;
	(pc) =	sbr.rel @p1 .LBB2_84-.Ltmp54, $1  }
0x219: {  	_ =	sdelay $0x3  }
0x21a: {  	s24 =	simm.s32 $0x0  }
0x21b: {  	s10 =	sand.u32 $0x70, s24;
	s25 =	sand.u32 $0x1C00, s24  }
0x21c: {  	s10 =	sor.u32 s10, s25  }
0x21d: {  	s25 =	simm.s32 $0x10;
	[tilespmem:s10+$0x8080] =	vst v3  }
.LBB2_83:
0x21e: {  	p1 =	sne.s32 s25, $0x3F0  }
.Ltmp55:
0x21f: {  	_ = 	snop;
	(pc) =	sbr.rel @p1 .LBB2_83-.Ltmp55, $4  }
0x220: {  	s24 =	sadd.s32 $0x80, s24  }
0x221: {  	s10 =	sand.u32 $0x70, s25;
	s26 =	sand.u32 $0x1C00, s24  }
0x222: {  	s10 =	sor.u32 s10, s26  }
0x223: {  	s25 =	sadd.s32 $0x10, s25;
	[tilespmem:s10+$0x8080] =	vst v3  }
.LBB2_84:
0x224: {  	s10 =	sand.u32 $0xFF00, s13  }
0x225: {  	p1 =	sne.s32 s10, $0x0  }
.Ltmp56:
0x226: {  	_ = 	snop;
	(pc) =	sbr.rel @p1 .LBB2_87-.Ltmp56, $1  }
0x227: {  	_ =	sdelay $0x3  }
0x228: {  	s24 =	simm.s32 $0x0  }
0x229: {  	s10 =	sand.u32 $0x70, s24;
	s25 =	sand.u32 $0x1C00, s24  }
0x22a: {  	s10 =	sor.u32 s10, s25  }
0x22b: {  	s25 =	simm.s32 $0x10;
	[tilespmem:s10+$0x8100] =	vst v3  }
.LBB2_86:
0x22c: {  	p1 =	sne.s32 s25, $0x3F0  }
.Ltmp57:
0x22d: {  	_ = 	snop;
	(pc) =	sbr.rel @p1 .LBB2_86-.Ltmp57, $4  }
0x22e: {  	s24 =	sadd.s32 $0x80, s24  }
0x22f: {  	s10 =	sand.u32 $0x70, s25;
	s26 =	sand.u32 $0x1C00, s24  }
0x230: {  	s10 =	sor.u32 s10, s26  }
0x231: {  	s25 =	sadd.s32 $0x10, s25;
	[tilespmem:s10+$0x8100] =	vst v3  }
.LBB2_87:
0x232: {  	s10 =	sand.u32 $0xFF00, s12  }
0x233: {  	p1 =	sne.s32 s10, $0x0  }
.Ltmp58:
0x234: {  	_ = 	snop;
	(pc) =	sbr.rel @p1 .LBB2_90-.Ltmp58, $1  }
0x235: {  	_ =	sdelay $0x3  }
0x236: {  	s24 =	simm.s32 $0x0  }
0x237: {  	s10 =	sand.u32 $0x70, s24;
	s25 =	sand.u32 $0x1C00, s24  }
0x238: {  	s10 =	sor.u32 s10, s25  }
0x239: {  	s25 =	simm.s32 $0x10;
	[tilespmem:s10+$0x8180] =	vst v3  }
.LBB2_89:
0x23a: {  	p1 =	sne.s32 s25, $0x3F0  }
.Ltmp59:
0x23b: {  	_ = 	snop;
	(pc) =	sbr.rel @p1 .LBB2_89-.Ltmp59, $4  }
0x23c: {  	s24 =	sadd.s32 $0x80, s24  }
0x23d: {  	s10 =	sand.u32 $0x70, s25;
	s26 =	sand.u32 $0x1C00, s24  }
0x23e: {  	s10 =	sor.u32 s10, s26  }
0x23f: {  	s25 =	sadd.s32 $0x10, s25;
	[tilespmem:s10+$0x8180] =	vst v3  }
.LBB2_90:
0x240: {  	s10 =	sand.u32 $0xFF00, s1  }
0x241: {  	p1 =	sne.s32 s10, $0x0  }
.Ltmp60:
0x242: {  	_ = 	snop;
	(pc) =	sbr.rel @p1 .LBB2_93-.Ltmp60, $1  }
0x243: {  	_ =	sdelay $0x3  }
0x244: {  	s24 =	simm.s32 $0x0  }
0x245: {  	s10 =	sand.u32 $0x70, s24;
	s25 =	sand.u32 $0x1C00, s24  }
0x246: {  	s10 =	sor.u32 s10, s25  }
0x247: {  	s25 =	simm.s32 $0x10;
	[tilespmem:s10+$0x8200] =	vst v3  }
.LBB2_92:
0x248: {  	p1 =	sne.s32 s25, $0x3F0  }
.Ltmp61:
0x249: {  	_ = 	snop;
	(pc) =	sbr.rel @p1 .LBB2_92-.Ltmp61, $4  }
0x24a: {  	s24 =	sadd.s32 $0x80, s24  }
0x24b: {  	s10 =	sand.u32 $0x70, s25;
	s26 =	sand.u32 $0x1C00, s24  }
0x24c: {  	s10 =	sor.u32 s10, s26  }
0x24d: {  	s25 =	sadd.s32 $0x10, s25;
	[tilespmem:s10+$0x8200] =	vst v3  }
.LBB2_93:
0x24e: {  	s10 =	sand.u32 $0xFF00, s0  }
0x24f: {  	p1 =	sne.s32 s10, $0x0  }
.Ltmp62:
0x250: {  	_ = 	snop;
	(pc) =	sbr.rel @p1 .LBB2_96-.Ltmp62, $1  }
0x251: {  	_ =	sdelay $0x3  }
0x252: {  	s24 =	simm.s32 $0x0  }
0x253: {  	s10 =	sand.u32 $0x70, s24;
	s25 =	sand.u32 $0x1C00, s24  }
0x254: {  	s10 =	sor.u32 s10, s25  }
0x255: {  	s25 =	simm.s32 $0x10;
	[tilespmem:s10+$0x8280] =	vst v3  }
.LBB2_95:
0x256: {  	p1 =	sne.s32 s25, $0x3F0  }
.Ltmp63:
0x257: {  	_ = 	snop;
	(pc) =	sbr.rel @p1 .LBB2_95-.Ltmp63, $4  }
0x258: {  	s24 =	sadd.s32 $0x80, s24  }
0x259: {  	s10 =	sand.u32 $0x70, s25;
	s26 =	sand.u32 $0x1C00, s24  }
0x25a: {  	s10 =	sor.u32 s10, s26  }
0x25b: {  	s25 =	sadd.s32 $0x10, s25;
	[tilespmem:s10+$0x8280] =	vst v3  }
.LBB2_96:
0x25c: {  	s10 =	sand.u32 $0xFF00, s31  }
0x25d: {  	p1 =	sne.s32 s10, $0x0  }
.Ltmp64:
0x25e: {  	_ = 	snop;
	(pc) =	sbr.rel @p1 .LBB2_99-.Ltmp64, $1  }
0x25f: {  	_ =	sdelay $0x3  }
0x260: {  	s24 =	simm.s32 $0x0  }
0x261: {  	s10 =	sand.u32 $0x70, s24;
	s25 =	sand.u32 $0x1C00, s24  }
0x262: {  	s10 =	sor.u32 s10, s25  }
0x263: {  	s25 =	simm.s32 $0x10;
	[tilespmem:s10+$0x8300] =	vst v3  }
.LBB2_98:
0x264: {  	p1 =	sne.s32 s25, $0x3F0  }
.Ltmp65:
0x265: {  	_ = 	snop;
	(pc) =	sbr.rel @p1 .LBB2_98-.Ltmp65, $4  }
0x266: {  	s24 =	sadd.s32 $0x80, s24  }
0x267: {  	s10 =	sand.u32 $0x70, s25;
	s26 =	sand.u32 $0x1C00, s24  }
0x268: {  	s10 =	sor.u32 s10, s26  }
0x269: {  	s25 =	sadd.s32 $0x10, s25;
	[tilespmem:s10+$0x8300] =	vst v3  }
.LBB2_99:
0x26a: {  	s10 =	sand.u32 $0xFF00, s30  }
0x26b: {  	p1 =	sne.s32 s10, $0x0  }
.Ltmp66:
0x26c: {  	_ = 	snop;
	(pc) =	sbr.rel @p1 .LBB2_102-.Ltmp66, $1  }
0x26d: {  	_ =	sdelay $0x3  }
0x26e: {  	s24 =	simm.s32 $0x0  }
0x26f: {  	s10 =	sand.u32 $0x70, s24;
	s25 =	sand.u32 $0x1C00, s24  }
0x270: {  	s10 =	sor.u32 s10, s25  }
0x271: {  	s25 =	simm.s32 $0x10;
	[tilespmem:s10+$0x8380] =	vst v3  }
.LBB2_101:
0x272: {  	p1 =	sne.s32 s25, $0x3F0  }
.Ltmp67:
0x273: {  	_ = 	snop;
	(pc) =	sbr.rel @p1 .LBB2_101-.Ltmp67, $4  }
0x274: {  	s24 =	sadd.s32 $0x80, s24  }
0x275: {  	s10 =	sand.u32 $0x70, s25;
	s26 =	sand.u32 $0x1C00, s24  }
0x276: {  	s10 =	sor.u32 s10, s26  }
0x277: {  	s25 =	sadd.s32 $0x10, s25;
	[tilespmem:s10+$0x8380] =	vst v3  }
.LBB2_102:
0x278: {  	s10 =	sshll.u32 s14, $0xB  }
0x279: {  	s26 =	simm.s32 $0x6000;
	p1 =	seq.s32 s4, $0xF;
	s10 =	sadd.s32 s10, s8  }
0x27a: {  	[hbm4b:s10+s3] =	stream.linear.scatter [tilespmem:s26], [sflag:$0x6], $0x4000, $0x38;
	[tilespmem:$0x12000] =	vst v63  }
0x27b: {  	s10 =	simm.s32 @!p1 $0x5  }
0x27c: {  	_ =	swait.ge @!p1 [sflag:s10], $0x4000  }
0x27d: {  	[sflag:s10] =	ssyncset.done @!p1 $0x0  }
0x27e: {  	[sflag:s10] =	ssyncadd.s32 @!p1 $0xFFFFC000  }
0x27f: {  	v4 =	vld @!p1 [tilespmem:s9+$0x200];
	_ =	sdelay $0x4  }
0x280: {  	v5 =	vshll.u32 @!p1 v4, $0x3  }
0x281: {  	v6 =	vlaneseq.u32 @!p1;
	v4 =	vand.u32 @!p1 $0x7, v4;
	v5 =	vand.u32 @!p1 $0xFFFFFFC0, v5  }
0x282: {  	v7 =	vor.u32 @!p1 v4, v5;
	v5 =	vand.u32 @!p1 $0x7, v6;
	v4 =	vshrl.u32 @!p1 v6, $0x3  }
0x283: {  	v8 =	vperm.xlane @!p1 v7, v5;
	v4 =	vmul.u32 @!p1 $0x8, v4;
	_ =	sdelay $0x1  }
0x284: {  	v8 =	vadd.s32 @!p1 v4, v8;
	_ =	sdelay $0x3  }
0x285: {  	vm1 =	vmmov @!p1 $0xffff;
	s14 =	simm.s32 @!p1 $0x0;
	s10 =	simm.s32 @!p1 $0x2000  }
0x286: {  	v6 =	vor.u32 @!p1 $0x8, v6;
	[tilespmem:s10], [sflag:$0x1] =	stream.indirect_vreg.gather @!p1 [hbm4b:s2+s14], $0x80, v8, vm1, $0xb8;
	[tilespmem:$0x12000] =	vst v63  }
0x287: {  	v7 =	vperm.xlane @!p1 v7, v6;
	s10 =	simm.s32 @!p1 $0x2800  }
0x288: {  	[tilespmem:s10], [sflag:$0x1] =	stream.indirect_vreg.gather @!p1 [hbm4b:s5+s14], $0x80, v8, vm1, $0xb8;
	[tilespmem:$0x12000] =	vst v63  }
0x289: {  	v7 =	vadd.s32 @!p1 v4, v7;
	s10 =	simm.s32 @!p1 $0x3000  }
0x28a: {  	[tilespmem:s10], [sflag:$0x1] =	stream.indirect_vreg.gather @!p1 [hbm4b:s6+s14], $0x80, v8, vm1, $0xb8;
	[tilespmem:$0x12000] =	vst v63  }
0x28b: {  	s10 =	simm.s32 @!p1 $0x3800  }
0x28c: {  	[tilespmem:s10], [sflag:$0x1] =	stream.indirect_vreg.gather @!p1 [hbm4b:s7+s14], $0x80, v8, vm1, $0xb8;
	[tilespmem:$0x12000] =	vst v63  }
0x28d: {  	s10 =	simm.s32 @!p1 $0x4000  }
0x28e: {  	[tilespmem:s10], [sflag:$0x1] =	stream.indirect_vreg.gather @!p1 [hbm4b:s2+s14], $0x80, v7, vm1, $0xb8;
	[tilespmem:$0x12000] =	vst v63  }
0x28f: {  	s10 =	simm.s32 @!p1 $0x4800  }
0x290: {  	[tilespmem:s10], [sflag:$0x1] =	stream.indirect_vreg.gather @!p1 [hbm4b:s5+s14], $0x80, v7, vm1, $0xb8;
	[tilespmem:$0x12000] =	vst v63  }
0x291: {  	s10 =	simm.s32 @!p1 $0x5000  }
0x292: {  	[tilespmem:s10], [sflag:$0x1] =	stream.indirect_vreg.gather @!p1 [hbm4b:s6+s14], $0x80, v7, vm1, $0xb8;
	[tilespmem:$0x12000] =	vst v63  }
.Ltmp68:
0x293: {  	s29 =	simm.s32 $0x3;
	s10 =	simm.s32 @!p1 $0x5800;
	(pc) =	sbr.rel @!p0 .LBB2_152-.Ltmp68, $4  }
0x294: {  	[tilespmem:s10], [sflag:$0x1] =	stream.indirect_vreg.gather @!p1 [hbm4b:s7+s14], $0x80, v7, vm1, $0xb8;
	[tilespmem:$0x12000] =	vst v63  }
0x295: {  	_ =	swait.ge [sflag:s29], $0x4000  }
0x296: {  	[sflag:s29] =	ssyncset.done $0x0  }
0x297: {  	[sflag:s29] =	ssyncadd.s32 $0xFFFFC000  }
0x298: {  	s10 =	sand.u32 $0xFF0000, s15  }
0x299: {  	p2 =	sne.s32 s10, $0x0  }
.Ltmp69:
0x29a: {  	_ = 	snop;
	(pc) =	sbr.rel @p2 .LBB2_106-.Ltmp69, $1  }
0x29b: {  	_ =	sdelay $0x3  }
0x29c: {  	s24 =	simm.s32 $0x0  }
0x29d: {  	s10 =	sand.u32 $0x70, s24;
	s25 =	sand.u32 $0x1C00, s24  }
0x29e: {  	s10 =	sor.u32 s10, s25  }
0x29f: {  	s25 =	simm.s32 $0x10;
	[tilespmem:s10+$0xA000] =	vst v3  }
.LBB2_105:
0x2a0: {  	p2 =	sne.s32 s25, $0x3F0  }
.Ltmp70:
0x2a1: {  	_ = 	snop;
	(pc) =	sbr.rel @p2 .LBB2_105-.Ltmp70, $4  }
0x2a2: {  	s24 =	sadd.s32 $0x80, s24  }
0x2a3: {  	s10 =	sand.u32 $0x70, s25;
	s26 =	sand.u32 $0x1C00, s24  }
0x2a4: {  	s10 =	sor.u32 s10, s26  }
0x2a5: {  	s25 =	sadd.s32 $0x10, s25;
	[tilespmem:s10+$0xA000] =	vst v3  }
.LBB2_106:
0x2a6: {  	s10 =	sand.u32 $0xFF0000, s19  }
0x2a7: {  	p2 =	sne.s32 s10, $0x0  }
.Ltmp71:
0x2a8: {  	_ = 	snop;
	(pc) =	sbr.rel @p2 .LBB2_109-.Ltmp71, $1  }
0x2a9: {  	_ =	sdelay $0x3  }
0x2aa: {  	s24 =	simm.s32 $0x0  }
0x2ab: {  	s10 =	sand.u32 $0x70, s24;
	s25 =	sand.u32 $0x1C00, s24  }
0x2ac: {  	s10 =	sor.u32 s10, s25  }
0x2ad: {  	s25 =	simm.s32 $0x10;
	[tilespmem:s10+$0xA080] =	vst v3  }
.LBB2_108:
0x2ae: {  	p2 =	sne.s32 s25, $0x3F0  }
.Ltmp72:
0x2af: {  	_ = 	snop;
	(pc) =	sbr.rel @p2 .LBB2_108-.Ltmp72, $4  }
0x2b0: {  	s24 =	sadd.s32 $0x80, s24  }
0x2b1: {  	s10 =	sand.u32 $0x70, s25;
	s26 =	sand.u32 $0x1C00, s24  }
0x2b2: {  	s10 =	sor.u32 s10, s26  }
0x2b3: {  	s25 =	sadd.s32 $0x10, s25;
	[tilespmem:s10+$0xA080] =	vst v3  }
.LBB2_109:
0x2b4: {  	s10 =	sand.u32 $0xFF0000, s11  }
0x2b5: {  	p2 =	sne.s32 s10, $0x0  }
.Ltmp73:
0x2b6: {  	_ = 	snop;
	(pc) =	sbr.rel @p2 .LBB2_112-.Ltmp73, $1  }
0x2b7: {  	_ =	sdelay $0x3  }
0x2b8: {  	s24 =	simm.s32 $0x0  }
0x2b9: {  	s10 =	sand.u32 $0x70, s24;
	s25 =	sand.u32 $0x1C00, s24  }
0x2ba: {  	s10 =	sor.u32 s10, s25  }
0x2bb: {  	s25 =	simm.s32 $0x10;
	[tilespmem:s10+$0xA100] =	vst v3  }
.LBB2_111:
0x2bc: {  	p2 =	sne.s32 s25, $0x3F0  }
.Ltmp74:
0x2bd: {  	_ = 	snop;
	(pc) =	sbr.rel @p2 .LBB2_111-.Ltmp74, $4  }
0x2be: {  	s24 =	sadd.s32 $0x80, s24  }
0x2bf: {  	s10 =	sand.u32 $0x70, s25;
	s26 =	sand.u32 $0x1C00, s24  }
0x2c0: {  	s10 =	sor.u32 s10, s26  }
0x2c1: {  	s25 =	sadd.s32 $0x10, s25;
	[tilespmem:s10+$0xA100] =	vst v3  }
.LBB2_112:
0x2c2: {  	s10 =	sand.u32 $0xFF0000, s23  }
0x2c3: {  	p2 =	sne.s32 s10, $0x0  }
.Ltmp75:
0x2c4: {  	_ = 	snop;
	(pc) =	sbr.rel @p2 .LBB2_115-.Ltmp75, $1  }
0x2c5: {  	_ =	sdelay $0x3  }
0x2c6: {  	s24 =	simm.s32 $0x0  }
0x2c7: {  	s10 =	sand.u32 $0x70, s24;
	s25 =	sand.u32 $0x1C00, s24  }
0x2c8: {  	s10 =	sor.u32 s10, s25  }
0x2c9: {  	s25 =	simm.s32 $0x10;
	[tilespmem:s10+$0xA180] =	vst v3  }
.LBB2_114:
0x2ca: {  	p2 =	sne.s32 s25, $0x3F0  }
.Ltmp76:
0x2cb: {  	_ = 	snop;
	(pc) =	sbr.rel @p2 .LBB2_114-.Ltmp76, $4  }
0x2cc: {  	s24 =	sadd.s32 $0x80, s24  }
0x2cd: {  	s10 =	sand.u32 $0x70, s25;
	s26 =	sand.u32 $0x1C00, s24  }
0x2ce: {  	s10 =	sor.u32 s10, s26  }
0x2cf: {  	s25 =	sadd.s32 $0x10, s25;
	[tilespmem:s10+$0xA180] =	vst v3  }
.LBB2_115:
0x2d0: {  	s10 =	sand.u32 $0xFF0000, s22  }
0x2d1: {  	p2 =	sne.s32 s10, $0x0  }
.Ltmp77:
0x2d2: {  	_ = 	snop;
	(pc) =	sbr.rel @p2 .LBB2_118-.Ltmp77, $1  }
0x2d3: {  	_ =	sdelay $0x3  }
0x2d4: {  	s24 =	simm.s32 $0x0  }
0x2d5: {  	s10 =	sand.u32 $0x70, s24;
	s25 =	sand.u32 $0x1C00, s24  }
0x2d6: {  	s10 =	sor.u32 s10, s25  }
0x2d7: {  	s25 =	simm.s32 $0x10;
	[tilespmem:s10+$0xA200] =	vst v3  }
.LBB2_117:
0x2d8: {  	p2 =	sne.s32 s25, $0x3F0  }
.Ltmp78:
0x2d9: {  	_ = 	snop;
	(pc) =	sbr.rel @p2 .LBB2_117-.Ltmp78, $4  }
0x2da: {  	s24 =	sadd.s32 $0x80, s24  }
0x2db: {  	s10 =	sand.u32 $0x70, s25;
	s26 =	sand.u32 $0x1C00, s24  }
0x2dc: {  	s10 =	sor.u32 s10, s26  }
0x2dd: {  	s25 =	sadd.s32 $0x10, s25;
	[tilespmem:s10+$0xA200] =	vst v3  }
.LBB2_118:
0x2de: {  	s10 =	sand.u32 $0xFF0000, s21  }
0x2df: {  	p2 =	sne.s32 s10, $0x0  }
.Ltmp79:
0x2e0: {  	_ = 	snop;
	(pc) =	sbr.rel @p2 .LBB2_121-.Ltmp79, $1  }
0x2e1: {  	_ =	sdelay $0x3  }
0x2e2: {  	s24 =	simm.s32 $0x0  }
0x2e3: {  	s10 =	sand.u32 $0x70, s24;
	s25 =	sand.u32 $0x1C00, s24  }
0x2e4: {  	s10 =	sor.u32 s10, s25  }
0x2e5: {  	s25 =	simm.s32 $0x10;
	[tilespmem:s10+$0xA280] =	vst v3  }
.LBB2_120:
0x2e6: {  	p2 =	sne.s32 s25, $0x3F0  }
.Ltmp80:
0x2e7: {  	_ = 	snop;
	(pc) =	sbr.rel @p2 .LBB2_120-.Ltmp80, $4  }
0x2e8: {  	s24 =	sadd.s32 $0x80, s24  }
0x2e9: {  	s10 =	sand.u32 $0x70, s25;
	s26 =	sand.u32 $0x1C00, s24  }
0x2ea: {  	s10 =	sor.u32 s10, s26  }
0x2eb: {  	s25 =	sadd.s32 $0x10, s25;
	[tilespmem:s10+$0xA280] =	vst v3  }
.LBB2_121:
0x2ec: {  	s10 =	sand.u32 $0xFF0000, s20  }
0x2ed: {  	p2 =	sne.s32 s10, $0x0  }
.Ltmp81:
0x2ee: {  	_ = 	snop;
	(pc) =	sbr.rel @p2 .LBB2_124-.Ltmp81, $1  }
0x2ef: {  	_ =	sdelay $0x3  }
0x2f0: {  	s24 =	simm.s32 $0x0  }
0x2f1: {  	s10 =	sand.u32 $0x70, s24;
	s25 =	sand.u32 $0x1C00, s24  }
0x2f2: {  	s10 =	sor.u32 s10, s25  }
0x2f3: {  	s25 =	simm.s32 $0x10;
	[tilespmem:s10+$0xA300] =	vst v3  }
.LBB2_123:
0x2f4: {  	p2 =	sne.s32 s25, $0x3F0  }
.Ltmp82:
0x2f5: {  	_ = 	snop;
	(pc) =	sbr.rel @p2 .LBB2_123-.Ltmp82, $4  }
0x2f6: {  	s24 =	sadd.s32 $0x80, s24  }
0x2f7: {  	s10 =	sand.u32 $0x70, s25;
	s26 =	sand.u32 $0x1C00, s24  }
0x2f8: {  	s10 =	sor.u32 s10, s26  }
0x2f9: {  	s25 =	sadd.s32 $0x10, s25;
	[tilespmem:s10+$0xA300] =	vst v3  }
.LBB2_124:
0x2fa: {  	s10 =	sand.u32 $0xFF0000, s18  }
0x2fb: {  	p2 =	sne.s32 s10, $0x0  }
.Ltmp83:
0x2fc: {  	_ = 	snop;
	(pc) =	sbr.rel @p2 .LBB2_128-.Ltmp83, $1  }
0x2fd: {  	_ =	sdelay $0x3  }
0x2fe: {  	s24 =	simm.s32 $0x0  }
0x2ff: {  	s10 =	sor.u32 s24, s24  }
0x300: {  	s25 =	simm.s32 $0x10;
	s10 =	sor.u32 $0x380, s10  }
.LBB2_126:
0x301: {  	p2 =	sne.s32 s25, $0x3F0  }
0x302: {  	[tilespmem:s10+$0xA000] =	vst v3;
	s24 =	sadd.s32 $0x80, s24;
	s10 =	smov.u32 s25;
	s25 =	sadd.s32 $0x10, s25  }
.Ltmp84:
0x303: {  	(pc) =	sbr.rel @p2 .LBB2_126-.Ltmp84, $3  }
0x304: {  	_ =	sdelay $0x1  }
0x305: {  	s10 =	sor.u32 s24, s10  }
0x306: {  	s10 =	sor.u32 $0x380, s10  }
0x307: {  	[tilespmem:s10+$0xA000] =	vst v3  }
.LBB2_128:
0x308: {  	s10 =	sand.u32 $0xFF0000, s17  }
0x309: {  	p2 =	sne.s32 s10, $0x0  }
.Ltmp85:
0x30a: {  	_ = 	snop;
	(pc) =	sbr.rel @p2 .LBB2_131-.Ltmp85, $1  }
0x30b: {  	_ =	sdelay $0x3  }
0x30c: {  	s24 =	simm.s32 $0x0  }
0x30d: {  	s10 =	sand.u32 $0x70, s24;
	s25 =	sand.u32 $0x1C00, s24  }
0x30e: {  	s10 =	sor.u32 s10, s25  }
0x30f: {  	s25 =	simm.s32 $0x10;
	[tilespmem:s10+$0xC000] =	vst v3  }
.LBB2_130:
0x310: {  	p2 =	sne.s32 s25, $0x3F0  }
.Ltmp86:
0x311: {  	_ = 	snop;
	(pc) =	sbr.rel @p2 .LBB2_130-.Ltmp86, $4  }
0x312: {  	s24 =	sadd.s32 $0x80, s24  }
0x313: {  	s10 =	sand.u32 $0x70, s25;
	s26 =	sand.u32 $0x1C00, s24  }
0x314: {  	s10 =	sor.u32 s10, s26  }
0x315: {  	s25 =	sadd.s32 $0x10, s25;
	[tilespmem:s10+$0xC000] =	vst v3  }
.LBB2_131:
0x316: {  	s10 =	sand.u32 $0xFF0000, s16  }
0x317: {  	p2 =	sne.s32 s10, $0x0  }
.Ltmp87:
0x318: {  	_ = 	snop;
	(pc) =	sbr.rel @p2 .LBB2_134-.Ltmp87, $1  }
0x319: {  	_ =	sdelay $0x3  }
0x31a: {  	s24 =	simm.s32 $0x0  }
0x31b: {  	s10 =	sand.u32 $0x70, s24;
	s25 =	sand.u32 $0x1C00, s24  }
0x31c: {  	s10 =	sor.u32 s10, s25  }
0x31d: {  	s25 =	simm.s32 $0x10;
	[tilespmem:s10+$0xC080] =	vst v3  }
.LBB2_133:
0x31e: {  	p2 =	sne.s32 s25, $0x3F0  }
.Ltmp88:
0x31f: {  	_ = 	snop;
	(pc) =	sbr.rel @p2 .LBB2_133-.Ltmp88, $4  }
0x320: {  	s24 =	sadd.s32 $0x80, s24  }
0x321: {  	s10 =	sand.u32 $0x70, s25;
	s26 =	sand.u32 $0x1C00, s24  }
0x322: {  	s10 =	sor.u32 s10, s26  }
0x323: {  	s25 =	sadd.s32 $0x10, s25;
	[tilespmem:s10+$0xC080] =	vst v3  }
.LBB2_134:
0x324: {  	s10 =	sand.u32 $0xFF0000, s13  }
0x325: {  	p2 =	sne.s32 s10, $0x0  }
.Ltmp89:
0x326: {  	_ = 	snop;
	(pc) =	sbr.rel @p2 .LBB2_137-.Ltmp89, $1  }
0x327: {  	_ =	sdelay $0x3  }
0x328: {  	s24 =	simm.s32 $0x0  }
0x329: {  	s10 =	sand.u32 $0x70, s24;
	s25 =	sand.u32 $0x1C00, s24  }
0x32a: {  	s10 =	sor.u32 s10, s25  }
0x32b: {  	s25 =	simm.s32 $0x10;
	[tilespmem:s10+$0xC100] =	vst v3  }
.LBB2_136:
0x32c: {  	p2 =	sne.s32 s25, $0x3F0  }
.Ltmp90:
0x32d: {  	_ = 	snop;
	(pc) =	sbr.rel @p2 .LBB2_136-.Ltmp90, $4  }
0x32e: {  	s24 =	sadd.s32 $0x80, s24  }
0x32f: {  	s10 =	sand.u32 $0x70, s25;
	s26 =	sand.u32 $0x1C00, s24  }
0x330: {  	s10 =	sor.u32 s10, s26  }
0x331: {  	s25 =	sadd.s32 $0x10, s25;
	[tilespmem:s10+$0xC100] =	vst v3  }
.LBB2_137:
0x332: {  	s10 =	sand.u32 $0xFF0000, s12  }
0x333: {  	p2 =	sne.s32 s10, $0x0  }
.Ltmp91:
0x334: {  	_ = 	snop;
	(pc) =	sbr.rel @p2 .LBB2_140-.Ltmp91, $1  }
0x335: {  	_ =	sdelay $0x3  }
0x336: {  	s24 =	simm.s32 $0x0  }
0x337: {  	s10 =	sand.u32 $0x70, s24;
	s25 =	sand.u32 $0x1C00, s24  }
0x338: {  	s10 =	sor.u32 s10, s25  }
0x339: {  	s25 =	simm.s32 $0x10;
	[tilespmem:s10+$0xC180] =	vst v3  }
.LBB2_139:
0x33a: {  	p2 =	sne.s32 s25, $0x3F0  }
.Ltmp92:
0x33b: {  	_ = 	snop;
	(pc) =	sbr.rel @p2 .LBB2_139-.Ltmp92, $4  }
0x33c: {  	s24 =	sadd.s32 $0x80, s24  }
0x33d: {  	s10 =	sand.u32 $0x70, s25;
	s26 =	sand.u32 $0x1C00, s24  }
0x33e: {  	s10 =	sor.u32 s10, s26  }
0x33f: {  	s25 =	sadd.s32 $0x10, s25;
	[tilespmem:s10+$0xC180] =	vst v3  }
.LBB2_140:
0x340: {  	s10 =	sand.u32 $0xFF0000, s1  }
0x341: {  	p2 =	sne.s32 s10, $0x0  }
.Ltmp93:
0x342: {  	_ = 	snop;
	(pc) =	sbr.rel @p2 .LBB2_143-.Ltmp93, $1  }
0x343: {  	_ =	sdelay $0x3  }
0x344: {  	s24 =	simm.s32 $0x0  }
0x345: {  	s10 =	sand.u32 $0x70, s24;
	s25 =	sand.u32 $0x1C00, s24  }
0x346: {  	s10 =	sor.u32 s10, s25  }
0x347: {  	s25 =	simm.s32 $0x10;
	[tilespmem:s10+$0xC200] =	vst v3  }
.LBB2_142:
0x348: {  	p2 =	sne.s32 s25, $0x3F0  }
.Ltmp94:
0x349: {  	_ = 	snop;
	(pc) =	sbr.rel @p2 .LBB2_142-.Ltmp94, $4  }
0x34a: {  	s24 =	sadd.s32 $0x80, s24  }
0x34b: {  	s10 =	sand.u32 $0x70, s25;
	s26 =	sand.u32 $0x1C00, s24  }
0x34c: {  	s10 =	sor.u32 s10, s26  }
0x34d: {  	s25 =	sadd.s32 $0x10, s25;
	[tilespmem:s10+$0xC200] =	vst v3  }
.LBB2_143:
0x34e: {  	s10 =	sand.u32 $0xFF0000, s0  }
0x34f: {  	p2 =	sne.s32 s10, $0x0  }
.Ltmp95:
0x350: {  	_ = 	snop;
	(pc) =	sbr.rel @p2 .LBB2_146-.Ltmp95, $1  }
0x351: {  	_ =	sdelay $0x3  }
0x352: {  	s24 =	simm.s32 $0x0  }
0x353: {  	s10 =	sand.u32 $0x70, s24;
	s25 =	sand.u32 $0x1C00, s24  }
0x354: {  	s10 =	sor.u32 s10, s25  }
0x355: {  	s25 =	simm.s32 $0x10;
	[tilespmem:s10+$0xC280] =	vst v3  }
.LBB2_145:
0x356: {  	p2 =	sne.s32 s25, $0x3F0  }
.Ltmp96:
0x357: {  	_ = 	snop;
	(pc) =	sbr.rel @p2 .LBB2_145-.Ltmp96, $4  }
0x358: {  	s24 =	sadd.s32 $0x80, s24  }
0x359: {  	s10 =	sand.u32 $0x70, s25;
	s26 =	sand.u32 $0x1C00, s24  }
0x35a: {  	s10 =	sor.u32 s10, s26  }
0x35b: {  	s25 =	sadd.s32 $0x10, s25;
	[tilespmem:s10+$0xC280] =	vst v3  }
.LBB2_146:
0x35c: {  	s10 =	sand.u32 $0xFF0000, s31  }
0x35d: {  	p2 =	sne.s32 s10, $0x0  }
.Ltmp97:
0x35e: {  	_ = 	snop;
	(pc) =	sbr.rel @p2 .LBB2_149-.Ltmp97, $1  }
0x35f: {  	_ =	sdelay $0x3  }
0x360: {  	s24 =	simm.s32 $0x0  }
0x361: {  	s10 =	sand.u32 $0x70, s24;
	s25 =	sand.u32 $0x1C00, s24  }
0x362: {  	s10 =	sor.u32 s10, s25  }
0x363: {  	s25 =	simm.s32 $0x10;
	[tilespmem:s10+$0xC300] =	vst v3  }
.LBB2_148:
0x364: {  	p2 =	sne.s32 s25, $0x3F0  }
.Ltmp98:
0x365: {  	_ = 	snop;
	(pc) =	sbr.rel @p2 .LBB2_148-.Ltmp98, $4  }
0x366: {  	s24 =	sadd.s32 $0x80, s24  }
0x367: {  	s10 =	sand.u32 $0x70, s25;
	s26 =	sand.u32 $0x1C00, s24  }
0x368: {  	s10 =	sor.u32 s10, s26  }
0x369: {  	s25 =	sadd.s32 $0x10, s25;
	[tilespmem:s10+$0xC300] =	vst v3  }
.LBB2_149:
0x36a: {  	s10 =	sand.u32 $0xFF0000, s30  }
0x36b: {  	p2 =	sne.s32 s10, $0x0  }
.Ltmp99:
0x36c: {  	_ = 	snop;
	(pc) =	sbr.rel @p2 .LBB2_152-.Ltmp99, $1  }
0x36d: {  	_ =	sdelay $0x3  }
0x36e: {  	s24 =	simm.s32 $0x0  }
0x36f: {  	s10 =	sand.u32 $0x70, s24;
	s25 =	sand.u32 $0x1C00, s24  }
0x370: {  	s10 =	sor.u32 s10, s25  }
0x371: {  	s25 =	simm.s32 $0x10;
	[tilespmem:s10+$0xC380] =	vst v3  }
.LBB2_151:
0x372: {  	p2 =	sne.s32 s25, $0x3F0  }
.Ltmp100:
0x373: {  	_ = 	snop;
	(pc) =	sbr.rel @p2 .LBB2_151-.Ltmp100, $4  }
0x374: {  	s24 =	sadd.s32 $0x80, s24  }
0x375: {  	s10 =	sand.u32 $0x70, s25;
	s26 =	sand.u32 $0x1C00, s24  }
0x376: {  	s10 =	sor.u32 s10, s26  }
0x377: {  	s25 =	sadd.s32 $0x10, s25;
	[tilespmem:s10+$0xC380] =	vst v3  }
.LBB2_152:
0x378: {  	s10 =	sshll.u32 s28, $0xB  }
0x379: {  	s25 =	simm.s32 $0xA000;
	s10 =	sadd.s32 s10, s8  }
0x37a: {  	[hbm4b:s10+s3] =	stream.linear.scatter [tilespmem:s25], [sflag:$0x7], $0x4000, $0x38;
	[tilespmem:$0x12000] =	vst v63  }
0x37b: {  	s10 =	simm.s32 @!p1 $0x6  }
0x37c: {  	_ =	swait.ge @!p1 [sflag:s10], $0x4000  }
0x37d: {  	[sflag:s10] =	ssyncset.done @!p1 $0x0  }
0x37e: {  	[sflag:s10] =	ssyncadd.s32 @!p1 $0xFFFFC000  }
0x37f: {  	v7 =	vld @!p1 [tilespmem:s9+$0x280];
	_ =	sdelay $0x4  }
0x380: {  	v8 =	vshll.u32 @!p1 v7, $0x3  }
0x381: {  	v7 =	vand.u32 @!p1 $0x7, v7;
	v8 =	vand.u32 @!p1 $0xFFFFFFC0, v8  }
0x382: {  	v7 =	vor.u32 @!p1 v7, v8  }
0x383: {  	v5 =	vperm.xlane @!p1 v7, v5;
	_ =	sdelay $0x1  }
0x384: {  	v5 =	vadd.s32 @!p1 v4, v5;
	_ =	sdelay $0x3  }
0x385: {  	s10 =	simm.s32 @!p1 $0x6000  }
0x386: {  	[tilespmem:s10], [sflag:$0x2] =	stream.indirect_vreg.gather @!p1 [hbm4b:s2+s14], $0x80, v5, vm1, $0xb8;
	[tilespmem:$0x12000] =	vst v63  }
0x387: {  	v6 =	vperm.xlane @!p1 v7, v6;
	s10 =	simm.s32 @!p1 $0x6800  }
0x388: {  	[tilespmem:s10], [sflag:$0x2] =	stream.indirect_vreg.gather @!p1 [hbm4b:s5+s14], $0x80, v5, vm1, $0xb8;
	[tilespmem:$0x12000] =	vst v63  }
0x389: {  	v4 =	vadd.s32 @!p1 v4, v6;
	s10 =	simm.s32 @!p1 $0x7000  }
0x38a: {  	[tilespmem:s10], [sflag:$0x2] =	stream.indirect_vreg.gather @!p1 [hbm4b:s6+s14], $0x80, v5, vm1, $0xb8;
	[tilespmem:$0x12000] =	vst v63  }
0x38b: {  	s10 =	simm.s32 @!p1 $0x7800  }
0x38c: {  	[tilespmem:s10], [sflag:$0x2] =	stream.indirect_vreg.gather @!p1 [hbm4b:s7+s14], $0x80, v5, vm1, $0xb8;
	[tilespmem:$0x12000] =	vst v63  }
0x38d: {  	s10 =	simm.s32 @!p1 $0x8000  }
0x38e: {  	[tilespmem:s10], [sflag:$0x2] =	stream.indirect_vreg.gather @!p1 [hbm4b:s2+s14], $0x80, v4, vm1, $0xb8;
	[tilespmem:$0x12000] =	vst v63  }
0x38f: {  	s10 =	simm.s32 @!p1 $0x8800  }
0x390: {  	[tilespmem:s10], [sflag:$0x2] =	stream.indirect_vreg.gather @!p1 [hbm4b:s5+s14], $0x80, v4, vm1, $0xb8;
	[tilespmem:$0x12000] =	vst v63  }
0x391: {  	s10 =	simm.s32 @!p1 $0x9000  }
0x392: {  	[tilespmem:s10], [sflag:$0x2] =	stream.indirect_vreg.gather @!p1 [hbm4b:s6+s14], $0x80, v4, vm1, $0xb8;
	[tilespmem:$0x12000] =	vst v63  }
.Ltmp101:
0x393: {  	s29 =	simm.s32 $0x4;
	s10 =	simm.s32 @!p1 $0x9800;
	(pc) =	sbr.rel @!p0 .LBB2_202-.Ltmp101, $4  }
0x394: {  	[tilespmem:s10], [sflag:$0x2] =	stream.indirect_vreg.gather @!p1 [hbm4b:s7+s14], $0x80, v4, vm1, $0xb8;
	[tilespmem:$0x12000] =	vst v63  }
0x395: {  	_ =	swait.ge [sflag:s29], $0x4000  }
0x396: {  	[sflag:s29] =	ssyncset.done $0x0  }
0x397: {  	[sflag:s29] =	ssyncadd.s32 $0xFFFFC000  }
0x398: {  	p0 =	sgt.u32 s15, $0xFFFFFF  }
.Ltmp102:
0x399: {  	_ = 	snop;
	(pc) =	sbr.rel @p0 .LBB2_156-.Ltmp102, $2  }
0x39a: {  	_ =	sdelay $0x2  }
0x39b: {  	s14 =	simm.s32 $0x0  }
0x39c: {  	s10 =	sand.u32 $0x70, s14;
	s15 =	sand.u32 $0x1C00, s14  }
0x39d: {  	s10 =	sor.u32 s10, s15  }
0x39e: {  	s15 =	sadd.s32 $0x10, s14;
	[tilespmem:s10+$0xE000] =	vst v3  }
.LBB2_155:
0x39f: {  	p0 =	sne.s32 s15, $0x3F0  }
.Ltmp103:
0x3a0: {  	_ = 	snop;
	(pc) =	sbr.rel @p0 .LBB2_155-.Ltmp103, $4  }
0x3a1: {  	s14 =	sadd.s32 $0x80, s14  }
0x3a2: {  	s10 =	sand.u32 $0x70, s15;
	s24 =	sand.u32 $0x1C00, s14  }
0x3a3: {  	s10 =	sor.u32 s10, s24  }
0x3a4: {  	s15 =	sadd.s32 $0x10, s15;
	[tilespmem:s10+$0xE000] =	vst v3  }
.LBB2_156:
0x3a5: {  	p0 =	sgt.u32 s19, $0xFFFFFF  }
.Ltmp104:
0x3a6: {  	_ = 	snop;
	(pc) =	sbr.rel @p0 .LBB2_159-.Ltmp104, $2  }
0x3a7: {  	_ =	sdelay $0x2  }
0x3a8: {  	s14 =	simm.s32 $0x0  }
0x3a9: {  	s10 =	sand.u32 $0x70, s14;
	s15 =	sand.u32 $0x1C00, s14  }
0x3aa: {  	s10 =	sor.u32 s10, s15  }
0x3ab: {  	s15 =	sadd.s32 $0x10, s14;
	[tilespmem:s10+$0xE080] =	vst v3  }
.LBB2_158:
0x3ac: {  	p0 =	sne.s32 s15, $0x3F0  }
.Ltmp105:
0x3ad: {  	_ = 	snop;
	(pc) =	sbr.rel @p0 .LBB2_158-.Ltmp105, $4  }
0x3ae: {  	s14 =	sadd.s32 $0x80, s14  }
0x3af: {  	s10 =	sand.u32 $0x70, s15;
	s19 =	sand.u32 $0x1C00, s14  }
0x3b0: {  	s10 =	sor.u32 s10, s19  }
0x3b1: {  	s15 =	sadd.s32 $0x10, s15;
	[tilespmem:s10+$0xE080] =	vst v3  }
.LBB2_159:
0x3b2: {  	p0 =	sgt.u32 s11, $0xFFFFFF  }
.Ltmp106:
0x3b3: {  	_ = 	snop;
	(pc) =	sbr.rel @p0 .LBB2_162-.Ltmp106, $2  }
0x3b4: {  	_ =	sdelay $0x2  }
0x3b5: {  	s11 =	simm.s32 $0x0  }
0x3b6: {  	s10 =	sand.u32 $0x70, s11;
	s14 =	sand.u32 $0x1C00, s11  }
0x3b7: {  	s10 =	sor.u32 s10, s14  }
0x3b8: {  	s14 =	sadd.s32 $0x10, s11;
	[tilespmem:s10+$0xE100] =	vst v3  }
.LBB2_161:
0x3b9: {  	p0 =	sne.s32 s14, $0x3F0  }
.Ltmp107:
0x3ba: {  	_ = 	snop;
	(pc) =	sbr.rel @p0 .LBB2_161-.Ltmp107, $4  }
0x3bb: {  	s11 =	sadd.s32 $0x80, s11  }
0x3bc: {  	s10 =	sand.u32 $0x70, s14;
	s15 =	sand.u32 $0x1C00, s11  }
0x3bd: {  	s10 =	sor.u32 s10, s15  }
0x3be: {  	s14 =	sadd.s32 $0x10, s14;
	[tilespmem:s10+$0xE100] =	vst v3  }
.LBB2_162:
0x3bf: {  	p0 =	sgt.u32 s23, $0xFFFFFF  }
.Ltmp108:
0x3c0: {  	_ = 	snop;
	(pc) =	sbr.rel @p0 .LBB2_165-.Ltmp108, $2  }
0x3c1: {  	_ =	sdelay $0x2  }
0x3c2: {  	s11 =	simm.s32 $0x0  }
0x3c3: {  	s10 =	sand.u32 $0x70, s11;
	s14 =	sand.u32 $0x1C00, s11  }
0x3c4: {  	s10 =	sor.u32 s10, s14  }
0x3c5: {  	s14 =	sadd.s32 $0x10, s11;
	[tilespmem:s10+$0xE180] =	vst v3  }
.LBB2_164:
0x3c6: {  	p0 =	sne.s32 s14, $0x3F0  }
.Ltmp109:
0x3c7: {  	_ = 	snop;
	(pc) =	sbr.rel @p0 .LBB2_164-.Ltmp109, $4  }
0x3c8: {  	s11 =	sadd.s32 $0x80, s11  }
0x3c9: {  	s10 =	sand.u32 $0x70, s14;
	s15 =	sand.u32 $0x1C00, s11  }
0x3ca: {  	s10 =	sor.u32 s10, s15  }
0x3cb: {  	s14 =	sadd.s32 $0x10, s14;
	[tilespmem:s10+$0xE180] =	vst v3  }
.LBB2_165:
0x3cc: {  	p0 =	sgt.u32 s22, $0xFFFFFF  }
.Ltmp110:
0x3cd: {  	_ = 	snop;
	(pc) =	sbr.rel @p0 .LBB2_168-.Ltmp110, $2  }
0x3ce: {  	_ =	sdelay $0x2  }
0x3cf: {  	s11 =	simm.s32 $0x0  }
0x3d0: {  	s10 =	sand.u32 $0x70, s11;
	s14 =	sand.u32 $0x1C00, s11  }
0x3d1: {  	s10 =	sor.u32 s10, s14  }
0x3d2: {  	s14 =	sadd.s32 $0x10, s11;
	[tilespmem:s10+$0xE200] =	vst v3  }
.LBB2_167:
0x3d3: {  	p0 =	sne.s32 s14, $0x3F0  }
.Ltmp111:
0x3d4: {  	_ = 	snop;
	(pc) =	sbr.rel @p0 .LBB2_167-.Ltmp111, $4  }
0x3d5: {  	s11 =	sadd.s32 $0x80, s11  }
0x3d6: {  	s10 =	sand.u32 $0x70, s14;
	s15 =	sand.u32 $0x1C00, s11  }
0x3d7: {  	s10 =	sor.u32 s10, s15  }
0x3d8: {  	s14 =	sadd.s32 $0x10, s14;
	[tilespmem:s10+$0xE200] =	vst v3  }
.LBB2_168:
0x3d9: {  	p0 =	sgt.u32 s21, $0xFFFFFF  }
.Ltmp112:
0x3da: {  	_ = 	snop;
	(pc) =	sbr.rel @p0 .LBB2_171-.Ltmp112, $2  }
0x3db: {  	_ =	sdelay $0x2  }
0x3dc: {  	s11 =	simm.s32 $0x0  }
0x3dd: {  	s10 =	sand.u32 $0x70, s11;
	s14 =	sand.u32 $0x1C00, s11  }
0x3de: {  	s10 =	sor.u32 s10, s14  }
0x3df: {  	s14 =	sadd.s32 $0x10, s11;
	[tilespmem:s10+$0xE280] =	vst v3  }
.LBB2_170:
0x3e0: {  	p0 =	sne.s32 s14, $0x3F0  }
.Ltmp113:
0x3e1: {  	_ = 	snop;
	(pc) =	sbr.rel @p0 .LBB2_170-.Ltmp113, $4  }
0x3e2: {  	s11 =	sadd.s32 $0x80, s11  }
0x3e3: {  	s10 =	sand.u32 $0x70, s14;
	s15 =	sand.u32 $0x1C00, s11  }
0x3e4: {  	s10 =	sor.u32 s10, s15  }
0x3e5: {  	s14 =	sadd.s32 $0x10, s14;
	[tilespmem:s10+$0xE280] =	vst v3  }
.LBB2_171:
0x3e6: {  	p0 =	sgt.u32 s20, $0xFFFFFF  }
.Ltmp114:
0x3e7: {  	_ = 	snop;
	(pc) =	sbr.rel @p0 .LBB2_174-.Ltmp114, $2  }
0x3e8: {  	_ =	sdelay $0x2  }
0x3e9: {  	s11 =	simm.s32 $0x0  }
0x3ea: {  	s10 =	sand.u32 $0x70, s11;
	s14 =	sand.u32 $0x1C00, s11  }
0x3eb: {  	s10 =	sor.u32 s10, s14  }
0x3ec: {  	s14 =	sadd.s32 $0x10, s11;
	[tilespmem:s10+$0xE300] =	vst v3  }
.LBB2_173:
0x3ed: {  	p0 =	sne.s32 s14, $0x3F0  }
.Ltmp115:
0x3ee: {  	_ = 	snop;
	(pc) =	sbr.rel @p0 .LBB2_173-.Ltmp115, $4  }
0x3ef: {  	s11 =	sadd.s32 $0x80, s11  }
0x3f0: {  	s10 =	sand.u32 $0x70, s14;
	s15 =	sand.u32 $0x1C00, s11  }
0x3f1: {  	s10 =	sor.u32 s10, s15  }
0x3f2: {  	s14 =	sadd.s32 $0x10, s14;
	[tilespmem:s10+$0xE300] =	vst v3  }
.LBB2_174:
0x3f3: {  	p0 =	sgt.u32 s18, $0xFFFFFF  }
.Ltmp116:
0x3f4: {  	_ = 	snop;
	(pc) =	sbr.rel @p0 .LBB2_178-.Ltmp116, $2  }
0x3f5: {  	_ =	sdelay $0x2  }
0x3f6: {  	s11 =	simm.s32 $0x0  }
0x3f7: {  	s10 =	sor.u32 s11, s11  }
0x3f8: {  	s14 =	simm.s32 $0x10;
	s10 =	sor.u32 $0x380, s10  }
.LBB2_176:
0x3f9: {  	p0 =	sne.s32 s14, $0x3F0  }
0x3fa: {  	[tilespmem:s10+$0xE000] =	vst v3;
	s11 =	sadd.s32 $0x80, s11;
	s10 =	smov.u32 s14;
	s14 =	sadd.s32 $0x10, s14  }
.Ltmp117:
0x3fb: {  	(pc) =	sbr.rel @p0 .LBB2_176-.Ltmp117, $3  }
0x3fc: {  	_ =	sdelay $0x1  }
0x3fd: {  	s10 =	sor.u32 s11, s10  }
0x3fe: {  	s10 =	sor.u32 $0x380, s10  }
0x3ff: {  	[tilespmem:s10+$0xE000] =	vst v3  }
.LBB2_178:
0x400: {  	p0 =	sgt.u32 s17, $0xFFFFFF  }
.Ltmp118:
0x401: {  	_ = 	snop;
	(pc) =	sbr.rel @p0 .LBB2_181-.Ltmp118, $2  }
0x402: {  	_ =	sdelay $0x2  }
0x403: {  	s11 =	simm.s32 $0x0  }
0x404: {  	s10 =	sand.u32 $0x70, s11;
	s14 =	sand.u32 $0x1C00, s11  }
0x405: {  	s10 =	sor.u32 s10, s14  }
0x406: {  	s14 =	sadd.s32 $0x10, s11;
	[tilespmem:s10+$0x10000] =	vst v3  }
.LBB2_180:
0x407: {  	p0 =	sne.s32 s14, $0x3F0  }
.Ltmp119:
0x408: {  	_ = 	snop;
	(pc) =	sbr.rel @p0 .LBB2_180-.Ltmp119, $4  }
0x409: {  	s11 =	sadd.s32 $0x80, s11  }
0x40a: {  	s10 =	sand.u32 $0x70, s14;
	s15 =	sand.u32 $0x1C00, s11  }
0x40b: {  	s10 =	sor.u32 s10, s15  }
0x40c: {  	s14 =	sadd.s32 $0x10, s14;
	[tilespmem:s10+$0x10000] =	vst v3  }
.LBB2_181:
0x40d: {  	p0 =	sgt.u32 s16, $0xFFFFFF  }
.Ltmp120:
0x40e: {  	_ = 	snop;
	(pc) =	sbr.rel @p0 .LBB2_184-.Ltmp120, $2  }
0x40f: {  	_ =	sdelay $0x2  }
0x410: {  	s11 =	simm.s32 $0x0  }
0x411: {  	s10 =	sand.u32 $0x70, s11;
	s14 =	sand.u32 $0x1C00, s11  }
0x412: {  	s10 =	sor.u32 s10, s14  }
0x413: {  	s14 =	sadd.s32 $0x10, s11;
	[tilespmem:s10+$0x10080] =	vst v3  }
.LBB2_183:
0x414: {  	p0 =	sne.s32 s14, $0x3F0  }
.Ltmp121:
0x415: {  	_ = 	snop;
	(pc) =	sbr.rel @p0 .LBB2_183-.Ltmp121, $4  }
0x416: {  	s11 =	sadd.s32 $0x80, s11  }
0x417: {  	s10 =	sand.u32 $0x70, s14;
	s15 =	sand.u32 $0x1C00, s11  }
0x418: {  	s10 =	sor.u32 s10, s15  }
0x419: {  	s14 =	sadd.s32 $0x10, s14;
	[tilespmem:s10+$0x10080] =	vst v3  }
.LBB2_184:
0x41a: {  	p0 =	sgt.u32 s13, $0xFFFFFF  }
.Ltmp122:
0x41b: {  	_ = 	snop;
	(pc) =	sbr.rel @p0 .LBB2_187-.Ltmp122, $2  }
0x41c: {  	_ =	sdelay $0x2  }
0x41d: {  	s11 =	simm.s32 $0x0  }
0x41e: {  	s10 =	sand.u32 $0x70, s11;
	s13 =	sand.u32 $0x1C00, s11  }
0x41f: {  	s10 =	sor.u32 s10, s13  }
0x420: {  	s13 =	sadd.s32 $0x10, s11;
	[tilespmem:s10+$0x10100] =	vst v3  }
.LBB2_186:
0x421: {  	p0 =	sne.s32 s13, $0x3F0  }
.Ltmp123:
0x422: {  	_ = 	snop;
	(pc) =	sbr.rel @p0 .LBB2_186-.Ltmp123, $4  }
0x423: {  	s11 =	sadd.s32 $0x80, s11  }
0x424: {  	s10 =	sand.u32 $0x70, s13;
	s14 =	sand.u32 $0x1C00, s11  }
0x425: {  	s10 =	sor.u32 s10, s14  }
0x426: {  	s13 =	sadd.s32 $0x10, s13;
	[tilespmem:s10+$0x10100] =	vst v3  }
.LBB2_187:
0x427: {  	p0 =	sgt.u32 s12, $0xFFFFFF  }
.Ltmp124:
0x428: {  	_ = 	snop;
	(pc) =	sbr.rel @p0 .LBB2_190-.Ltmp124, $2  }
0x429: {  	_ =	sdelay $0x2  }
0x42a: {  	s11 =	simm.s32 $0x0  }
0x42b: {  	s10 =	sand.u32 $0x70, s11;
	s12 =	sand.u32 $0x1C00, s11  }
0x42c: {  	s10 =	sor.u32 s10, s12  }
0x42d: {  	s12 =	sadd.s32 $0x10, s11;
	[tilespmem:s10+$0x10180] =	vst v3  }
.LBB2_189:
0x42e: {  	p0 =	sne.s32 s12, $0x3F0  }
.Ltmp125:
0x42f: {  	_ = 	snop;
	(pc) =	sbr.rel @p0 .LBB2_189-.Ltmp125, $4  }
0x430: {  	s11 =	sadd.s32 $0x80, s11  }
0x431: {  	s10 =	sand.u32 $0x70, s12;
	s13 =	sand.u32 $0x1C00, s11  }
0x432: {  	s10 =	sor.u32 s10, s13  }
0x433: {  	s12 =	sadd.s32 $0x10, s12;
	[tilespmem:s10+$0x10180] =	vst v3  }
.LBB2_190:
0x434: {  	p0 =	sgt.u32 s1, $0xFFFFFF  }
.Ltmp126:
0x435: {  	_ = 	snop;
	(pc) =	sbr.rel @p0 .LBB2_193-.Ltmp126, $2  }
0x436: {  	_ =	sdelay $0x2  }
0x437: {  	s1 =	simm.s32 $0x0  }
0x438: {  	s10 =	sand.u32 $0x70, s1;
	s11 =	sand.u32 $0x1C00, s1  }
0x439: {  	s10 =	sor.u32 s10, s11  }
0x43a: {  	s11 =	sadd.s32 $0x10, s1;
	[tilespmem:s10+$0x10200] =	vst v3  }
.LBB2_192:
0x43b: {  	p0 =	sne.s32 s11, $0x3F0  }
.Ltmp127:
0x43c: {  	_ = 	snop;
	(pc) =	sbr.rel @p0 .LBB2_192-.Ltmp127, $4  }
0x43d: {  	s1 =	sadd.s32 $0x80, s1  }
0x43e: {  	s10 =	sand.u32 $0x70, s11;
	s12 =	sand.u32 $0x1C00, s1  }
0x43f: {  	s10 =	sor.u32 s10, s12  }
0x440: {  	s11 =	sadd.s32 $0x10, s11;
	[tilespmem:s10+$0x10200] =	vst v3  }
.LBB2_193:
0x441: {  	p0 =	sgt.u32 s0, $0xFFFFFF  }
.Ltmp128:
0x442: {  	_ = 	snop;
	(pc) =	sbr.rel @p0 .LBB2_196-.Ltmp128, $2  }
0x443: {  	_ =	sdelay $0x2  }
0x444: {  	s0 =	simm.s32 $0x0  }
0x445: {  	s1 =	sand.u32 $0x70, s0;
	s10 =	sand.u32 $0x1C00, s0  }
0x446: {  	s10 =	sor.u32 s1, s10  }
0x447: {  	s1 =	sadd.s32 $0x10, s0;
	[tilespmem:s10+$0x10280] =	vst v3  }
.LBB2_195:
0x448: {  	p0 =	sne.s32 s1, $0x3F0  }
.Ltmp129:
0x449: {  	_ = 	snop;
	(pc) =	sbr.rel @p0 .LBB2_195-.Ltmp129, $4  }
0x44a: {  	s0 =	sadd.s32 $0x80, s0  }
0x44b: {  	s10 =	sand.u32 $0x70, s1;
	s11 =	sand.u32 $0x1C00, s0  }
0x44c: {  	s10 =	sor.u32 s10, s11  }
0x44d: {  	s1 =	sadd.s32 $0x10, s1;
	[tilespmem:s10+$0x10280] =	vst v3  }
.LBB2_196:
0x44e: {  	p0 =	sgt.u32 s31, $0xFFFFFF  }
.Ltmp130:
0x44f: {  	_ = 	snop;
	(pc) =	sbr.rel @p0 .LBB2_199-.Ltmp130, $2  }
0x450: {  	_ =	sdelay $0x2  }
0x451: {  	s0 =	simm.s32 $0x0  }
0x452: {  	s1 =	sand.u32 $0x70, s0;
	s10 =	sand.u32 $0x1C00, s0  }
0x453: {  	s10 =	sor.u32 s1, s10  }
0x454: {  	s1 =	sadd.s32 $0x10, s0;
	[tilespmem:s10+$0x10300] =	vst v3  }
.LBB2_198:
0x455: {  	p0 =	sne.s32 s1, $0x3F0  }
.Ltmp131:
0x456: {  	_ = 	snop;
	(pc) =	sbr.rel @p0 .LBB2_198-.Ltmp131, $4  }
0x457: {  	s0 =	sadd.s32 $0x80, s0  }
0x458: {  	s10 =	sand.u32 $0x70, s1;
	s11 =	sand.u32 $0x1C00, s0  }
0x459: {  	s10 =	sor.u32 s10, s11  }
0x45a: {  	s1 =	sadd.s32 $0x10, s1;
	[tilespmem:s10+$0x10300] =	vst v3  }
.LBB2_199:
0x45b: {  	p0 =	sgt.u32 s30, $0xFFFFFF  }
.Ltmp132:
0x45c: {  	_ = 	snop;
	(pc) =	sbr.rel @p0 .LBB2_202-.Ltmp132, $2  }
0x45d: {  	_ =	sdelay $0x2  }
0x45e: {  	s0 =	simm.s32 $0x0  }
0x45f: {  	s1 =	sand.u32 $0x70, s0;
	s10 =	sand.u32 $0x1C00, s0  }
0x460: {  	s10 =	sor.u32 s1, s10  }
0x461: {  	s1 =	sadd.s32 $0x10, s0;
	[tilespmem:s10+$0x10380] =	vst v3  }
.LBB2_201:
0x462: {  	p0 =	sne.s32 s1, $0x3F0  }
.Ltmp133:
0x463: {  	_ = 	snop;
	(pc) =	sbr.rel @p0 .LBB2_201-.Ltmp133, $4  }
0x464: {  	s0 =	sadd.s32 $0x80, s0  }
0x465: {  	s10 =	sand.u32 $0x70, s1;
	s11 =	sand.u32 $0x1C00, s0  }
0x466: {  	s10 =	sor.u32 s10, s11  }
0x467: {  	s1 =	sadd.s32 $0x10, s1;
	[tilespmem:s10+$0x10380] =	vst v3  }
.LBB2_202:
.Ltmp134:
0x468: {  	(pc) =	sbr.rel @p1 .LBB2_204-.Ltmp134, $4  }
0x469: {  	s0 =	rddreg [dreg:$0x7]  }
0x46a: {  	s0 =	sshll.u32 s0, $0xB  }
0x46b: {  	s1 =	simm.s32 $0xE000;
	s0 =	sadd.s32 s0, s8  }
0x46c: {  	[hbm4b:s0+s3] =	stream.linear.scatter [tilespmem:s1], [sflag:$0x8], $0x4000, $0x38;
	[tilespmem:$0x12000] =	vst v63  }
0x46d: {  	s0 =	simm.s32 $0x7  }
0x46e: {  	_ =	swait.ge [sflag:s0], $0x4000  }
0x46f: {  	[sflag:s0] =	ssyncset.done $0x0  }
0x470: {  	[sflag:s0] =	ssyncadd.s32 $0xFFFFC000  }
0x471: {  	v4 =	vld [tilespmem:s9+$0x300];
	_ =	sdelay $0x4  }
0x472: {  	v5 =	vshll.u32 v4, $0x3  }
0x473: {  	v4 =	vand.u32 $0x7, v4;
	v5 =	vand.u32 $0xFFFFFFC0, v5  }
0x474: {  	v4 =	vor.u32 v4, v5  }
0x475: {  	v5 =	vperm.xlane v4, v0;
	_ =	sdelay $0x1  }
0x476: {  	v5 =	vadd.s32 v1, v5;
	_ =	sdelay $0x4  }
0x477: {  	[tilespmem:s25], [sflag:$0x3] =	stream.indirect_vreg.gather [hbm4b:s2+s3], $0x80, v5, vm0, $0xb8;
	[tilespmem:$0x12000] =	vst v63  }
0x478: {  	s24 =	simm.s32 $0xA800;
	v4 =	vperm.xlane v4, v2  }
0x479: {  	[tilespmem:s24], [sflag:$0x3] =	stream.indirect_vreg.gather [hbm4b:s5+s3], $0x80, v5, vm0, $0xb8;
	[tilespmem:$0x12000] =	vst v63  }
0x47a: {  	v4 =	vadd.s32 v1, v4;
	s25 =	simm.s32 $0xB000  }
0x47b: {  	[tilespmem:s25], [sflag:$0x3] =	stream.indirect_vreg.gather [hbm4b:s6+s3], $0x80, v5, vm0, $0xb8;
	[tilespmem:$0x12000] =	vst v63  }
0x47c: {  	s26 =	simm.s32 $0xB800  }
0x47d: {  	[tilespmem:s26], [sflag:$0x3] =	stream.indirect_vreg.gather [hbm4b:s7+s3], $0x80, v5, vm0, $0xb8;
	[tilespmem:$0x12000] =	vst v63  }
0x47e: {  	s28 =	simm.s32 $0xC000  }
0x47f: {  	[tilespmem:s28], [sflag:$0x3] =	stream.indirect_vreg.gather [hbm4b:s2+s3], $0x80, v4, vm0, $0xb8;
	[tilespmem:$0x12000] =	vst v63  }
0x480: {  	s29 =	simm.s32 $0xC800  }
0x481: {  	[tilespmem:s29], [sflag:$0x3] =	stream.indirect_vreg.gather [hbm4b:s5+s3], $0x80, v4, vm0, $0xb8;
	[tilespmem:$0x12000] =	vst v63  }
.Ltmp135:
0x482: {  	_ = 	snop;
	(pc) =	sbr.rel .LBB2_2-.Ltmp135, $4  }
0x483: {  	s30 =	simm.s32 $0xD000  }
0x484: {  	[tilespmem:s30], [sflag:$0x3] =	stream.indirect_vreg.gather [hbm4b:s6+s3], $0x80, v4, vm0, $0xb8;
	[tilespmem:$0x12000] =	vst v63  }
0x485: {  	s31 =	simm.s32 $0xD800;
	s4 =	sadd.s32 $0x1, s4  }
0x486: {  	[tilespmem:s31], [sflag:$0x3] =	stream.indirect_vreg.gather [hbm4b:s7+s3], $0x80, v4, vm0, $0xb8;
	[tilespmem:$0x12000] =	vst v63  }
.LBB2_205:
0x487: {  	_ =	sfence.sel $0x180000  }
0x488: {  	[bflag:$0x0] =	sbarrier.arrive $0xFFFF  }
0x489: {  	_ =	strace $0x90000047  }
0x48a: {  	s0 =	stileid.u32;
	[bflag:$0x2] =	sbarrier.arrive $0xFFFF  }
0x48b: {  	p0 =	sne.s32 s0, $0x0;
	s0 =	rddreg [dreg:$0x3]  }
0x48c: {  	s0 =	sadd.s32 @!p0 $0x100000, s0  }
0x48d: {  	[sflag:s0] =	ssyncadd.tile.s32 @!p0 $0x1;
	_ =	shalt  }
.Lfunc_end2:
_tile_overlayer_lowered:
.L_overlay_start_2:
0x48e: {  	(tag) =	ssettag $0x2  }
0x48f: {  	s0 =	rddreg [dreg:$0x0];
	s2 =	stileid.u32  }
0x490: {  	s1 =	rddreg [dreg:$0x1];
	p0 =	sne.s32 s2, $0x0  }
0x491: {  	s3 =	rddreg [dreg:$0x2];
	[bflag:$0x3] =	sbarrier.arrive $0xFFFF;
	s2 =	simm.s32 @!p0 $0x1C09  }
0x492: {  	[timem:s3], [sflag:s2] =	dma.local @!p0 [hbm:s0], s1  }
0x493: {  	s0 =	simm.s32 @!p0 $0x9  }
0x494: {  	_ =	swait.ge @!p0 [sflag:s0], s1  }
0x495: {  	s1 =	ssub.s32 @!p0 $0x0, s1;
	[sflag:s0] =	ssyncset.done @!p0 $0x0  }
0x496: {  	[sflag:s0] =	ssyncadd.s32 @!p0 s1  }
0x497: {  	[bflag:$0x3] =	sbarrier.arrive $0xFFFF  }
0x498: {  	_ =	shalt  }

</sc_bundles>
